<compile_context>
chip_gen: v7x
topology: tpu7x:2x2x1
jax: 0.10.2.dev20260603
libtpu: 0.0.44.dev20260713+nightly
codegen_flags: <defaults>
</compile_context>

<pallas_src>
import functools

import jax
import jax.numpy as jnp
from jax import lax
from jax.experimental import pallas as pl
from jax.experimental.pallas import tpu as pltpu
from jax.experimental.pallas import tpu_sc as plsc

VOCAB = 1000000
DIM = 64
B = 16384
L = 50
EPS = 1e-12

NC = 2
NS = 16
NW = NC * NS
TOTAL = B * L
PER_W = TOTAL // NW
CHUNK = 256
NCHUNK = PER_W // CHUNK
NBUF = 4
DEPTH = NBUF // 2
SEG = DIM // 16


def _rsqrt(x):
    i = plsc.bitcast(x, jnp.int32)
    i = jnp.full((16,), 0x5F3759DF, jnp.int32) - lax.shift_right_arithmetic(
        i, jnp.full((16,), 1, jnp.int32))
    y = plsc.bitcast(i, jnp.float32)
    half = x * 0.5
    for _ in range(3):
        y = y * (1.5 - half * y * y)
    return y


def _ln_chunk(buf, g_v, b_v):
    g = [g_v[pl.ds(k * 16, 16)] for k in range(SEG)]
    b = [b_v[pl.ds(k * 16, 16)] for k in range(SEG)]

    @plsc.parallel_loop(0, CHUNK, 1, unroll=4)
    def row(i):
        r = buf.at[i]
        v = [r[pl.ds(k * 16, 16)] for k in range(SEG)]
        t = (v[0] + v[1]) + (v[2] + v[3])
        q = (v[0] * v[0] + v[1] * v[1]) + (v[2] * v[2] + v[3] * v[3])
        ssum = jnp.sum(t)
        qsum = jnp.sum(q)
        mean = jnp.full((16,), ssum, jnp.float32) * (1.0 / DIM)
        var = (jnp.full((16,), qsum, jnp.float32) * (1.0 / DIM)
               - mean * mean + EPS)
        rstd = _rsqrt(var)
        for k in range(SEG):
            r[pl.ds(k * 16, 16)] = (v[k] - mean) * rstd * g[k] + b[k]


def _body(ids_hbm, table_hbm, g_hbm, b_hbm, out_hbm,
          idx_v, rows_v, g_v, b_v, gsems, osems):
    cid = lax.axis_index("c")
    sid = lax.axis_index("s")
    wid = sid * NC + cid
    base = wid * NCHUNK

    pltpu.sync_copy(ids_hbm.at[wid], idx_v)
    pltpu.sync_copy(g_hbm, g_v)
    pltpu.sync_copy(b_hbm, b_v)

    def gather_desc(c, r):
        return pltpu.make_async_copy(
            table_hbm.at[idx_v.at[c]], rows_v.at[r], gsems[r])

    def out_desc(c, r):
        return pltpu.make_async_copy(
            rows_v.at[r], out_hbm.at[base + c], osems[r])

    for d in range(DEPTH):
        gather_desc(d, d).start()

    def outer(c4, carry):
        for k in range(NBUF):
            c = c4 * NBUF + k
            r = k
            rn = (k + DEPTH) % NBUF

            def prefetch():
                @pl.when(c >= DEPTH)
                def _():
                    out_desc(c - DEPTH, rn).wait()
                gather_desc(c + DEPTH, rn).start()

            if k < NBUF - DEPTH:
                prefetch()
            else:
                @pl.when(c4 <= NCHUNK // NBUF - 2)
                def _():
                    prefetch()

            gather_desc(c, r).wait()
            _ln_chunk(rows_v.at[r], g_v, b_v)
            out_desc(c, r).start()
        return carry

    lax.fori_loop(0, NCHUNK // NBUF, outer, 0)

    for k in range(NBUF):
        c = NCHUNK - NBUF + k
        out_desc(c, k % NBUF).wait()


def kernel(input_ids, table, gamma, beta):
    ids3 = input_ids.reshape(NW, NCHUNK, CHUNK).astype(jnp.int32)

    mesh = plsc.VectorSubcoreMesh(core_axis_name="c", subcore_axis_name="s")
    run = pl.kernel(
        _body,
        out_type=jax.ShapeDtypeStruct((NW * NCHUNK, CHUNK, DIM),
                                      jnp.float32),
        mesh=mesh,
        compiler_params=pltpu.CompilerParams(
            needs_layout_passes=False, use_tc_tiling_on_sc=False),
        scratch_types=[
            pltpu.VMEM((NCHUNK, CHUNK), jnp.int32),
            pltpu.VMEM((NBUF, CHUNK, DIM), jnp.float32),
            pltpu.VMEM((DIM,), jnp.float32),
            pltpu.VMEM((DIM,), jnp.float32),
            [pltpu.SemaphoreType.DMA] * NBUF,
            [pltpu.SemaphoreType.DMA] * NBUF,
        ],
    )
    out = run(ids3, table, gamma, beta)
    return out.reshape(B, L, DIM)

# --- scband reference (transcript-rebuilt; emitter-appended) ---
"""Pipeline reference for scband-basic-former-embedding-46531675685411 (READ-ONLY COPY).

The authoritative reference and input builder live on the scoring server;
editing this copy changes nothing except your own understanding.
"""

import jax, jax.numpy as jnp
import numpy as np

VOCAB = 1000000
DIM = 64
B = 16384
L = 50
EPS = 1e-12

def setup_inputs(seed: int = 0) -> dict:
    key = jax.random.key(seed)
    k1, k2 = jax.random.split(key)
    input_ids = jax.random.randint(k1, (B, L), 0, VOCAB, dtype=jnp.int64) if jax.config.jax_enable_x64 else jax.random.randint(k1, (B, L), 0, VOCAB, dtype=jnp.int32)
    table = jax.random.normal(k2, (VOCAB, DIM), dtype=jnp.float32) * 0.02
    gamma = jnp.ones((DIM,), dtype=jnp.float32)
    beta = jnp.zeros((DIM,), dtype=jnp.float32)
    return {"input_ids": input_ids, "table": table, "gamma": gamma, "beta": beta}

def _layernorm(x, gamma, beta, eps):
    mean = jnp.mean(x, axis=-1, keepdims=True)
    var = jnp.mean(jnp.square(x - mean), axis=-1, keepdims=True)
    xhat = (x - mean) / jnp.sqrt(var + eps)
    return xhat * gamma + beta

def reference(input_ids, table, gamma, beta):
    # embedding lookup (gather)
    x = jnp.take(table, input_ids, axis=0)
    # projection is Identity since embedding_size == hidden_size
    # LayerNorm
    x = _layernorm(x, gamma, beta, EPS)
    # dropout p=0.0 / eval mode -> identity
    return x

if __name__ == "__main__":
    import jax
    _d = setup_inputs()
    print(jax.jit(kernel)(*tuple(_d.values())))

</pallas_src>

<mosaic_0001>
#map = affine_map<(d0, d1) -> (0, 0, 0)>
#map1 = affine_map<(d0, d1) -> (0, 0)>
#map2 = affine_map<(d0, d1) -> (0)>
module attributes {stable_mosaic.version = 14 : i64} {
  func.func @_body(%arg0: i32, %arg1: i32, %arg2: memref<32x100x256xi32, #tpu.memory_space<hbm>>, %arg3: memref<1000000x64xf32, #tpu.memory_space<hbm>>, %arg4: memref<64xf32, #tpu.memory_space<hbm>>, %arg5: memref<64xf32, #tpu.memory_space<hbm>>, %arg6: memref<3200x256x64xf32, #tpu.memory_space<hbm>>, %arg7: memref<100x256xi32, #tpu.memory_space<vmem>>, %arg8: memref<4x256x64xf32, #tpu.memory_space<vmem>>, %arg9: memref<64xf32, #tpu.memory_space<vmem>>, %arg10: memref<64xf32, #tpu.memory_space<vmem>>, %arg11: memref<!tpu.dma_semaphore, #tpu.memory_space<semaphore_mem>>, %arg12: memref<!tpu.dma_semaphore, #tpu.memory_space<semaphore_mem>>, %arg13: memref<!tpu.dma_semaphore, #tpu.memory_space<semaphore_mem>>, %arg14: memref<!tpu.dma_semaphore, #tpu.memory_space<semaphore_mem>>, %arg15: memref<!tpu.dma_semaphore, #tpu.memory_space<semaphore_mem>>, %arg16: memref<!tpu.dma_semaphore, #tpu.memory_space<semaphore_mem>>, %arg17: memref<!tpu.dma_semaphore, #tpu.memory_space<semaphore_mem>>, %arg18: memref<!tpu.dma_semaphore, #tpu.memory_space<semaphore_mem>>) attributes {dimension_semantics = [#tpu.dimension_semantics<core_parallel>, #tpu.dimension_semantics<subcore_parallel>], iteration_bounds = array<i64: 2, 16>, scalar_prefetch = 0 : i64, scratch_operands = 12 : i64, tpu.core_type = #tpu.core_type<sc_vector_subcore>, window_params = [{transform_indices = #map}, {transform_indices = #map1}, {transform_indices = #map2}, {transform_indices = #map2}, {transform_indices = #map}]} {
    %mul3A = arith.constant 2 : i32
    %mul3A_0 = arith.muli %arg1, %mul3A : i32
    %add3A = arith.addi %mul3A_0, %arg0 : i32
    %mul3A_1 = arith.constant 100 : i32
    %mul3A_2 = arith.muli %add3A, %mul3A_1 : i32
    "tpu.region"() ({
      %run_scoped3A = tpu.sem_alloc : memref<!tpu.dma_semaphore, #tpu.memory_space<semaphore_mem>>
      %dma_start3A_106 = arith.constant 0 : i32
      %dma_start3A_107 = arith.constant 0 : i32
      %dma_start3A_108 = tpu.memref_slice %arg2[%add3A, %dma_start3A_106, %dma_start3A_107] : memref<32x100x256xi32, #tpu.memory_space<hbm>> -> memref<1x100x256xi32, #tpu.memory_space<hbm>>
      %dma_start3A_109 = tpu.memref_squeeze %dma_start3A_108 : memref<1x100x256xi32, #tpu.memory_space<hbm>> -> memref<100x256xi32, #tpu.memory_space<hbm>>
      %dma_start3A_110 = arith.constant 0 : i32
      %dma_start3A_111 = arith.constant 0 : i32
      %dma_start3A_112 = tpu.memref_slice %arg2[%add3A, %dma_start3A_110, %dma_start3A_111] : memref<32x100x256xi32, #tpu.memory_space<hbm>> -> memref<1x100x256xi32, #tpu.memory_space<hbm>>
      %dma_start3A_113 = tpu.memref_squeeze %dma_start3A_112 : memref<1x100x256xi32, #tpu.memory_space<hbm>> -> memref<100x256xi32, #tpu.memory_space<hbm>>
      tpu.enqueue_dma source(%dma_start3A_113 : memref<100x256xi32, #tpu.memory_space<hbm>>) target(%arg7 : memref<100x256xi32, #tpu.memory_space<vmem>>) target_semaphore(%run_scoped3A : memref<!tpu.dma_semaphore, #tpu.memory_space<semaphore_mem>>)
      %dma_wait3A_114 = arith.constant 0 : i32
      %dma_wait3A_115 = arith.constant 0 : i32
      %dma_wait3A_116 = tpu.memref_slice %arg2[%add3A, %dma_wait3A_114, %dma_wait3A_115] : memref<32x100x256xi32, #tpu.memory_space<hbm>> -> memref<1x100x256xi32, #tpu.memory_space<hbm>>
      %dma_wait3A_117 = tpu.memref_squeeze %dma_wait3A_116 : memref<1x100x256xi32, #tpu.memory_space<hbm>> -> memref<100x256xi32, #tpu.memory_space<hbm>>
      %dma_wait3A_118 = arith.constant 0 : i32
      %dma_wait3A_119 = arith.constant 0 : i32
      %dma_wait3A_120 = tpu.memref_slice %arg2[%add3A, %dma_wait3A_118, %dma_wait3A_119] : memref<32x100x256xi32, #tpu.memory_space<hbm>> -> memref<1x100x256xi32, #tpu.memory_space<hbm>>
      %dma_wait3A_121 = tpu.memref_squeeze %dma_wait3A_120 : memref<1x100x256xi32, #tpu.memory_space<hbm>> -> memref<100x256xi32, #tpu.memory_space<hbm>>
      tpu.wait_dma2 semaphore(%run_scoped3A : memref<!tpu.dma_semaphore, #tpu.memory_space<semaphore_mem>>) src(%dma_wait3A_121 : memref<100x256xi32, #tpu.memory_space<hbm>>) dst(%arg7 : memref<100x256xi32, #tpu.memory_space<vmem>>)
      tpu.yield
    }) : () -> ()
    "tpu.region"() ({
      %run_scoped3A = tpu.sem_alloc : memref<!tpu.dma_semaphore, #tpu.memory_space<semaphore_mem>>
      tpu.enqueue_dma source(%arg4 : memref<64xf32, #tpu.memory_space<hbm>>) target(%arg9 : memref<64xf32, #tpu.memory_space<vmem>>) target_semaphore(%run_scoped3A : memref<!tpu.dma_semaphore, #tpu.memory_space<semaphore_mem>>)
      tpu.wait_dma2 semaphore(%run_scoped3A : memref<!tpu.dma_semaphore, #tpu.memory_space<semaphore_mem>>) src(%arg4 : memref<64xf32, #tpu.memory_space<hbm>>) dst(%arg9 : memref<64xf32, #tpu.memory_space<vmem>>)
      tpu.yield
    }) : () -> ()
    "tpu.region"() ({
      %run_scoped3A = tpu.sem_alloc : memref<!tpu.dma_semaphore, #tpu.memory_space<semaphore_mem>>
      tpu.enqueue_dma source(%arg5 : memref<64xf32, #tpu.memory_space<hbm>>) target(%arg10 : memref<64xf32, #tpu.memory_space<vmem>>) target_semaphore(%run_scoped3A : memref<!tpu.dma_semaphore, #tpu.memory_space<semaphore_mem>>)
      tpu.wait_dma2 semaphore(%run_scoped3A : memref<!tpu.dma_semaphore, #tpu.memory_space<semaphore_mem>>) src(%arg5 : memref<64xf32, #tpu.memory_space<hbm>>) dst(%arg10 : memref<64xf32, #tpu.memory_space<vmem>>)
      tpu.yield
    }) : () -> ()
    %dma_start3A = arith.constant 0 : i32
    %dma_start3A_3 = arith.constant 0 : i32
    %dma_start3A_4 = arith.constant 0 : i32
    %dma_start3A_5 = arith.constant 0 : i32
    %dma_start3A_6 = tpu.memref_slice %arg8[%dma_start3A_3, %dma_start3A_4, %dma_start3A_5] : memref<4x256x64xf32, #tpu.memory_space<vmem>> -> memref<1x256x64xf32, #tpu.memory_space<vmem>>
    %dma_start3A_7 = tpu.memref_squeeze %dma_start3A_6 : memref<1x256x64xf32, #tpu.memory_space<vmem>> -> memref<256x64xf32, #tpu.memory_space<vmem>>
    %dma_start3A_8 = arith.constant 0 : i32
    %dma_start3A_9 = tpu.memref_slice %arg7[%dma_start3A, %dma_start3A_8] : memref<100x256xi32, #tpu.memory_space<vmem>> -> memref<1x256xi32, #tpu.memory_space<vmem>>
    %dma_start3A_10 = tpu.memref_squeeze %dma_start3A_9 : memref<1x256xi32, #tpu.memory_space<vmem>> -> memref<256xi32, #tpu.memory_space<vmem>>
    %dma_start3A_11 = arith.constant 0 : i32
    %dma_start3A_12 = arith.constant 0 : i32
    %dma_start3A_13 = tpu.memref_slice %arg3[%dma_start3A_11, %dma_start3A_12] : memref<1000000x64xf32, #tpu.memory_space<hbm>> -> memref<1000000x64xf32, #tpu.memory_space<hbm>>
    tpu.enqueue_indirect_dma source(%dma_start3A_13 : memref<1000000x64xf32, #tpu.memory_space<hbm>>) target(%dma_start3A_7 : memref<256x64xf32, #tpu.memory_space<vmem>>) offsets(%dma_start3A_10 : memref<256xi32, #tpu.memory_space<vmem>>) semaphore(%arg11 : memref<!tpu.dma_semaphore, #tpu.memory_space<semaphore_mem>>)
    %dma_start3A_14 = arith.constant 1 : i32
    %dma_start3A_15 = arith.constant 1 : i32
    %dma_start3A_16 = arith.constant 0 : i32
    %dma_start3A_17 = arith.constant 0 : i32
    %dma_start3A_18 = tpu.memref_slice %arg8[%dma_start3A_15, %dma_start3A_16, %dma_start3A_17] : memref<4x256x64xf32, #tpu.memory_space<vmem>> -> memref<1x256x64xf32, #tpu.memory_space<vmem>>
    %dma_start3A_19 = tpu.memref_squeeze %dma_start3A_18 : memref<1x256x64xf32, #tpu.memory_space<vmem>> -> memref<256x64xf32, #tpu.memory_space<vmem>>
    %dma_start3A_20 = arith.constant 0 : i32
    %dma_start3A_21 = tpu.memref_slice %arg7[%dma_start3A_14, %dma_start3A_20] : memref<100x256xi32, #tpu.memory_space<vmem>> -> memref<1x256xi32, #tpu.memory_space<vmem>>
    %dma_start3A_22 = tpu.memref_squeeze %dma_start3A_21 : memref<1x256xi32, #tpu.memory_space<vmem>> -> memref<256xi32, #tpu.memory_space<vmem>>
    %dma_start3A_23 = arith.constant 0 : i32
    %dma_start3A_24 = arith.constant 0 : i32
    %dma_start3A_25 = tpu.memref_slice %arg3[%dma_start3A_23, %dma_start3A_24] : memref<1000000x64xf32, #tpu.memory_space<hbm>> -> memref<1000000x64xf32, #tpu.memory_space<hbm>>
    tpu.enqueue_indirect_dma source(%dma_start3A_25 : memref<1000000x64xf32, #tpu.memory_space<hbm>>) target(%dma_start3A_19 : memref<256x64xf32, #tpu.memory_space<vmem>>) offsets(%dma_start3A_22 : memref<256xi32, #tpu.memory_space<vmem>>) semaphore(%arg12 : memref<!tpu.dma_semaphore, #tpu.memory_space<semaphore_mem>>)
    %scan3A = arith.constant 0 : i32
    %scan3A_26 = arith.constant 0 : i32
    %scan3A_27 = arith.constant 25 : i32
    %scan3A_28 = arith.addi %scan3A_26, %scan3A_27 : i32
    %scan3A_29 = arith.constant 1 : i32
    scf.for %scan3A_106 = %scan3A_26 to %scan3A_28 step %scan3A_29  : i32 {
      %mul3A_107 = arith.constant 4 : i32
      %mul3A_108 = arith.muli %scan3A_106, %mul3A_107 : i32
      %add3A_109 = arith.constant 0 : i32
      %add3A_110 = arith.addi %mul3A_108, %add3A_109 : i32
      %ge3A = arith.constant 2 : i32
      %ge3A_111 = arith.cmpi sge, %add3A_110, %ge3A : i32
      %convert_element_type3A = arith.extui %ge3A_111 : i1 to i32
      %cond3A = arith.constant 0 : i32
      %cond3A_112 = arith.cmpi ne, %convert_element_type3A, %cond3A : i32
      scf.if %cond3A_112 {
        %sub3A = arith.constant 2 : i32
        %sub3A_359 = arith.subi %add3A_110, %sub3A : i32
        %add3A_360 = arith.addi %mul3A_2, %sub3A_359 : i32
        %dma_wait3A_361 = arith.constant 2 : i32
        %dma_wait3A_362 = arith.constant 0 : i32
        %dma_wait3A_363 = arith.constant 0 : i32
        %dma_wait3A_364 = tpu.memref_slice %arg8[%dma_wait3A_361, %dma_wait3A_362, %dma_wait3A_363] : memref<4x256x64xf32, #tpu.memory_space<vmem>> -> memref<1x256x64xf32, #tpu.memory_space<vmem>>
        %dma_wait3A_365 = tpu.memref_squeeze %dma_wait3A_364 : memref<1x256x64xf32, #tpu.memory_space<vmem>> -> memref<256x64xf32, #tpu.memory_space<vmem>>
        %dma_wait3A_366 = arith.constant 0 : i32
        %dma_wait3A_367 = arith.constant 0 : i32
        %dma_wait3A_368 = tpu.memref_slice %arg6[%add3A_360, %dma_wait3A_366, %dma_wait3A_367] : memref<3200x256x64xf32, #tpu.memory_space<hbm>> -> memref<1x256x64xf32, #tpu.memory_space<hbm>>
        %dma_wait3A_369 = tpu.memref_squeeze %dma_wait3A_368 : memref<1x256x64xf32, #tpu.memory_space<hbm>> -> memref<256x64xf32, #tpu.memory_space<hbm>>
        %dma_wait3A_370 = arith.constant 0 : i32
        %dma_wait3A_371 = arith.constant 0 : i32
        %dma_wait3A_372 = tpu.memref_slice %arg6[%add3A_360, %dma_wait3A_370, %dma_wait3A_371] : memref<3200x256x64xf32, #tpu.memory_space<hbm>> -> memref<1x256x64xf32, #tpu.memory_space<hbm>>
        %dma_wait3A_373 = tpu.memref_squeeze %dma_wait3A_372 : memref<1x256x64xf32, #tpu.memory_space<hbm>> -> memref<256x64xf32, #tpu.memory_space<hbm>>
        %dma_wait3A_374 = arith.constant 0 : i32
        %dma_wait3A_375 = arith.constant 0 : i32
        %dma_wait3A_376 = tpu.memref_slice %arg8[%dma_wait3A_361, %dma_wait3A_374, %dma_wait3A_375] : memref<4x256x64xf32, #tpu.memory_space<vmem>> -> memref<1x256x64xf32, #tpu.memory_space<vmem>>
        %dma_wait3A_377 = tpu.memref_squeeze %dma_wait3A_376 : memref<1x256x64xf32, #tpu.memory_space<vmem>> -> memref<256x64xf32, #tpu.memory_space<vmem>>
        tpu.wait_dma2 semaphore(%arg17 : memref<!tpu.dma_semaphore, #tpu.memory_space<semaphore_mem>>) src(%dma_wait3A_377 : memref<256x64xf32, #tpu.memory_space<vmem>>) dst(%dma_wait3A_373 : memref<256x64xf32, #tpu.memory_space<hbm>>)
      } else {
      }
      %add3A_113 = arith.constant 2 : i32
      %add3A_114 = arith.addi %add3A_110, %add3A_113 : i32
      %dma_start3A_115 = arith.constant 2 : i32
      %dma_start3A_116 = arith.constant 0 : i32
      %dma_start3A_117 = arith.constant 0 : i32
      %dma_start3A_118 = tpu.memref_slice %arg8[%dma_start3A_115, %dma_start3A_116, %dma_start3A_117] : memref<4x256x64xf32, #tpu.memory_space<vmem>> -> memref<1x256x64xf32, #tpu.memory_space<vmem>>
      %dma_start3A_119 = tpu.memref_squeeze %dma_start3A_118 : memref<1x256x64xf32, #tpu.memory_space<vmem>> -> memref<256x64xf32, #tpu.memory_space<vmem>>
      %dma_start3A_120 = arith.constant 0 : i32
      %dma_start3A_121 = tpu.memref_slice %arg7[%add3A_114, %dma_start3A_120] : memref<100x256xi32, #tpu.memory_space<vmem>> -> memref<1x256xi32, #tpu.memory_space<vmem>>
      %dma_start3A_122 = tpu.memref_squeeze %dma_start3A_121 : memref<1x256xi32, #tpu.memory_space<vmem>> -> memref<256xi32, #tpu.memory_space<vmem>>
      %dma_start3A_123 = arith.constant 0 : i32
      %dma_start3A_124 = arith.constant 0 : i32
      %dma_start3A_125 = tpu.memref_slice %arg3[%dma_start3A_123, %dma_start3A_124] : memref<1000000x64xf32, #tpu.memory_space<hbm>> -> memref<1000000x64xf32, #tpu.memory_space<hbm>>
      tpu.enqueue_indirect_dma source(%dma_start3A_125 : memref<1000000x64xf32, #tpu.memory_space<hbm>>) target(%dma_start3A_119 : memref<256x64xf32, #tpu.memory_space<vmem>>) offsets(%dma_start3A_122 : memref<256xi32, #tpu.memory_space<vmem>>) semaphore(%arg13 : memref<!tpu.dma_semaphore, #tpu.memory_space<semaphore_mem>>)
      %dma_wait3A_126 = arith.constant 0 : i32
      %dma_wait3A_127 = arith.constant 0 : i32
      %dma_wait3A_128 = arith.constant 0 : i32
      %dma_wait3A_129 = tpu.memref_slice %arg8[%dma_wait3A_126, %dma_wait3A_127, %dma_wait3A_128] : memref<4x256x64xf32, #tpu.memory_space<vmem>> -> memref<1x256x64xf32, #tpu.memory_space<vmem>>
      %dma_wait3A_130 = tpu.memref_squeeze %dma_wait3A_129 : memref<1x256x64xf32, #tpu.memory_space<vmem>> -> memref<256x64xf32, #tpu.memory_space<vmem>>
      %dma_wait3A_131 = arith.constant 0 : i32
      %dma_wait3A_132 = tpu.memref_slice %arg7[%add3A_110, %dma_wait3A_131] : memref<100x256xi32, #tpu.memory_space<vmem>> -> memref<1x256xi32, #tpu.memory_space<vmem>>
      %dma_wait3A_133 = tpu.memref_squeeze %dma_wait3A_132 : memref<1x256xi32, #tpu.memory_space<vmem>> -> memref<256xi32, #tpu.memory_space<vmem>>
      %dma_wait3A_134 = arith.constant 0 : i32
      %dma_wait3A_135 = arith.constant 0 : i32
      %dma_wait3A_136 = tpu.memref_slice %arg3[%dma_wait3A_134, %dma_wait3A_135] : memref<1000000x64xf32, #tpu.memory_space<hbm>> -> memref<1000000x64xf32, #tpu.memory_space<hbm>>
      tpu.wait_indirect_dma semaphore(%arg11 : memref<!tpu.dma_semaphore, #tpu.memory_space<semaphore_mem>>) src(%dma_wait3A_136 : memref<1000000x64xf32, #tpu.memory_space<hbm>>) dst(%dma_wait3A_130 : memref<256x64xf32, #tpu.memory_space<vmem>>)
      %get3A = arith.constant 0 : index
      %get3A_137 = tpu.vector_load %arg9[%get3A] {strides = array<i32>} : memref<64xf32, #tpu.memory_space<vmem>>, vector<16xf32>,
      %get3A_138 = arith.constant 16 : index
      %get3A_139 = tpu.vector_load %arg9[%get3A_138] {strides = array<i32>} : memref<64xf32, #tpu.memory_space<vmem>>, vector<16xf32>,
      %get3A_140 = arith.constant 32 : index
      %get3A_141 = tpu.vector_load %arg9[%get3A_140] {strides = array<i32>} : memref<64xf32, #tpu.memory_space<vmem>>, vector<16xf32>,
      %get3A_142 = arith.constant 48 : index
      %get3A_143 = tpu.vector_load %arg9[%get3A_142] {strides = array<i32>} : memref<64xf32, #tpu.memory_space<vmem>>, vector<16xf32>,
      %get3A_144 = arith.constant 0 : index
      %get3A_145 = tpu.vector_load %arg10[%get3A_144] {strides = array<i32>} : memref<64xf32, #tpu.memory_space<vmem>>, vector<16xf32>,
      %get3A_146 = arith.constant 16 : index
      %get3A_147 = tpu.vector_load %arg10[%get3A_146] {strides = array<i32>} : memref<64xf32, #tpu.memory_space<vmem>>, vector<16xf32>,
      %get3A_148 = arith.constant 32 : index
      %get3A_149 = tpu.vector_load %arg10[%get3A_148] {strides = array<i32>} : memref<64xf32, #tpu.memory_space<vmem>>, vector<16xf32>,
      %get3A_150 = arith.constant 48 : index
      %get3A_151 = tpu.vector_load %arg10[%get3A_150] {strides = array<i32>} : memref<64xf32, #tpu.memory_space<vmem>>, vector<16xf32>,
      %parallel_loop3A = arith.constant 0 : i32
      %parallel_loop3A_152 = arith.constant 256 : i32
      %parallel_loop3A_153 = arith.constant 1 : i32
      %parallel_loop3A_154 = arith.constant 0 : i32
      scf.for %parallel_loop3A_359 = %parallel_loop3A to %parallel_loop3A_152 step %parallel_loop3A_153  : i32 {
        %parallel_loop3A_360 = arith.constant 0 : i32
        %parallel_loop3A_361 = arith.constant 0 : i32
        %parallel_loop3A_362 = tpu.memref_slice %arg8[%parallel_loop3A_154, %parallel_loop3A_360, %parallel_loop3A_361] : memref<4x256x64xf32, #tpu.memory_space<vmem>> -> memref<1x256x64xf32, #tpu.memory_space<vmem>>
        %parallel_loop3A_363 = tpu.memref_squeeze %parallel_loop3A_362 : memref<1x256x64xf32, #tpu.memory_space<vmem>> -> memref<256x64xf32, #tpu.memory_space<vmem>>
        %parallel_loop3A_364 = arith.constant 0 : i32
        %parallel_loop3A_365 = tpu.memref_slice %parallel_loop3A_363[%parallel_loop3A_359, %parallel_loop3A_364] : memref<256x64xf32, #tpu.memory_space<vmem>> -> memref<1x64xf32, #tpu.memory_space<vmem>>
        %parallel_loop3A_366 = tpu.memref_squeeze %parallel_loop3A_365 : memref<1x64xf32, #tpu.memory_space<vmem>> -> memref<64xf32, #tpu.memory_space<vmem>>
        %parallel_loop3A_367 = arith.constant 0 : index
        %parallel_loop3A_368 = tpu.vector_load %parallel_loop3A_366[%parallel_loop3A_367] {strides = array<i32>} : memref<64xf32, #tpu.memory_space<vmem>>, vector<16xf32>,
        %parallel_loop3A_369 = arith.constant 0 : i32
        %parallel_loop3A_370 = arith.constant 0 : i32
        %parallel_loop3A_371 = tpu.memref_slice %arg8[%parallel_loop3A_154, %parallel_loop3A_369, %parallel_loop3A_370] : memref<4x256x64xf32, #tpu.memory_space<vmem>> -> memref<1x256x64xf32, #tpu.memory_space<vmem>>
        %parallel_loop3A_372 = tpu.memref_squeeze %parallel_loop3A_371 : memref<1x256x64xf32, #tpu.memory_space<vmem>> -> memref<256x64xf32, #tpu.memory_space<vmem>>
        %parallel_loop3A_373 = arith.constant 0 : i32
        %parallel_loop3A_374 = tpu.memref_slice %parallel_loop3A_372[%parallel_loop3A_359, %parallel_loop3A_373] : memref<256x64xf32, #tpu.memory_space<vmem>> -> memref<1x64xf32, #tpu.memory_space<vmem>>
        %parallel_loop3A_375 = tpu.memref_squeeze %parallel_loop3A_374 : memref<1x64xf32, #tpu.memory_space<vmem>> -> memref<64xf32, #tpu.memory_space<vmem>>
        %parallel_loop3A_376 = arith.constant 16 : index
        %parallel_loop3A_377 = tpu.vector_load %parallel_loop3A_375[%parallel_loop3A_376] {strides = array<i32>} : memref<64xf32, #tpu.memory_space<vmem>>, vector<16xf32>,
        %parallel_loop3A_378 = arith.constant 0 : i32
        %parallel_loop3A_379 = arith.constant 0 : i32
        %parallel_loop3A_380 = tpu.memref_slice %arg8[%parallel_loop3A_154, %parallel_loop3A_378, %parallel_loop3A_379] : memref<4x256x64xf32, #tpu.memory_space<vmem>> -> memref<1x256x64xf32, #tpu.memory_space<vmem>>
        %parallel_loop3A_381 = tpu.memref_squeeze %parallel_loop3A_380 : memref<1x256x64xf32, #tpu.memory_space<vmem>> -> memref<256x64xf32, #tpu.memory_space<vmem>>
        %parallel_loop3A_382 = arith.constant 0 : i32
        %parallel_loop3A_383 = tpu.memref_slice %parallel_loop3A_381[%parallel_loop3A_359, %parallel_loop3A_382] : memref<256x64xf32, #tpu.memory_space<vmem>> -> memref<1x64xf32, #tpu.memory_space<vmem>>
        %parallel_loop3A_384 = tpu.memref_squeeze %parallel_loop3A_383 : memref<1x64xf32, #tpu.memory_space<vmem>> -> memref<64xf32, #tpu.memory_space<vmem>>
        %parallel_loop3A_385 = arith.constant 32 : index
        %parallel_loop3A_386 = tpu.vector_load %parallel_loop3A_384[%parallel_loop3A_385] {strides = array<i32>} : memref<64xf32, #tpu.memory_space<vmem>>, vector<16xf32>,
        %parallel_loop3A_387 = arith.constant 0 : i32
        %parallel_loop3A_388 = arith.constant 0 : i32
        %parallel_loop3A_389 = tpu.memref_slice %arg8[%parallel_loop3A_154, %parallel_loop3A_387, %parallel_loop3A_388] : memref<4x256x64xf32, #tpu.memory_space<vmem>> -> memref<1x256x64xf32, #tpu.memory_space<vmem>>
        %parallel_loop3A_390 = tpu.memref_squeeze %parallel_loop3A_389 : memref<1x256x64xf32, #tpu.memory_space<vmem>> -> memref<256x64xf32, #tpu.memory_space<vmem>>
        %parallel_loop3A_391 = arith.constant 0 : i32
        %parallel_loop3A_392 = tpu.memref_slice %parallel_loop3A_390[%parallel_loop3A_359, %parallel_loop3A_391] : memref<256x64xf32, #tpu.memory_space<vmem>> -> memref<1x64xf32, #tpu.memory_space<vmem>>
        %parallel_loop3A_393 = tpu.memref_squeeze %parallel_loop3A_392 : memref<1x64xf32, #tpu.memory_space<vmem>> -> memref<64xf32, #tpu.memory_space<vmem>>
        %parallel_loop3A_394 = arith.constant 48 : index
        %parallel_loop3A_395 = tpu.vector_load %parallel_loop3A_393[%parallel_loop3A_394] {strides = array<i32>} : memref<64xf32, #tpu.memory_space<vmem>>, vector<16xf32>,
        %parallel_loop3A_396 = arith.addf %parallel_loop3A_368, %parallel_loop3A_377 : vector<16xf32>
        %parallel_loop3A_397 = arith.addf %parallel_loop3A_386, %parallel_loop3A_395 : vector<16xf32>
        %parallel_loop3A_398 = arith.addf %parallel_loop3A_396, %parallel_loop3A_397 : vector<16xf32>
        %parallel_loop3A_399 = arith.mulf %parallel_loop3A_368, %parallel_loop3A_368 : vector<16xf32>
        %parallel_loop3A_400 = arith.mulf %parallel_loop3A_377, %parallel_loop3A_377 : vector<16xf32>
        %parallel_loop3A_401 = arith.addf %parallel_loop3A_399, %parallel_loop3A_400 : vector<16xf32>
        %parallel_loop3A_402 = arith.mulf %parallel_loop3A_386, %parallel_loop3A_386 : vector<16xf32>
        %parallel_loop3A_403 = arith.mulf %parallel_loop3A_395, %parallel_loop3A_395 : vector<16xf32>
        %parallel_loop3A_404 = arith.addf %parallel_loop3A_402, %parallel_loop3A_403 : vector<16xf32>
        %parallel_loop3A_405 = arith.addf %parallel_loop3A_401, %parallel_loop3A_404 : vector<16xf32>
        %parallel_loop3A_406 = arith.constant true
        %parallel_loop3A_407 = vector.broadcast %parallel_loop3A_406 : i1 to vector<16xi1>
        %parallel_loop3A_408 = tpu.scan <sum>, %parallel_loop3A_398 masked %parallel_loop3A_407 : vector<16xf32>, vector<16xi1> -> vector<16xf32>
        %parallel_loop3A_409 = vector.extract %parallel_loop3A_408[15] : f32 from vector<16xf32>
        %parallel_loop3A_410 = arith.constant true
        %parallel_loop3A_411 = vector.broadcast %parallel_loop3A_410 : i1 to vector<16xi1>
        %parallel_loop3A_412 = tpu.scan <sum>, %parallel_loop3A_405 masked %parallel_loop3A_411 : vector<16xf32>, vector<16xi1> -> vector<16xf32>
        %parallel_loop3A_413 = vector.extract %parallel_loop3A_412[15] : f32 from vector<16xf32>
        %parallel_loop3A_414 = vector.broadcast %parallel_loop3A_409 : f32 to vector<16xf32>
        %parallel_loop3A_415 = arith.constant 1.562500e-02 : f32
        %parallel_loop3A_416 = vector.broadcast %parallel_loop3A_415 : f32 to vector<16xf32>
        %parallel_loop3A_417 = arith.mulf %parallel_loop3A_414, %parallel_loop3A_416 : vector<16xf32>
        %parallel_loop3A_418 = vector.broadcast %parallel_loop3A_413 : f32 to vector<16xf32>
        %parallel_loop3A_419 = arith.constant 1.562500e-02 : f32
        %parallel_loop3A_420 = vector.broadcast %parallel_loop3A_419 : f32 to vector<16xf32>
        %parallel_loop3A_421 = arith.mulf %parallel_loop3A_418, %parallel_loop3A_420 : vector<16xf32>
        %parallel_loop3A_422 = arith.mulf %parallel_loop3A_417, %parallel_loop3A_417 : vector<16xf32>
        %parallel_loop3A_423 = arith.subf %parallel_loop3A_421, %parallel_loop3A_422 : vector<16xf32>
        %parallel_loop3A_424 = arith.constant 9.99999996E-13 : f32
        %parallel_loop3A_425 = vector.broadcast %parallel_loop3A_424 : f32 to vector<16xf32>
        %parallel_loop3A_426 = arith.addf %parallel_loop3A_423, %parallel_loop3A_425 : vector<16xf32>
        %parallel_loop3A_427 = vector.bitcast %parallel_loop3A_426 : vector<16xf32> to vector<16xi32>
        %parallel_loop3A_428 = arith.constant 1597463007 : i32
        %parallel_loop3A_429 = vector.broadcast %parallel_loop3A_428 : i32 to vector<16xi32>
        %parallel_loop3A_430 = arith.constant 1 : i32
        %parallel_loop3A_431 = vector.broadcast %parallel_loop3A_430 : i32 to vector<16xi32>
        %parallel_loop3A_432 = arith.shrsi %parallel_loop3A_427, %parallel_loop3A_431 : vector<16xi32>
        %parallel_loop3A_433 = arith.subi %parallel_loop3A_429, %parallel_loop3A_432 : vector<16xi32>
        %parallel_loop3A_434 = vector.bitcast %parallel_loop3A_433 : vector<16xi32> to vector<16xf32>
        %parallel_loop3A_435 = arith.constant 5.000000e-01 : f32
        %parallel_loop3A_436 = vector.broadcast %parallel_loop3A_435 : f32 to vector<16xf32>
        %parallel_loop3A_437 = arith.mulf %parallel_loop3A_426, %parallel_loop3A_436 : vector<16xf32>
        %parallel_loop3A_438 = arith.mulf %parallel_loop3A_437, %parallel_loop3A_434 : vector<16xf32>
        %parallel_loop3A_439 = arith.mulf %parallel_loop3A_438, %parallel_loop3A_434 : vector<16xf32>
        %parallel_loop3A_440 = arith.constant 1.500000e+00 : f32
        %parallel_loop3A_441 = vector.broadcast %parallel_loop3A_440 : f32 to vector<16xf32>
        %parallel_loop3A_442 = arith.subf %parallel_loop3A_441, %parallel_loop3A_439 : vector<16xf32>
        %parallel_loop3A_443 = arith.mulf %parallel_loop3A_434, %parallel_loop3A_442 : vector<16xf32>
        %parallel_loop3A_444 = arith.mulf %parallel_loop3A_437, %parallel_loop3A_443 : vector<16xf32>
        %parallel_loop3A_445 = arith.mulf %parallel_loop3A_444, %parallel_loop3A_443 : vector<16xf32>
        %parallel_loop3A_446 = arith.constant 1.500000e+00 : f32
        %parallel_loop3A_447 = vector.broadcast %parallel_loop3A_446 : f32 to vector<16xf32>
        %parallel_loop3A_448 = arith.subf %parallel_loop3A_447, %parallel_loop3A_445 : vector<16xf32>
        %parallel_loop3A_449 = arith.mulf %parallel_loop3A_443, %parallel_loop3A_448 : vector<16xf32>
        %parallel_loop3A_450 = arith.mulf %parallel_loop3A_437, %parallel_loop3A_449 : vector<16xf32>
        %parallel_loop3A_451 = arith.mulf %parallel_loop3A_450, %parallel_loop3A_449 : vector<16xf32>
        %parallel_loop3A_452 = arith.constant 1.500000e+00 : f32
        %parallel_loop3A_453 = vector.broadcast %parallel_loop3A_452 : f32 to vector<16xf32>
        %parallel_loop3A_454 = arith.subf %parallel_loop3A_453, %parallel_loop3A_451 : vector<16xf32>
        %parallel_loop3A_455 = arith.mulf %parallel_loop3A_449, %parallel_loop3A_454 : vector<16xf32>
        %parallel_loop3A_456 = arith.subf %parallel_loop3A_368, %parallel_loop3A_417 : vector<16xf32>
        %parallel_loop3A_457 = arith.mulf %parallel_loop3A_456, %parallel_loop3A_455 : vector<16xf32>
        %parallel_loop3A_458 = arith.mulf %parallel_loop3A_457, %get3A_137 : vector<16xf32>
        %parallel_loop3A_459 = arith.addf %parallel_loop3A_458, %get3A_145 : vector<16xf32>
        %parallel_loop3A_460 = arith.constant 0 : i32
        %parallel_loop3A_461 = arith.constant 0 : i32
        %parallel_loop3A_462 = tpu.memref_slice %arg8[%parallel_loop3A_154, %parallel_loop3A_460, %parallel_loop3A_461] : memref<4x256x64xf32, #tpu.memory_space<vmem>> -> memref<1x256x64xf32, #tpu.memory_space<vmem>>
        %parallel_loop3A_463 = tpu.memref_squeeze %parallel_loop3A_462 : memref<1x256x64xf32, #tpu.memory_space<vmem>> -> memref<256x64xf32, #tpu.memory_space<vmem>>
        %parallel_loop3A_464 = arith.constant 0 : i32
        %parallel_loop3A_465 = tpu.memref_slice %parallel_loop3A_463[%parallel_loop3A_359, %parallel_loop3A_464] : memref<256x64xf32, #tpu.memory_space<vmem>> -> memref<1x64xf32, #tpu.memory_space<vmem>>
        %parallel_loop3A_466 = tpu.memref_squeeze %parallel_loop3A_465 : memref<1x64xf32, #tpu.memory_space<vmem>> -> memref<64xf32, #tpu.memory_space<vmem>>
        %parallel_loop3A_467 = arith.constant 0 : index
        %parallel_loop3A_468 = tpu.vector_load %parallel_loop3A_466[%parallel_loop3A_467] {strides = array<i32>} : memref<64xf32, #tpu.memory_space<vmem>>, vector<16xf32>,
        tpu.vector_store %parallel_loop3A_466[%parallel_loop3A_467], %parallel_loop3A_459 {strides = array<i32>} : memref<64xf32, #tpu.memory_space<vmem>>, vector<16xf32>,
        %parallel_loop3A_469 = arith.subf %parallel_loop3A_377, %parallel_loop3A_417 : vector<16xf32>
        %parallel_loop3A_470 = arith.mulf %parallel_loop3A_469, %parallel_loop3A_455 : vector<16xf32>
        %parallel_loop3A_471 = arith.mulf %parallel_loop3A_470, %get3A_139 : vector<16xf32>
        %parallel_loop3A_472 = arith.addf %parallel_loop3A_471, %get3A_147 : vector<16xf32>
        %parallel_loop3A_473 = arith.constant 0 : i32
        %parallel_loop3A_474 = arith.constant 0 : i32
        %parallel_loop3A_475 = tpu.memref_slice %arg8[%parallel_loop3A_154, %parallel_loop3A_473, %parallel_loop3A_474] : memref<4x256x64xf32, #tpu.memory_space<vmem>> -> memref<1x256x64xf32, #tpu.memory_space<vmem>>
        %parallel_loop3A_476 = tpu.memref_squeeze %parallel_loop3A_475 : memref<1x256x64xf32, #tpu.memory_space<vmem>> -> memref<256x64xf32, #tpu.memory_space<vmem>>
        %parallel_loop3A_477 = arith.constant 0 : i32
        %parallel_loop3A_478 = tpu.memref_slice %parallel_loop3A_476[%parallel_loop3A_359, %parallel_loop3A_477] : memref<256x64xf32, #tpu.memory_space<vmem>> -> memref<1x64xf32, #tpu.memory_space<vmem>>
        %parallel_loop3A_479 = tpu.memref_squeeze %parallel_loop3A_478 : memref<1x64xf32, #tpu.memory_space<vmem>> -> memref<64xf32, #tpu.memory_space<vmem>>
        %parallel_loop3A_480 = arith.constant 16 : index
        %parallel_loop3A_481 = tpu.vector_load %parallel_loop3A_479[%parallel_loop3A_480] {strides = array<i32>} : memref<64xf32, #tpu.memory_space<vmem>>, vector<16xf32>,
        tpu.vector_store %parallel_loop3A_479[%parallel_loop3A_480], %parallel_loop3A_472 {strides = array<i32>} : memref<64xf32, #tpu.memory_space<vmem>>, vector<16xf32>,
        %parallel_loop3A_482 = arith.subf %parallel_loop3A_386, %parallel_loop3A_417 : vector<16xf32>
        %parallel_loop3A_483 = arith.mulf %parallel_loop3A_482, %parallel_loop3A_455 : vector<16xf32>
        %parallel_loop3A_484 = arith.mulf %parallel_loop3A_483, %get3A_141 : vector<16xf32>
        %parallel_loop3A_485 = arith.addf %parallel_loop3A_484, %get3A_149 : vector<16xf32>
        %parallel_loop3A_486 = arith.constant 0 : i32
        %parallel_loop3A_487 = arith.constant 0 : i32
        %parallel_loop3A_488 = tpu.memref_slice %arg8[%parallel_loop3A_154, %parallel_loop3A_486, %parallel_loop3A_487] : memref<4x256x64xf32, #tpu.memory_space<vmem>> -> memref<1x256x64xf32, #tpu.memory_space<vmem>>
        %parallel_loop3A_489 = tpu.memref_squeeze %parallel_loop3A_488 : memref<1x256x64xf32, #tpu.memory_space<vmem>> -> memref<256x64xf32, #tpu.memory_space<vmem>>
        %parallel_loop3A_490 = arith.constant 0 : i32
        %parallel_loop3A_491 = tpu.memref_slice %parallel_loop3A_489[%parallel_loop3A_359, %parallel_loop3A_490] : memref<256x64xf32, #tpu.memory_space<vmem>> -> memref<1x64xf32, #tpu.memory_space<vmem>>
        %parallel_loop3A_492 = tpu.memref_squeeze %parallel_loop3A_491 : memref<1x64xf32, #tpu.memory_space<vmem>> -> memref<64xf32, #tpu.memory_space<vmem>>
        %parallel_loop3A_493 = arith.constant 32 : index
        %parallel_loop3A_494 = tpu.vector_load %parallel_loop3A_492[%parallel_loop3A_493] {strides = array<i32>} : memref<64xf32, #tpu.memory_space<vmem>>, vector<16xf32>,
        tpu.vector_store %parallel_loop3A_492[%parallel_loop3A_493], %parallel_loop3A_485 {strides = array<i32>} : memref<64xf32, #tpu.memory_space<vmem>>, vector<16xf32>,
        %parallel_loop3A_495 = arith.subf %parallel_loop3A_395, %parallel_loop3A_417 : vector<16xf32>
        %parallel_loop3A_496 = arith.mulf %parallel_loop3A_495, %parallel_loop3A_455 : vector<16xf32>
        %parallel_loop3A_497 = arith.mulf %parallel_loop3A_496, %get3A_143 : vector<16xf32>
        %parallel_loop3A_498 = arith.addf %parallel_loop3A_497, %get3A_151 : vector<16xf32>
        %parallel_loop3A_499 = arith.constant 0 : i32
        %parallel_loop3A_500 = arith.constant 0 : i32
        %parallel_loop3A_501 = tpu.memref_slice %arg8[%parallel_loop3A_154, %parallel_loop3A_499, %parallel_loop3A_500] : memref<4x256x64xf32, #tpu.memory_space<vmem>> -> memref<1x256x64xf32, #tpu.memory_space<vmem>>
        %parallel_loop3A_502 = tpu.memref_squeeze %parallel_loop3A_501 : memref<1x256x64xf32, #tpu.memory_space<vmem>> -> memref<256x64xf32, #tpu.memory_space<vmem>>
        %parallel_loop3A_503 = arith.constant 0 : i32
        %parallel_loop3A_504 = tpu.memref_slice %parallel_loop3A_502[%parallel_loop3A_359, %parallel_loop3A_503] : memref<256x64xf32, #tpu.memory_space<vmem>> -> memref<1x64xf32, #tpu.memory_space<vmem>>
        %parallel_loop3A_505 = tpu.memref_squeeze %parallel_loop3A_504 : memref<1x64xf32, #tpu.memory_space<vmem>> -> memref<64xf32, #tpu.memory_space<vmem>>
        %parallel_loop3A_506 = arith.constant 48 : index
        %parallel_loop3A_507 = tpu.vector_load %parallel_loop3A_505[%parallel_loop3A_506] {strides = array<i32>} : memref<64xf32, #tpu.memory_space<vmem>>, vector<16xf32>,
        tpu.vector_store %parallel_loop3A_505[%parallel_loop3A_506], %parallel_loop3A_498 {strides = array<i32>} : memref<64xf32, #tpu.memory_space<vmem>>, vector<16xf32>,
      } {sc.loop_unroll_factor = 4 : i64, sc.parallel_access}
      %add3A_155 = arith.addi %mul3A_2, %add3A_110 : i32
      %dma_start3A_156 = arith.constant 0 : i32
      %dma_start3A_157 = arith.constant 0 : i32
      %dma_start3A_158 = arith.constant 0 : i32
      %dma_start3A_159 = tpu.memref_slice %arg8[%dma_start3A_156, %dma_start3A_157, %dma_start3A_158] : memref<4x256x64xf32, #tpu.memory_space<vmem>> -> memref<1x256x64xf32, #tpu.memory_space<vmem>>
      %dma_start3A_160 = tpu.memref_squeeze %dma_start3A_159 : memref<1x256x64xf32, #tpu.memory_space<vmem>> -> memref<256x64xf32, #tpu.memory_space<vmem>>
      %dma_start3A_161 = arith.constant 0 : i32
      %dma_start3A_162 = arith.constant 0 : i32
      %dma_start3A_163 = tpu.memref_slice %arg6[%add3A_155, %dma_start3A_161, %dma_start3A_162] : memref<3200x256x64xf32, #tpu.memory_space<hbm>> -> memref<1x256x64xf32, #tpu.memory_space<hbm>>
      %dma_start3A_164 = tpu.memref_squeeze %dma_start3A_163 : memref<1x256x64xf32, #tpu.memory_space<hbm>> -> memref<256x64xf32, #tpu.memory_space<hbm>>
      %dma_start3A_165 = arith.constant 0 : i32
      %dma_start3A_166 = arith.constant 0 : i32
      %dma_start3A_167 = tpu.memref_slice %arg6[%add3A_155, %dma_start3A_165, %dma_start3A_166] : memref<3200x256x64xf32, #tpu.memory_space<hbm>> -> memref<1x256x64xf32, #tpu.memory_space<hbm>>
      %dma_start3A_168 = tpu.memref_squeeze %dma_start3A_167 : memref<1x256x64xf32, #tpu.memory_space<hbm>> -> memref<256x64xf32, #tpu.memory_space<hbm>>
      %dma_start3A_169 = arith.constant 0 : i32
      %dma_start3A_170 = arith.constant 0 : i32
      %dma_start3A_171 = tpu.memref_slice %arg8[%dma_start3A_156, %dma_start3A_169, %dma_start3A_170] : memref<4x256x64xf32, #tpu.memory_space<vmem>> -> memref<1x256x64xf32, #tpu.memory_space<vmem>>
      %dma_start3A_172 = tpu.memref_squeeze %dma_start3A_171 : memref<1x256x64xf32, #tpu.memory_space<vmem>> -> memref<256x64xf32, #tpu.memory_space<vmem>>
      tpu.enqueue_dma source(%dma_start3A_172 : memref<256x64xf32, #tpu.memory_space<vmem>>) target(%dma_start3A_168 : memref<256x64xf32, #tpu.memory_space<hbm>>) target_semaphore(%arg15 : memref<!tpu.dma_semaphore, #tpu.memory_space<semaphore_mem>>)
      %mul3A_173 = arith.constant 4 : i32
      %mul3A_174 = arith.muli %scan3A_106, %mul3A_173 : i32
      %add3A_175 = arith.constant 1 : i32
      %add3A_176 = arith.addi %mul3A_174, %add3A_175 : i32
      %ge3A_177 = arith.constant 2 : i32
      %ge3A_178 = arith.cmpi sge, %add3A_176, %ge3A_177 : i32
      %convert_element_type3A_179 = arith.extui %ge3A_178 : i1 to i32
      %cond3A_180 = arith.constant 0 : i32
      %cond3A_181 = arith.cmpi ne, %convert_element_type3A_179, %cond3A_180 : i32
      scf.if %cond3A_181 {
        %sub3A = arith.constant 2 : i32
        %sub3A_359 = arith.subi %add3A_176, %sub3A : i32
        %add3A_360 = arith.addi %mul3A_2, %sub3A_359 : i32
        %dma_wait3A_361 = arith.constant 3 : i32
        %dma_wait3A_362 = arith.constant 0 : i32
        %dma_wait3A_363 = arith.constant 0 : i32
        %dma_wait3A_364 = tpu.memref_slice %arg8[%dma_wait3A_361, %dma_wait3A_362, %dma_wait3A_363] : memref<4x256x64xf32, #tpu.memory_space<vmem>> -> memref<1x256x64xf32, #tpu.memory_space<vmem>>
        %dma_wait3A_365 = tpu.memref_squeeze %dma_wait3A_364 : memref<1x256x64xf32, #tpu.memory_space<vmem>> -> memref<256x64xf32, #tpu.memory_space<vmem>>
        %dma_wait3A_366 = arith.constant 0 : i32
        %dma_wait3A_367 = arith.constant 0 : i32
        %dma_wait3A_368 = tpu.memref_slice %arg6[%add3A_360, %dma_wait3A_366, %dma_wait3A_367] : memref<3200x256x64xf32, #tpu.memory_space<hbm>> -> memref<1x256x64xf32, #tpu.memory_space<hbm>>
        %dma_wait3A_369 = tpu.memref_squeeze %dma_wait3A_368 : memref<1x256x64xf32, #tpu.memory_space<hbm>> -> memref<256x64xf32, #tpu.memory_space<hbm>>
        %dma_wait3A_370 = arith.constant 0 : i32
        %dma_wait3A_371 = arith.constant 0 : i32
        %dma_wait3A_372 = tpu.memref_slice %arg6[%add3A_360, %dma_wait3A_370, %dma_wait3A_371] : memref<3200x256x64xf32, #tpu.memory_space<hbm>> -> memref<1x256x64xf32, #tpu.memory_space<hbm>>
        %dma_wait3A_373 = tpu.memref_squeeze %dma_wait3A_372 : memref<1x256x64xf32, #tpu.memory_space<hbm>> -> memref<256x64xf32, #tpu.memory_space<hbm>>
        %dma_wait3A_374 = arith.constant 0 : i32
        %dma_wait3A_375 = arith.constant 0 : i32
        %dma_wait3A_376 = tpu.memref_slice %arg8[%dma_wait3A_361, %dma_wait3A_374, %dma_wait3A_375] : memref<4x256x64xf32, #tpu.memory_space<vmem>> -> memref<1x256x64xf32, #tpu.memory_space<vmem>>
        %dma_wait3A_377 = tpu.memref_squeeze %dma_wait3A_376 : memref<1x256x64xf32, #tpu.memory_space<vmem>> -> memref<256x64xf32, #tpu.memory_space<vmem>>
        tpu.wait_dma2 semaphore(%arg18 : memref<!tpu.dma_semaphore, #tpu.memory_space<semaphore_mem>>) src(%dma_wait3A_377 : memref<256x64xf32, #tpu.memory_space<vmem>>) dst(%dma_wait3A_373 : memref<256x64xf32, #tpu.memory_space<hbm>>)
      } else {
      }
      %add3A_182 = arith.constant 2 : i32
      %add3A_183 = arith.addi %add3A_176, %add3A_182 : i32
      %dma_start3A_184 = arith.constant 3 : i32
      %dma_start3A_185 = arith.constant 0 : i32
      %dma_start3A_186 = arith.constant 0 : i32
      %dma_start3A_187 = tpu.memref_slice %arg8[%dma_start3A_184, %dma_start3A_185, %dma_start3A_186] : memref<4x256x64xf32, #tpu.memory_space<vmem>> -> memref<1x256x64xf32, #tpu.memory_space<vmem>>
      %dma_start3A_188 = tpu.memref_squeeze %dma_start3A_187 : memref<1x256x64xf32, #tpu.memory_space<vmem>> -> memref<256x64xf32, #tpu.memory_space<vmem>>
      %dma_start3A_189 = arith.constant 0 : i32
      %dma_start3A_190 = tpu.memref_slice %arg7[%add3A_183, %dma_start3A_189] : memref<100x256xi32, #tpu.memory_space<vmem>> -> memref<1x256xi32, #tpu.memory_space<vmem>>
      %dma_start3A_191 = tpu.memref_squeeze %dma_start3A_190 : memref<1x256xi32, #tpu.memory_space<vmem>> -> memref<256xi32, #tpu.memory_space<vmem>>
      %dma_start3A_192 = arith.constant 0 : i32
      %dma_start3A_193 = arith.constant 0 : i32
      %dma_start3A_194 = tpu.memref_slice %arg3[%dma_start3A_192, %dma_start3A_193] : memref<1000000x64xf32, #tpu.memory_space<hbm>> -> memref<1000000x64xf32, #tpu.memory_space<hbm>>
      tpu.enqueue_indirect_dma source(%dma_start3A_194 : memref<1000000x64xf32, #tpu.memory_space<hbm>>) target(%dma_start3A_188 : memref<256x64xf32, #tpu.memory_space<vmem>>) offsets(%dma_start3A_191 : memref<256xi32, #tpu.memory_space<vmem>>) semaphore(%arg14 : memref<!tpu.dma_semaphore, #tpu.memory_space<semaphore_mem>>)
      %dma_wait3A_195 = arith.constant 1 : i32
      %dma_wait3A_196 = arith.constant 0 : i32
      %dma_wait3A_197 = arith.constant 0 : i32
      %dma_wait3A_198 = tpu.memref_slice %arg8[%dma_wait3A_195, %dma_wait3A_196, %dma_wait3A_197] : memref<4x256x64xf32, #tpu.memory_space<vmem>> -> memref<1x256x64xf32, #tpu.memory_space<vmem>>
      %dma_wait3A_199 = tpu.memref_squeeze %dma_wait3A_198 : memref<1x256x64xf32, #tpu.memory_space<vmem>> -> memref<256x64xf32, #tpu.memory_space<vmem>>
      %dma_wait3A_200 = arith.constant 0 : i32
      %dma_wait3A_201 = tpu.memref_slice %arg7[%add3A_176, %dma_wait3A_200] : memref<100x256xi32, #tpu.memory_space<vmem>> -> memref<1x256xi32, #tpu.memory_space<vmem>>
      %dma_wait3A_202 = tpu.memref_squeeze %dma_wait3A_201 : memref<1x256xi32, #tpu.memory_space<vmem>> -> memref<256xi32, #tpu.memory_space<vmem>>
      %dma_wait3A_203 = arith.constant 0 : i32
      %dma_wait3A_204 = arith.constant 0 : i32
      %dma_wait3A_205 = tpu.memref_slice %arg3[%dma_wait3A_203, %dma_wait3A_204] : memref<1000000x64xf32, #tpu.memory_space<hbm>> -> memref<1000000x64xf32, #tpu.memory_space<hbm>>
      tpu.wait_indirect_dma semaphore(%arg12 : memref<!tpu.dma_semaphore, #tpu.memory_space<semaphore_mem>>) src(%dma_wait3A_205 : memref<1000000x64xf32, #tpu.memory_space<hbm>>) dst(%dma_wait3A_199 : memref<256x64xf32, #tpu.memory_space<vmem>>)
      %get3A_206 = arith.constant 0 : index
      %get3A_207 = tpu.vector_load %arg9[%get3A_206] {strides = array<i32>} : memref<64xf32, #tpu.memory_space<vmem>>, vector<16xf32>,
      %get3A_208 = arith.constant 16 : index
      %get3A_209 = tpu.vector_load %arg9[%get3A_208] {strides = array<i32>} : memref<64xf32, #tpu.memory_space<vmem>>, vector<16xf32>,
      %get3A_210 = arith.constant 32 : index
      %get3A_211 = tpu.vector_load %arg9[%get3A_210] {strides = array<i32>} : memref<64xf32, #tpu.memory_space<vmem>>, vector<16xf32>,
      %get3A_212 = arith.constant 48 : index
      %get3A_213 = tpu.vector_load %arg9[%get3A_212] {strides = array<i32>} : memref<64xf32, #tpu.memory_space<vmem>>, vector<16xf32>,
      %get3A_214 = arith.constant 0 : index
      %get3A_215 = tpu.vector_load %arg10[%get3A_214] {strides = array<i32>} : memref<64xf32, #tpu.memory_space<vmem>>, vector<16xf32>,
      %get3A_216 = arith.constant 16 : index
      %get3A_217 = tpu.vector_load %arg10[%get3A_216] {strides = array<i32>} : memref<64xf32, #tpu.memory_space<vmem>>, vector<16xf32>,
      %get3A_218 = arith.constant 32 : index
      %get3A_219 = tpu.vector_load %arg10[%get3A_218] {strides = array<i32>} : memref<64xf32, #tpu.memory_space<vmem>>, vector<16xf32>,
      %get3A_220 = arith.constant 48 : index
      %get3A_221 = tpu.vector_load %arg10[%get3A_220] {strides = array<i32>} : memref<64xf32, #tpu.memory_space<vmem>>, vector<16xf32>,
      %parallel_loop3A_222 = arith.constant 0 : i32
      %parallel_loop3A_223 = arith.constant 256 : i32
      %parallel_loop3A_224 = arith.constant 1 : i32
      %parallel_loop3A_225 = arith.constant 1 : i32
      scf.for %parallel_loop3A_359 = %parallel_loop3A_222 to %parallel_loop3A_223 step %parallel_loop3A_224  : i32 {
        %parallel_loop3A_360 = arith.constant 0 : i32
        %parallel_loop3A_361 = arith.constant 0 : i32
        %parallel_loop3A_362 = tpu.memref_slice %arg8[%parallel_loop3A_225, %parallel_loop3A_360, %parallel_loop3A_361] : memref<4x256x64xf32, #tpu.memory_space<vmem>> -> memref<1x256x64xf32, #tpu.memory_space<vmem>>
        %parallel_loop3A_363 = tpu.memref_squeeze %parallel_loop3A_362 : memref<1x256x64xf32, #tpu.memory_space<vmem>> -> memref<256x64xf32, #tpu.memory_space<vmem>>
        %parallel_loop3A_364 = arith.constant 0 : i32
        %parallel_loop3A_365 = tpu.memref_slice %parallel_loop3A_363[%parallel_loop3A_359, %parallel_loop3A_364] : memref<256x64xf32, #tpu.memory_space<vmem>> -> memref<1x64xf32, #tpu.memory_space<vmem>>
        %parallel_loop3A_366 = tpu.memref_squeeze %parallel_loop3A_365 : memref<1x64xf32, #tpu.memory_space<vmem>> -> memref<64xf32, #tpu.memory_space<vmem>>
        %parallel_loop3A_367 = arith.constant 0 : index
        %parallel_loop3A_368 = tpu.vector_load %parallel_loop3A_366[%parallel_loop3A_367] {strides = array<i32>} : memref<64xf32, #tpu.memory_space<vmem>>, vector<16xf32>,
        %parallel_loop3A_369 = arith.constant 0 : i32
        %parallel_loop3A_370 = arith.constant 0 : i32
        %parallel_loop3A_371 = tpu.memref_slice %arg8[%parallel_loop3A_225, %parallel_loop3A_369, %parallel_loop3A_370] : memref<4x256x64xf32, #tpu.memory_space<vmem>> -> memref<1x256x64xf32, #tpu.memory_space<vmem>>
        %parallel_loop3A_372 = tpu.memref_squeeze %parallel_loop3A_371 : memref<1x256x64xf32, #tpu.memory_space<vmem>> -> memref<256x64xf32, #tpu.memory_space<vmem>>
        %parallel_loop3A_373 = arith.constant 0 : i32
        %parallel_loop3A_374 = tpu.memref_slice %parallel_loop3A_372[%parallel_loop3A_359, %parallel_loop3A_373] : memref<256x64xf32, #tpu.memory_space<vmem>> -> memref<1x64xf32, #tpu.memory_space<vmem>>
        %parallel_loop3A_375 = tpu.memref_squeeze %parallel_loop3A_374 : memref<1x64xf32, #tpu.memory_space<vmem>> -> memref<64xf32, #tpu.memory_space<vmem>>
        %parallel_loop3A_376 = arith.constant 16 : index
        %parallel_loop3A_377 = tpu.vector_load %parallel_loop3A_375[%parallel_loop3A_376] {strides = array<i32>} : memref<64xf32, #tpu.memory_space<vmem>>, vector<16xf32>,
        %parallel_loop3A_378 = arith.constant 0 : i32
        %parallel_loop3A_379 = arith.constant 0 : i32
        %parallel_loop3A_380 = tpu.memref_slice %arg8[%parallel_loop3A_225, %parallel_loop3A_378, %parallel_loop3A_379] : memref<4x256x64xf32, #tpu.memory_space<vmem>> -> memref<1x256x64xf32, #tpu.memory_space<vmem>>
        %parallel_loop3A_381 = tpu.memref_squeeze %parallel_loop3A_380 : memref<1x256x64xf32, #tpu.memory_space<vmem>> -> memref<256x64xf32, #tpu.memory_space<vmem>>
        %parallel_loop3A_382 = arith.constant 0 : i32
        %parallel_loop3A_383 = tpu.memref_slice %parallel_loop3A_381[%parallel_loop3A_359, %parallel_loop3A_382] : memref<256x64xf32, #tpu.memory_space<vmem>> -> memref<1x64xf32, #tpu.memory_space<vmem>>
        %parallel_loop3A_384 = tpu.memref_squeeze %parallel_loop3A_383 : memref<1x64xf32, #tpu.memory_space<vmem>> -> memref<64xf32, #tpu.memory_space<vmem>>
        %parallel_loop3A_385 = arith.constant 32 : index
        %parallel_loop3A_386 = tpu.vector_load %parallel_loop3A_384[%parallel_loop3A_385] {strides = array<i32>} : memref<64xf32, #tpu.memory_space<vmem>>, vector<16xf32>,
        %parallel_loop3A_387 = arith.constant 0 : i32
        %parallel_loop3A_388 = arith.constant 0 : i32
        %parallel_loop3A_389 = tpu.memref_slice %arg8[%parallel_loop3A_225, %parallel_loop3A_387, %parallel_loop3A_388] : memref<4x256x64xf32, #tpu.memory_space<vmem>> -> memref<1x256x64xf32, #tpu.memory_space<vmem>>
        %parallel_loop3A_390 = tpu.memref_squeeze %parallel_loop3A_389 : memref<1x256x64xf32, #tpu.memory_space<vmem>> -> memref<256x64xf32, #tpu.memory_space<vmem>>
        %parallel_loop3A_391 = arith.constant 0 : i32
        %parallel_loop3A_392 = tpu.memref_slice %parallel_loop3A_390[%parallel_loop3A_359, %parallel_loop3A_391] : memref<256x64xf32, #tpu.memory_space<vmem>> -> memref<1x64xf32, #tpu.memory_space<vmem>>
        %parallel_loop3A_393 = tpu.memref_squeeze %parallel_loop3A_392 : memref<1x64xf32, #tpu.memory_space<vmem>> -> memref<64xf32, #tpu.memory_space<vmem>>
        %parallel_loop3A_394 = arith.constant 48 : index
        %parallel_loop3A_395 = tpu.vector_load %parallel_loop3A_393[%parallel_loop3A_394] {strides = array<i32>} : memref<64xf32, #tpu.memory_space<vmem>>, vector<16xf32>,
        %parallel_loop3A_396 = arith.addf %parallel_loop3A_368, %parallel_loop3A_377 : vector<16xf32>
        %parallel_loop3A_397 = arith.addf %parallel_loop3A_386, %parallel_loop3A_395 : vector<16xf32>
        %parallel_loop3A_398 = arith.addf %parallel_loop3A_396, %parallel_loop3A_397 : vector<16xf32>
        %parallel_loop3A_399 = arith.mulf %parallel_loop3A_368, %parallel_loop3A_368 : vector<16xf32>
        %parallel_loop3A_400 = arith.mulf %parallel_loop3A_377, %parallel_loop3A_377 : vector<16xf32>
        %parallel_loop3A_401 = arith.addf %parallel_loop3A_399, %parallel_loop3A_400 : vector<16xf32>
        %parallel_loop3A_402 = arith.mulf %parallel_loop3A_386, %parallel_loop3A_386 : vector<16xf32>
        %parallel_loop3A_403 = arith.mulf %parallel_loop3A_395, %parallel_loop3A_395 : vector<16xf32>
        %parallel_loop3A_404 = arith.addf %parallel_loop3A_402, %parallel_loop3A_403 : vector<16xf32>
        %parallel_loop3A_405 = arith.addf %parallel_loop3A_401, %parallel_loop3A_404 : vector<16xf32>
        %parallel_loop3A_406 = arith.constant true
        %parallel_loop3A_407 = vector.broadcast %parallel_loop3A_406 : i1 to vector<16xi1>
        %parallel_loop3A_408 = tpu.scan <sum>, %parallel_loop3A_398 masked %parallel_loop3A_407 : vector<16xf32>, vector<16xi1> -> vector<16xf32>
        %parallel_loop3A_409 = vector.extract %parallel_loop3A_408[15] : f32 from vector<16xf32>
        %parallel_loop3A_410 = arith.constant true
        %parallel_loop3A_411 = vector.broadcast %parallel_loop3A_410 : i1 to vector<16xi1>
        %parallel_loop3A_412 = tpu.scan <sum>, %parallel_loop3A_405 masked %parallel_loop3A_411 : vector<16xf32>, vector<16xi1> -> vector<16xf32>
        %parallel_loop3A_413 = vector.extract %parallel_loop3A_412[15] : f32 from vector<16xf32>
        %parallel_loop3A_414 = vector.broadcast %parallel_loop3A_409 : f32 to vector<16xf32>
        %parallel_loop3A_415 = arith.constant 1.562500e-02 : f32
        %parallel_loop3A_416 = vector.broadcast %parallel_loop3A_415 : f32 to vector<16xf32>
        %parallel_loop3A_417 = arith.mulf %parallel_loop3A_414, %parallel_loop3A_416 : vector<16xf32>
        %parallel_loop3A_418 = vector.broadcast %parallel_loop3A_413 : f32 to vector<16xf32>
        %parallel_loop3A_419 = arith.constant 1.562500e-02 : f32
        %parallel_loop3A_420 = vector.broadcast %parallel_loop3A_419 : f32 to vector<16xf32>
        %parallel_loop3A_421 = arith.mulf %parallel_loop3A_418, %parallel_loop3A_420 : vector<16xf32>
        %parallel_loop3A_422 = arith.mulf %parallel_loop3A_417, %parallel_loop3A_417 : vector<16xf32>
        %parallel_loop3A_423 = arith.subf %parallel_loop3A_421, %parallel_loop3A_422 : vector<16xf32>
        %parallel_loop3A_424 = arith.constant 9.99999996E-13 : f32
        %parallel_loop3A_425 = vector.broadcast %parallel_loop3A_424 : f32 to vector<16xf32>
        %parallel_loop3A_426 = arith.addf %parallel_loop3A_423, %parallel_loop3A_425 : vector<16xf32>
        %parallel_loop3A_427 = vector.bitcast %parallel_loop3A_426 : vector<16xf32> to vector<16xi32>
        %parallel_loop3A_428 = arith.constant 1597463007 : i32
        %parallel_loop3A_429 = vector.broadcast %parallel_loop3A_428 : i32 to vector<16xi32>
        %parallel_loop3A_430 = arith.constant 1 : i32
        %parallel_loop3A_431 = vector.broadcast %parallel_loop3A_430 : i32 to vector<16xi32>
        %parallel_loop3A_432 = arith.shrsi %parallel_loop3A_427, %parallel_loop3A_431 : vector<16xi32>
        %parallel_loop3A_433 = arith.subi %parallel_loop3A_429, %parallel_loop3A_432 : vector<16xi32>
        %parallel_loop3A_434 = vector.bitcast %parallel_loop3A_433 : vector<16xi32> to vector<16xf32>
        %parallel_loop3A_435 = arith.constant 5.000000e-01 : f32
        %parallel_loop3A_436 = vector.broadcast %parallel_loop3A_435 : f32 to vector<16xf32>
        %parallel_loop3A_437 = arith.mulf %parallel_loop3A_426, %parallel_loop3A_436 : vector<16xf32>
        %parallel_loop3A_438 = arith.mulf %parallel_loop3A_437, %parallel_loop3A_434 : vector<16xf32>
        %parallel_loop3A_439 = arith.mulf %parallel_loop3A_438, %parallel_loop3A_434 : vector<16xf32>
        %parallel_loop3A_440 = arith.constant 1.500000e+00 : f32
        %parallel_loop3A_441 = vector.broadcast %parallel_loop3A_440 : f32 to vector<16xf32>
        %parallel_loop3A_442 = arith.subf %parallel_loop3A_441, %parallel_loop3A_439 : vector<16xf32>
        %parallel_loop3A_443 = arith.mulf %parallel_loop3A_434, %parallel_loop3A_442 : vector<16xf32>
        %parallel_loop3A_444 = arith.mulf %parallel_loop3A_437, %parallel_loop3A_443 : vector<16xf32>
        %parallel_loop3A_445 = arith.mulf %parallel_loop3A_444, %parallel_loop3A_443 : vector<16xf32>
        %parallel_loop3A_446 = arith.constant 1.500000e+00 : f32
        %parallel_loop3A_447 = vector.broadcast %parallel_loop3A_446 : f32 to vector<16xf32>
        %parallel_loop3A_448 = arith.subf %parallel_loop3A_447, %parallel_loop3A_445 : vector<16xf32>
        %parallel_loop3A_449 = arith.mulf %parallel_loop3A_443, %parallel_loop3A_448 : vector<16xf32>
        %parallel_loop3A_450 = arith.mulf %parallel_loop3A_437, %parallel_loop3A_449 : vector<16xf32>
        %parallel_loop3A_451 = arith.mulf %parallel_loop3A_450, %parallel_loop3A_449 : vector<16xf32>
        %parallel_loop3A_452 = arith.constant 1.500000e+00 : f32
        %parallel_loop3A_453 = vector.broadcast %parallel_loop3A_452 : f32 to vector<16xf32>
        %parallel_loop3A_454 = arith.subf %parallel_loop3A_453, %parallel_loop3A_451 : vector<16xf32>
        %parallel_loop3A_455 = arith.mulf %parallel_loop3A_449, %parallel_loop3A_454 : vector<16xf32>
        %parallel_loop3A_456 = arith.subf %parallel_loop3A_368, %parallel_loop3A_417 : vector<16xf32>
        %parallel_loop3A_457 = arith.mulf %parallel_loop3A_456, %parallel_loop3A_455 : vector<16xf32>
        %parallel_loop3A_458 = arith.mulf %parallel_loop3A_457, %get3A_207 : vector<16xf32>
        %parallel_loop3A_459 = arith.addf %parallel_loop3A_458, %get3A_215 : vector<16xf32>
        %parallel_loop3A_460 = arith.constant 0 : i32
        %parallel_loop3A_461 = arith.constant 0 : i32
        %parallel_loop3A_462 = tpu.memref_slice %arg8[%parallel_loop3A_225, %parallel_loop3A_460, %parallel_loop3A_461] : memref<4x256x64xf32, #tpu.memory_space<vmem>> -> memref<1x256x64xf32, #tpu.memory_space<vmem>>
        %parallel_loop3A_463 = tpu.memref_squeeze %parallel_loop3A_462 : memref<1x256x64xf32, #tpu.memory_space<vmem>> -> memref<256x64xf32, #tpu.memory_space<vmem>>
        %parallel_loop3A_464 = arith.constant 0 : i32
        %parallel_loop3A_465 = tpu.memref_slice %parallel_loop3A_463[%parallel_loop3A_359, %parallel_loop3A_464] : memref<256x64xf32, #tpu.memory_space<vmem>> -> memref<1x64xf32, #tpu.memory_space<vmem>>
        %parallel_loop3A_466 = tpu.memref_squeeze %parallel_loop3A_465 : memref<1x64xf32, #tpu.memory_space<vmem>> -> memref<64xf32, #tpu.memory_space<vmem>>
        %parallel_loop3A_467 = arith.constant 0 : index
        %parallel_loop3A_468 = tpu.vector_load %parallel_loop3A_466[%parallel_loop3A_467] {strides = array<i32>} : memref<64xf32, #tpu.memory_space<vmem>>, vector<16xf32>,
        tpu.vector_store %parallel_loop3A_466[%parallel_loop3A_467], %parallel_loop3A_459 {strides = array<i32>} : memref<64xf32, #tpu.memory_space<vmem>>, vector<16xf32>,
        %parallel_loop3A_469 = arith.subf %parallel_loop3A_377, %parallel_loop3A_417 : vector<16xf32>
        %parallel_loop3A_470 = arith.mulf %parallel_loop3A_469, %parallel_loop3A_455 : vector<16xf32>
        %parallel_loop3A_471 = arith.mulf %parallel_loop3A_470, %get3A_209 : vector<16xf32>
        %parallel_loop3A_472 = arith.addf %parallel_loop3A_471, %get3A_217 : vector<16xf32>
        %parallel_loop3A_473 = arith.constant 0 : i32
        %parallel_loop3A_474 = arith.constant 0 : i32
        %parallel_loop3A_475 = tpu.memref_slice %arg8[%parallel_loop3A_225, %parallel_loop3A_473, %parallel_loop3A_474] : memref<4x256x64xf32, #tpu.memory_space<vmem>> -> memref<1x256x64xf32, #tpu.memory_space<vmem>>
        %parallel_loop3A_476 = tpu.memref_squeeze %parallel_loop3A_475 : memref<1x256x64xf32, #tpu.memory_space<vmem>> -> memref<256x64xf32, #tpu.memory_space<vmem>>
        %parallel_loop3A_477 = arith.constant 0 : i32
        %parallel_loop3A_478 = tpu.memref_slice %parallel_loop3A_476[%parallel_loop3A_359, %parallel_loop3A_477] : memref<256x64xf32, #tpu.memory_space<vmem>> -> memref<1x64xf32, #tpu.memory_space<vmem>>
        %parallel_loop3A_479 = tpu.memref_squeeze %parallel_loop3A_478 : memref<1x64xf32, #tpu.memory_space<vmem>> -> memref<64xf32, #tpu.memory_space<vmem>>
        %parallel_loop3A_480 = arith.constant 16 : index
        %parallel_loop3A_481 = tpu.vector_load %parallel_loop3A_479[%parallel_loop3A_480] {strides = array<i32>} : memref<64xf32, #tpu.memory_space<vmem>>, vector<16xf32>,
        tpu.vector_store %parallel_loop3A_479[%parallel_loop3A_480], %parallel_loop3A_472 {strides = array<i32>} : memref<64xf32, #tpu.memory_space<vmem>>, vector<16xf32>,
        %parallel_loop3A_482 = arith.subf %parallel_loop3A_386, %parallel_loop3A_417 : vector<16xf32>
        %parallel_loop3A_483 = arith.mulf %parallel_loop3A_482, %parallel_loop3A_455 : vector<16xf32>
        %parallel_loop3A_484 = arith.mulf %parallel_loop3A_483, %get3A_211 : vector<16xf32>
        %parallel_loop3A_485 = arith.addf %parallel_loop3A_484, %get3A_219 : vector<16xf32>
        %parallel_loop3A_486 = arith.constant 0 : i32
        %parallel_loop3A_487 = arith.constant 0 : i32
        %parallel_loop3A_488 = tpu.memref_slice %arg8[%parallel_loop3A_225, %parallel_loop3A_486, %parallel_loop3A_487] : memref<4x256x64xf32, #tpu.memory_space<vmem>> -> memref<1x256x64xf32, #tpu.memory_space<vmem>>
        %parallel_loop3A_489 = tpu.memref_squeeze %parallel_loop3A_488 : memref<1x256x64xf32, #tpu.memory_space<vmem>> -> memref<256x64xf32, #tpu.memory_space<vmem>>
        %parallel_loop3A_490 = arith.constant 0 : i32
        %parallel_loop3A_491 = tpu.memref_slice %parallel_loop3A_489[%parallel_loop3A_359, %parallel_loop3A_490] : memref<256x64xf32, #tpu.memory_space<vmem>> -> memref<1x64xf32, #tpu.memory_space<vmem>>
        %parallel_loop3A_492 = tpu.memref_squeeze %parallel_loop3A_491 : memref<1x64xf32, #tpu.memory_space<vmem>> -> memref<64xf32, #tpu.memory_space<vmem>>
        %parallel_loop3A_493 = arith.constant 32 : index
        %parallel_loop3A_494 = tpu.vector_load %parallel_loop3A_492[%parallel_loop3A_493] {strides = array<i32>} : memref<64xf32, #tpu.memory_space<vmem>>, vector<16xf32>,
        tpu.vector_store %parallel_loop3A_492[%parallel_loop3A_493], %parallel_loop3A_485 {strides = array<i32>} : memref<64xf32, #tpu.memory_space<vmem>>, vector<16xf32>,
        %parallel_loop3A_495 = arith.subf %parallel_loop3A_395, %parallel_loop3A_417 : vector<16xf32>
        %parallel_loop3A_496 = arith.mulf %parallel_loop3A_495, %parallel_loop3A_455 : vector<16xf32>
        %parallel_loop3A_497 = arith.mulf %parallel_loop3A_496, %get3A_213 : vector<16xf32>
        %parallel_loop3A_498 = arith.addf %parallel_loop3A_497, %get3A_221 : vector<16xf32>
        %parallel_loop3A_499 = arith.constant 0 : i32
        %parallel_loop3A_500 = arith.constant 0 : i32
        %parallel_loop3A_501 = tpu.memref_slice %arg8[%parallel_loop3A_225, %parallel_loop3A_499, %parallel_loop3A_500] : memref<4x256x64xf32, #tpu.memory_space<vmem>> -> memref<1x256x64xf32, #tpu.memory_space<vmem>>
        %parallel_loop3A_502 = tpu.memref_squeeze %parallel_loop3A_501 : memref<1x256x64xf32, #tpu.memory_space<vmem>> -> memref<256x64xf32, #tpu.memory_space<vmem>>
        %parallel_loop3A_503 = arith.constant 0 : i32
        %parallel_loop3A_504 = tpu.memref_slice %parallel_loop3A_502[%parallel_loop3A_359, %parallel_loop3A_503] : memref<256x64xf32, #tpu.memory_space<vmem>> -> memref<1x64xf32, #tpu.memory_space<vmem>>
        %parallel_loop3A_505 = tpu.memref_squeeze %parallel_loop3A_504 : memref<1x64xf32, #tpu.memory_space<vmem>> -> memref<64xf32, #tpu.memory_space<vmem>>
        %parallel_loop3A_506 = arith.constant 48 : index
        %parallel_loop3A_507 = tpu.vector_load %parallel_loop3A_505[%parallel_loop3A_506] {strides = array<i32>} : memref<64xf32, #tpu.memory_space<vmem>>, vector<16xf32>,
        tpu.vector_store %parallel_loop3A_505[%parallel_loop3A_506], %parallel_loop3A_498 {strides = array<i32>} : memref<64xf32, #tpu.memory_space<vmem>>, vector<16xf32>,
      } {sc.loop_unroll_factor = 4 : i64, sc.parallel_access}
      %add3A_226 = arith.addi %mul3A_2, %add3A_176 : i32
      %dma_start3A_227 = arith.constant 1 : i32
      %dma_start3A_228 = arith.constant 0 : i32
      %dma_start3A_229 = arith.constant 0 : i32
      %dma_start3A_230 = tpu.memref_slice %arg8[%dma_start3A_227, %dma_start3A_228, %dma_start3A_229] : memref<4x256x64xf32, #tpu.memory_space<vmem>> -> memref<1x256x64xf32, #tpu.memory_space<vmem>>
      %dma_start3A_231 = tpu.memref_squeeze %dma_start3A_230 : memref<1x256x64xf32, #tpu.memory_space<vmem>> -> memref<256x64xf32, #tpu.memory_space<vmem>>
      %dma_start3A_232 = arith.constant 0 : i32
      %dma_start3A_233 = arith.constant 0 : i32
      %dma_start3A_234 = tpu.memref_slice %arg6[%add3A_226, %dma_start3A_232, %dma_start3A_233] : memref<3200x256x64xf32, #tpu.memory_space<hbm>> -> memref<1x256x64xf32, #tpu.memory_space<hbm>>
      %dma_start3A_235 = tpu.memref_squeeze %dma_start3A_234 : memref<1x256x64xf32, #tpu.memory_space<hbm>> -> memref<256x64xf32, #tpu.memory_space<hbm>>
      %dma_start3A_236 = arith.constant 0 : i32
      %dma_start3A_237 = arith.constant 0 : i32
      %dma_start3A_238 = tpu.memref_slice %arg6[%add3A_226, %dma_start3A_236, %dma_start3A_237] : memref<3200x256x64xf32, #tpu.memory_space<hbm>> -> memref<1x256x64xf32, #tpu.memory_space<hbm>>
      %dma_start3A_239 = tpu.memref_squeeze %dma_start3A_238 : memref<1x256x64xf32, #tpu.memory_space<hbm>> -> memref<256x64xf32, #tpu.memory_space<hbm>>
      %dma_start3A_240 = arith.constant 0 : i32
      %dma_start3A_241 = arith.constant 0 : i32
      %dma_start3A_242 = tpu.memref_slice %arg8[%dma_start3A_227, %dma_start3A_240, %dma_start3A_241] : memref<4x256x64xf32, #tpu.memory_space<vmem>> -> memref<1x256x64xf32, #tpu.memory_space<vmem>>
      %dma_start3A_243 = tpu.memref_squeeze %dma_start3A_242 : memref<1x256x64xf32, #tpu.memory_space<vmem>> -> memref<256x64xf32, #tpu.memory_space<vmem>>
      tpu.enqueue_dma source(%dma_start3A_243 : memref<256x64xf32, #tpu.memory_space<vmem>>) target(%dma_start3A_239 : memref<256x64xf32, #tpu.memory_space<hbm>>) target_semaphore(%arg16 : memref<!tpu.dma_semaphore, #tpu.memory_space<semaphore_mem>>)
      %mul3A_244 = arith.constant 4 : i32
      %mul3A_245 = arith.muli %scan3A_106, %mul3A_244 : i32
      %add3A_246 = arith.constant 2 : i32
      %add3A_247 = arith.addi %mul3A_245, %add3A_246 : i32
      %le3A = arith.constant 23 : i32
      %le3A_248 = arith.cmpi sle, %scan3A_106, %le3A : i32
      %convert_element_type3A_249 = arith.extui %le3A_248 : i1 to i32
      %cond3A_250 = arith.constant 0 : i32
      %cond3A_251 = arith.cmpi ne, %convert_element_type3A_249, %cond3A_250 : i32
      scf.if %cond3A_251 {
        %ge3A_359 = arith.constant 2 : i32
        %ge3A_360 = arith.cmpi sge, %add3A_247, %ge3A_359 : i32
        %convert_element_type3A_361 = arith.extui %ge3A_360 : i1 to i32
        %cond3A_362 = arith.constant 0 : i32
        %cond3A_363 = arith.cmpi ne, %convert_element_type3A_361, %cond3A_362 : i32
        scf.if %cond3A_363 {
          %sub3A = arith.constant 2 : i32
          %sub3A_377 = arith.subi %add3A_247, %sub3A : i32
          %add3A_378 = arith.addi %mul3A_2, %sub3A_377 : i32
          %dma_wait3A_379 = arith.constant 0 : i32
          %dma_wait3A_380 = arith.constant 0 : i32
          %dma_wait3A_381 = arith.constant 0 : i32
          %dma_wait3A_382 = tpu.memref_slice %arg8[%dma_wait3A_379, %dma_wait3A_380, %dma_wait3A_381] : memref<4x256x64xf32, #tpu.memory_space<vmem>> -> memref<1x256x64xf32, #tpu.memory_space<vmem>>
          %dma_wait3A_383 = tpu.memref_squeeze %dma_wait3A_382 : memref<1x256x64xf32, #tpu.memory_space<vmem>> -> memref<256x64xf32, #tpu.memory_space<vmem>>
          %dma_wait3A_384 = arith.constant 0 : i32
          %dma_wait3A_385 = arith.constant 0 : i32
          %dma_wait3A_386 = tpu.memref_slice %arg6[%add3A_378, %dma_wait3A_384, %dma_wait3A_385] : memref<3200x256x64xf32, #tpu.memory_space<hbm>> -> memref<1x256x64xf32, #tpu.memory_space<hbm>>
          %dma_wait3A_387 = tpu.memref_squeeze %dma_wait3A_386 : memref<1x256x64xf32, #tpu.memory_space<hbm>> -> memref<256x64xf32, #tpu.memory_space<hbm>>
          %dma_wait3A_388 = arith.constant 0 : i32
          %dma_wait3A_389 = arith.constant 0 : i32
          %dma_wait3A_390 = tpu.memref_slice %arg6[%add3A_378, %dma_wait3A_388, %dma_wait3A_389] : memref<3200x256x64xf32, #tpu.memory_space<hbm>> -> memref<1x256x64xf32, #tpu.memory_space<hbm>>
          %dma_wait3A_391 = tpu.memref_squeeze %dma_wait3A_390 : memref<1x256x64xf32, #tpu.memory_space<hbm>> -> memref<256x64xf32, #tpu.memory_space<hbm>>
          %dma_wait3A_392 = arith.constant 0 : i32
          %dma_wait3A_393 = arith.constant 0 : i32
          %dma_wait3A_394 = tpu.memref_slice %arg8[%dma_wait3A_379, %dma_wait3A_392, %dma_wait3A_393] : memref<4x256x64xf32, #tpu.memory_space<vmem>> -> memref<1x256x64xf32, #tpu.memory_space<vmem>>
          %dma_wait3A_395 = tpu.memref_squeeze %dma_wait3A_394 : memref<1x256x64xf32, #tpu.memory_space<vmem>> -> memref<256x64xf32, #tpu.memory_space<vmem>>
          tpu.wait_dma2 semaphore(%arg15 : memref<!tpu.dma_semaphore, #tpu.memory_space<semaphore_mem>>) src(%dma_wait3A_395 : memref<256x64xf32, #tpu.memory_space<vmem>>) dst(%dma_wait3A_391 : memref<256x64xf32, #tpu.memory_space<hbm>>)
        } else {
        }
        %add3A_364 = arith.constant 2 : i32
        %add3A_365 = arith.addi %add3A_247, %add3A_364 : i32
        %dma_start3A_366 = arith.constant 0 : i32
        %dma_start3A_367 = arith.constant 0 : i32
        %dma_start3A_368 = arith.constant 0 : i32
        %dma_start3A_369 = tpu.memref_slice %arg8[%dma_start3A_366, %dma_start3A_367, %dma_start3A_368] : memref<4x256x64xf32, #tpu.memory_space<vmem>> -> memref<1x256x64xf32, #tpu.memory_space<vmem>>
        %dma_start3A_370 = tpu.memref_squeeze %dma_start3A_369 : memref<1x256x64xf32, #tpu.memory_space<vmem>> -> memref<256x64xf32, #tpu.memory_space<vmem>>
        %dma_start3A_371 = arith.constant 0 : i32
        %dma_start3A_372 = tpu.memref_slice %arg7[%add3A_365, %dma_start3A_371] : memref<100x256xi32, #tpu.memory_space<vmem>> -> memref<1x256xi32, #tpu.memory_space<vmem>>
        %dma_start3A_373 = tpu.memref_squeeze %dma_start3A_372 : memref<1x256xi32, #tpu.memory_space<vmem>> -> memref<256xi32, #tpu.memory_space<vmem>>
        %dma_start3A_374 = arith.constant 0 : i32
        %dma_start3A_375 = arith.constant 0 : i32
        %dma_start3A_376 = tpu.memref_slice %arg3[%dma_start3A_374, %dma_start3A_375] : memref<1000000x64xf32, #tpu.memory_space<hbm>> -> memref<1000000x64xf32, #tpu.memory_space<hbm>>
        tpu.enqueue_indirect_dma source(%dma_start3A_376 : memref<1000000x64xf32, #tpu.memory_space<hbm>>) target(%dma_start3A_370 : memref<256x64xf32, #tpu.memory_space<vmem>>) offsets(%dma_start3A_373 : memref<256xi32, #tpu.memory_space<vmem>>) semaphore(%arg11 : memref<!tpu.dma_semaphore, #tpu.memory_space<semaphore_mem>>)
      } else {
      }
      %dma_wait3A_252 = arith.constant 2 : i32
      %dma_wait3A_253 = arith.constant 0 : i32
      %dma_wait3A_254 = arith.constant 0 : i32
      %dma_wait3A_255 = tpu.memref_slice %arg8[%dma_wait3A_252, %dma_wait3A_253, %dma_wait3A_254] : memref<4x256x64xf32, #tpu.memory_space<vmem>> -> memref<1x256x64xf32, #tpu.memory_space<vmem>>
      %dma_wait3A_256 = tpu.memref_squeeze %dma_wait3A_255 : memref<1x256x64xf32, #tpu.memory_space<vmem>> -> memref<256x64xf32, #tpu.memory_space<vmem>>
      %dma_wait3A_257 = arith.constant 0 : i32
      %dma_wait3A_258 = tpu.memref_slice %arg7[%add3A_247, %dma_wait3A_257] : memref<100x256xi32, #tpu.memory_space<vmem>> -> memref<1x256xi32, #tpu.memory_space<vmem>>
      %dma_wait3A_259 = tpu.memref_squeeze %dma_wait3A_258 : memref<1x256xi32, #tpu.memory_space<vmem>> -> memref<256xi32, #tpu.memory_space<vmem>>
      %dma_wait3A_260 = arith.constant 0 : i32
      %dma_wait3A_261 = arith.constant 0 : i32
      %dma_wait3A_262 = tpu.memref_slice %arg3[%dma_wait3A_260, %dma_wait3A_261] : memref<1000000x64xf32, #tpu.memory_space<hbm>> -> memref<1000000x64xf32, #tpu.memory_space<hbm>>
      tpu.wait_indirect_dma semaphore(%arg13 : memref<!tpu.dma_semaphore, #tpu.memory_space<semaphore_mem>>) src(%dma_wait3A_262 : memref<1000000x64xf32, #tpu.memory_space<hbm>>) dst(%dma_wait3A_256 : memref<256x64xf32, #tpu.memory_space<vmem>>)
      %get3A_263 = arith.constant 0 : index
      %get3A_264 = tpu.vector_load %arg9[%get3A_263] {strides = array<i32>} : memref<64xf32, #tpu.memory_space<vmem>>, vector<16xf32>,
      %get3A_265 = arith.constant 16 : index
      %get3A_266 = tpu.vector_load %arg9[%get3A_265] {strides = array<i32>} : memref<64xf32, #tpu.memory_space<vmem>>, vector<16xf32>,
      %get3A_267 = arith.constant 32 : index
      %get3A_268 = tpu.vector_load %arg9[%get3A_267] {strides = array<i32>} : memref<64xf32, #tpu.memory_space<vmem>>, vector<16xf32>,
      %get3A_269 = arith.constant 48 : index
      %get3A_270 = tpu.vector_load %arg9[%get3A_269] {strides = array<i32>} : memref<64xf32, #tpu.memory_space<vmem>>, vector<16xf32>,
      %get3A_271 = arith.constant 0 : index
      %get3A_272 = tpu.vector_load %arg10[%get3A_271] {strides = array<i32>} : memref<64xf32, #tpu.memory_space<vmem>>, vector<16xf32>,
      %get3A_273 = arith.constant 16 : index
      %get3A_274 = tpu.vector_load %arg10[%get3A_273] {strides = array<i32>} : memref<64xf32, #tpu.memory_space<vmem>>, vector<16xf32>,
      %get3A_275 = arith.constant 32 : index
      %get3A_276 = tpu.vector_load %arg10[%get3A_275] {strides = array<i32>} : memref<64xf32, #tpu.memory_space<vmem>>, vector<16xf32>,
      %get3A_277 = arith.constant 48 : index
      %get3A_278 = tpu.vector_load %arg10[%get3A_277] {strides = array<i32>} : memref<64xf32, #tpu.memory_space<vmem>>, vector<16xf32>,
      %parallel_loop3A_279 = arith.constant 0 : i32
      %parallel_loop3A_280 = arith.constant 256 : i32
      %parallel_loop3A_281 = arith.constant 1 : i32
      %parallel_loop3A_282 = arith.constant 2 : i32
      scf.for %parallel_loop3A_359 = %parallel_loop3A_279 to %parallel_loop3A_280 step %parallel_loop3A_281  : i32 {
        %parallel_loop3A_360 = arith.constant 0 : i32
        %parallel_loop3A_361 = arith.constant 0 : i32
        %parallel_loop3A_362 = tpu.memref_slice %arg8[%parallel_loop3A_282, %parallel_loop3A_360, %parallel_loop3A_361] : memref<4x256x64xf32, #tpu.memory_space<vmem>> -> memref<1x256x64xf32, #tpu.memory_space<vmem>>
        %parallel_loop3A_363 = tpu.memref_squeeze %parallel_loop3A_362 : memref<1x256x64xf32, #tpu.memory_space<vmem>> -> memref<256x64xf32, #tpu.memory_space<vmem>>
        %parallel_loop3A_364 = arith.constant 0 : i32
        %parallel_loop3A_365 = tpu.memref_slice %parallel_loop3A_363[%parallel_loop3A_359, %parallel_loop3A_364] : memref<256x64xf32, #tpu.memory_space<vmem>> -> memref<1x64xf32, #tpu.memory_space<vmem>>
        %parallel_loop3A_366 = tpu.memref_squeeze %parallel_loop3A_365 : memref<1x64xf32, #tpu.memory_space<vmem>> -> memref<64xf32, #tpu.memory_space<vmem>>
        %parallel_loop3A_367 = arith.constant 0 : index
        %parallel_loop3A_368 = tpu.vector_load %parallel_loop3A_366[%parallel_loop3A_367] {strides = array<i32>} : memref<64xf32, #tpu.memory_space<vmem>>, vector<16xf32>,
        %parallel_loop3A_369 = arith.constant 0 : i32
        %parallel_loop3A_370 = arith.constant 0 : i32
        %parallel_loop3A_371 = tpu.memref_slice %arg8[%parallel_loop3A_282, %parallel_loop3A_369, %parallel_loop3A_370] : memref<4x256x64xf32, #tpu.memory_space<vmem>> -> memref<1x256x64xf32, #tpu.memory_space<vmem>>
        %parallel_loop3A_372 = tpu.memref_squeeze %parallel_loop3A_371 : memref<1x256x64xf32, #tpu.memory_space<vmem>> -> memref<256x64xf32, #tpu.memory_space<vmem>>
        %parallel_loop3A_373 = arith.constant 0 : i32
        %parallel_loop3A_374 = tpu.memref_slice %parallel_loop3A_372[%parallel_loop3A_359, %parallel_loop3A_373] : memref<256x64xf32, #tpu.memory_space<vmem>> -> memref<1x64xf32, #tpu.memory_space<vmem>>
        %parallel_loop3A_375 = tpu.memref_squeeze %parallel_loop3A_374 : memref<1x64xf32, #tpu.memory_space<vmem>> -> memref<64xf32, #tpu.memory_space<vmem>>
        %parallel_loop3A_376 = arith.constant 16 : index
        %parallel_loop3A_377 = tpu.vector_load %parallel_loop3A_375[%parallel_loop3A_376] {strides = array<i32>} : memref<64xf32, #tpu.memory_space<vmem>>, vector<16xf32>,
        %parallel_loop3A_378 = arith.constant 0 : i32
        %parallel_loop3A_379 = arith.constant 0 : i32
        %parallel_loop3A_380 = tpu.memref_slice %arg8[%parallel_loop3A_282, %parallel_loop3A_378, %parallel_loop3A_379] : memref<4x256x64xf32, #tpu.memory_space<vmem>> -> memref<1x256x64xf32, #tpu.memory_space<vmem>>
        %parallel_loop3A_381 = tpu.memref_squeeze %parallel_loop3A_380 : memref<1x256x64xf32, #tpu.memory_space<vmem>> -> memref<256x64xf32, #tpu.memory_space<vmem>>
        %parallel_loop3A_382 = arith.constant 0 : i32
        %parallel_loop3A_383 = tpu.memref_slice %parallel_loop3A_381[%parallel_loop3A_359, %parallel_loop3A_382] : memref<256x64xf32, #tpu.memory_space<vmem>> -> memref<1x64xf32, #tpu.memory_space<vmem>>
        %parallel_loop3A_384 = tpu.memref_squeeze %parallel_loop3A_383 : memref<1x64xf32, #tpu.memory_space<vmem>> -> memref<64xf32, #tpu.memory_space<vmem>>
        %parallel_loop3A_385 = arith.constant 32 : index
        %parallel_loop3A_386 = tpu.vector_load %parallel_loop3A_384[%parallel_loop3A_385] {strides = array<i32>} : memref<64xf32, #tpu.memory_space<vmem>>, vector<16xf32>,
        %parallel_loop3A_387 = arith.constant 0 : i32
        %parallel_loop3A_388 = arith.constant 0 : i32
        %parallel_loop3A_389 = tpu.memref_slice %arg8[%parallel_loop3A_282, %parallel_loop3A_387, %parallel_loop3A_388] : memref<4x256x64xf32, #tpu.memory_space<vmem>> -> memref<1x256x64xf32, #tpu.memory_space<vmem>>
        %parallel_loop3A_390 = tpu.memref_squeeze %parallel_loop3A_389 : memref<1x256x64xf32, #tpu.memory_space<vmem>> -> memref<256x64xf32, #tpu.memory_space<vmem>>
        %parallel_loop3A_391 = arith.constant 0 : i32
        %parallel_loop3A_392 = tpu.memref_slice %parallel_loop3A_390[%parallel_loop3A_359, %parallel_loop3A_391] : memref<256x64xf32, #tpu.memory_space<vmem>> -> memref<1x64xf32, #tpu.memory_space<vmem>>
        %parallel_loop3A_393 = tpu.memref_squeeze %parallel_loop3A_392 : memref<1x64xf32, #tpu.memory_space<vmem>> -> memref<64xf32, #tpu.memory_space<vmem>>
        %parallel_loop3A_394 = arith.constant 48 : index
        %parallel_loop3A_395 = tpu.vector_load %parallel_loop3A_393[%parallel_loop3A_394] {strides = array<i32>} : memref<64xf32, #tpu.memory_space<vmem>>, vector<16xf32>,
        %parallel_loop3A_396 = arith.addf %parallel_loop3A_368, %parallel_loop3A_377 : vector<16xf32>
        %parallel_loop3A_397 = arith.addf %parallel_loop3A_386, %parallel_loop3A_395 : vector<16xf32>
        %parallel_loop3A_398 = arith.addf %parallel_loop3A_396, %parallel_loop3A_397 : vector<16xf32>
        %parallel_loop3A_399 = arith.mulf %parallel_loop3A_368, %parallel_loop3A_368 : vector<16xf32>
        %parallel_loop3A_400 = arith.mulf %parallel_loop3A_377, %parallel_loop3A_377 : vector<16xf32>
        %parallel_loop3A_401 = arith.addf %parallel_loop3A_399, %parallel_loop3A_400 : vector<16xf32>
        %parallel_loop3A_402 = arith.mulf %parallel_loop3A_386, %parallel_loop3A_386 : vector<16xf32>
        %parallel_loop3A_403 = arith.mulf %parallel_loop3A_395, %parallel_loop3A_395 : vector<16xf32>
        %parallel_loop3A_404 = arith.addf %parallel_loop3A_402, %parallel_loop3A_403 : vector<16xf32>
        %parallel_loop3A_405 = arith.addf %parallel_loop3A_401, %parallel_loop3A_404 : vector<16xf32>
        %parallel_loop3A_406 = arith.constant true
        %parallel_loop3A_407 = vector.broadcast %parallel_loop3A_406 : i1 to vector<16xi1>
        %parallel_loop3A_408 = tpu.scan <sum>, %parallel_loop3A_398 masked %parallel_loop3A_407 : vector<16xf32>, vector<16xi1> -> vector<16xf32>
        %parallel_loop3A_409 = vector.extract %parallel_loop3A_408[15] : f32 from vector<16xf32>
        %parallel_loop3A_410 = arith.constant true
        %parallel_loop3A_411 = vector.broadcast %parallel_loop3A_410 : i1 to vector<16xi1>
        %parallel_loop3A_412 = tpu.scan <sum>, %parallel_loop3A_405 masked %parallel_loop3A_411 : vector<16xf32>, vector<16xi1> -> vector<16xf32>
        %parallel_loop3A_413 = vector.extract %parallel_loop3A_412[15] : f32 from vector<16xf32>
        %parallel_loop3A_414 = vector.broadcast %parallel_loop3A_409 : f32 to vector<16xf32>
        %parallel_loop3A_415 = arith.constant 1.562500e-02 : f32
        %parallel_loop3A_416 = vector.broadcast %parallel_loop3A_415 : f32 to vector<16xf32>
        %parallel_loop3A_417 = arith.mulf %parallel_loop3A_414, %parallel_loop3A_416 : vector<16xf32>
        %parallel_loop3A_418 = vector.broadcast %parallel_loop3A_413 : f32 to vector<16xf32>
        %parallel_loop3A_419 = arith.constant 1.562500e-02 : f32
        %parallel_loop3A_420 = vector.broadcast %parallel_loop3A_419 : f32 to vector<16xf32>
        %parallel_loop3A_421 = arith.mulf %parallel_loop3A_418, %parallel_loop3A_420 : vector<16xf32>
        %parallel_loop3A_422 = arith.mulf %parallel_loop3A_417, %parallel_loop3A_417 : vector<16xf32>
        %parallel_loop3A_423 = arith.subf %parallel_loop3A_421, %parallel_loop3A_422 : vector<16xf32>
        %parallel_loop3A_424 = arith.constant 9.99999996E-13 : f32
        %parallel_loop3A_425 = vector.broadcast %parallel_loop3A_424 : f32 to vector<16xf32>
        %parallel_loop3A_426 = arith.addf %parallel_loop3A_423, %parallel_loop3A_425 : vector<16xf32>
        %parallel_loop3A_427 = vector.bitcast %parallel_loop3A_426 : vector<16xf32> to vector<16xi32>
        %parallel_loop3A_428 = arith.constant 1597463007 : i32
        %parallel_loop3A_429 = vector.broadcast %parallel_loop3A_428 : i32 to vector<16xi32>
        %parallel_loop3A_430 = arith.constant 1 : i32
        %parallel_loop3A_431 = vector.broadcast %parallel_loop3A_430 : i32 to vector<16xi32>
        %parallel_loop3A_432 = arith.shrsi %parallel_loop3A_427, %parallel_loop3A_431 : vector<16xi32>
        %parallel_loop3A_433 = arith.subi %parallel_loop3A_429, %parallel_loop3A_432 : vector<16xi32>
        %parallel_loop3A_434 = vector.bitcast %parallel_loop3A_433 : vector<16xi32> to vector<16xf32>
        %parallel_loop3A_435 = arith.constant 5.000000e-01 : f32
        %parallel_loop3A_436 = vector.broadcast %parallel_loop3A_435 : f32 to vector<16xf32>
        %parallel_loop3A_437 = arith.mulf %parallel_loop3A_426, %parallel_loop3A_436 : vector<16xf32>
        %parallel_loop3A_438 = arith.mulf %parallel_loop3A_437, %parallel_loop3A_434 : vector<16xf32>
        %parallel_loop3A_439 = arith.mulf %parallel_loop3A_438, %parallel_loop3A_434 : vector<16xf32>
        %parallel_loop3A_440 = arith.constant 1.500000e+00 : f32
        %parallel_loop3A_441 = vector.broadcast %parallel_loop3A_440 : f32 to vector<16xf32>
        %parallel_loop3A_442 = arith.subf %parallel_loop3A_441, %parallel_loop3A_439 : vector<16xf32>
        %parallel_loop3A_443 = arith.mulf %parallel_loop3A_434, %parallel_loop3A_442 : vector<16xf32>
        %parallel_loop3A_444 = arith.mulf %parallel_loop3A_437, %parallel_loop3A_443 : vector<16xf32>
        %parallel_loop3A_445 = arith.mulf %parallel_loop3A_444, %parallel_loop3A_443 : vector<16xf32>
        %parallel_loop3A_446 = arith.constant 1.500000e+00 : f32
        %parallel_loop3A_447 = vector.broadcast %parallel_loop3A_446 : f32 to vector<16xf32>
        %parallel_loop3A_448 = arith.subf %parallel_loop3A_447, %parallel_loop3A_445 : vector<16xf32>
        %parallel_loop3A_449 = arith.mulf %parallel_loop3A_443, %parallel_loop3A_448 : vector<16xf32>
        %parallel_loop3A_450 = arith.mulf %parallel_loop3A_437, %parallel_loop3A_449 : vector<16xf32>
        %parallel_loop3A_451 = arith.mulf %parallel_loop3A_450, %parallel_loop3A_449 : vector<16xf32>
        %parallel_loop3A_452 = arith.constant 1.500000e+00 : f32
        %parallel_loop3A_453 = vector.broadcast %parallel_loop3A_452 : f32 to vector<16xf32>
        %parallel_loop3A_454 = arith.subf %parallel_loop3A_453, %parallel_loop3A_451 : vector<16xf32>
        %parallel_loop3A_455 = arith.mulf %parallel_loop3A_449, %parallel_loop3A_454 : vector<16xf32>
        %parallel_loop3A_456 = arith.subf %parallel_loop3A_368, %parallel_loop3A_417 : vector<16xf32>
        %parallel_loop3A_457 = arith.mulf %parallel_loop3A_456, %parallel_loop3A_455 : vector<16xf32>
        %parallel_loop3A_458 = arith.mulf %parallel_loop3A_457, %get3A_264 : vector<16xf32>
        %parallel_loop3A_459 = arith.addf %parallel_loop3A_458, %get3A_272 : vector<16xf32>
        %parallel_loop3A_460 = arith.constant 0 : i32
        %parallel_loop3A_461 = arith.constant 0 : i32
        %parallel_loop3A_462 = tpu.memref_slice %arg8[%parallel_loop3A_282, %parallel_loop3A_460, %parallel_loop3A_461] : memref<4x256x64xf32, #tpu.memory_space<vmem>> -> memref<1x256x64xf32, #tpu.memory_space<vmem>>
        %parallel_loop3A_463 = tpu.memref_squeeze %parallel_loop3A_462 : memref<1x256x64xf32, #tpu.memory_space<vmem>> -> memref<256x64xf32, #tpu.memory_space<vmem>>
        %parallel_loop3A_464 = arith.constant 0 : i32
        %parallel_loop3A_465 = tpu.memref_slice %parallel_loop3A_463[%parallel_loop3A_359, %parallel_loop3A_464] : memref<256x64xf32, #tpu.memory_space<vmem>> -> memref<1x64xf32, #tpu.memory_space<vmem>>
        %parallel_loop3A_466 = tpu.memref_squeeze %parallel_loop3A_465 : memref<1x64xf32, #tpu.memory_space<vmem>> -> memref<64xf32, #tpu.memory_space<vmem>>
        %parallel_loop3A_467 = arith.constant 0 : index
        %parallel_loop3A_468 = tpu.vector_load %parallel_loop3A_466[%parallel_loop3A_467] {strides = array<i32>} : memref<64xf32, #tpu.memory_space<vmem>>, vector<16xf32>,
        tpu.vector_store %parallel_loop3A_466[%parallel_loop3A_467], %parallel_loop3A_459 {strides = array<i32>} : memref<64xf32, #tpu.memory_space<vmem>>, vector<16xf32>,
        %parallel_loop3A_469 = arith.subf %parallel_loop3A_377, %parallel_loop3A_417 : vector<16xf32>
        %parallel_loop3A_470 = arith.mulf %parallel_loop3A_469, %parallel_loop3A_455 : vector<16xf32>
        %parallel_loop3A_471 = arith.mulf %parallel_loop3A_470, %get3A_266 : vector<16xf32>
        %parallel_loop3A_472 = arith.addf %parallel_loop3A_471, %get3A_274 : vector<16xf32>
        %parallel_loop3A_473 = arith.constant 0 : i32
        %parallel_loop3A_474 = arith.constant 0 : i32
        %parallel_loop3A_475 = tpu.memref_slice %arg8[%parallel_loop3A_282, %parallel_loop3A_473, %parallel_loop3A_474] : memref<4x256x64xf32, #tpu.memory_space<vmem>> -> memref<1x256x64xf32, #tpu.memory_space<vmem>>
        %parallel_loop3A_476 = tpu.memref_squeeze %parallel_loop3A_475 : memref<1x256x64xf32, #tpu.memory_space<vmem>> -> memref<256x64xf32, #tpu.memory_space<vmem>>
        %parallel_loop3A_477 = arith.constant 0 : i32
        %parallel_loop3A_478 = tpu.memref_slice %parallel_loop3A_476[%parallel_loop3A_359, %parallel_loop3A_477] : memref<256x64xf32, #tpu.memory_space<vmem>> -> memref<1x64xf32, #tpu.memory_space<vmem>>
        %parallel_loop3A_479 = tpu.memref_squeeze %parallel_loop3A_478 : memref<1x64xf32, #tpu.memory_space<vmem>> -> memref<64xf32, #tpu.memory_space<vmem>>
        %parallel_loop3A_480 = arith.constant 16 : index
        %parallel_loop3A_481 = tpu.vector_load %parallel_loop3A_479[%parallel_loop3A_480] {strides = array<i32>} : memref<64xf32, #tpu.memory_space<vmem>>, vector<16xf32>,
        tpu.vector_store %parallel_loop3A_479[%parallel_loop3A_480], %parallel_loop3A_472 {strides = array<i32>} : memref<64xf32, #tpu.memory_space<vmem>>, vector<16xf32>,
        %parallel_loop3A_482 = arith.subf %parallel_loop3A_386, %parallel_loop3A_417 : vector<16xf32>
        %parallel_loop3A_483 = arith.mulf %parallel_loop3A_482, %parallel_loop3A_455 : vector<16xf32>
        %parallel_loop3A_484 = arith.mulf %parallel_loop3A_483, %get3A_268 : vector<16xf32>
        %parallel_loop3A_485 = arith.addf %parallel_loop3A_484, %get3A_276 : vector<16xf32>
        %parallel_loop3A_486 = arith.constant 0 : i32
        %parallel_loop3A_487 = arith.constant 0 : i32
        %parallel_loop3A_488 = tpu.memref_slice %arg8[%parallel_loop3A_282, %parallel_loop3A_486, %parallel_loop3A_487] : memref<4x256x64xf32, #tpu.memory_space<vmem>> -> memref<1x256x64xf32, #tpu.memory_space<vmem>>
        %parallel_loop3A_489 = tpu.memref_squeeze %parallel_loop3A_488 : memref<1x256x64xf32, #tpu.memory_space<vmem>> -> memref<256x64xf32, #tpu.memory_space<vmem>>
        %parallel_loop3A_490 = arith.constant 0 : i32
        %parallel_loop3A_491 = tpu.memref_slice %parallel_loop3A_489[%parallel_loop3A_359, %parallel_loop3A_490] : memref<256x64xf32, #tpu.memory_space<vmem>> -> memref<1x64xf32, #tpu.memory_space<vmem>>
        %parallel_loop3A_492 = tpu.memref_squeeze %parallel_loop3A_491 : memref<1x64xf32, #tpu.memory_space<vmem>> -> memref<64xf32, #tpu.memory_space<vmem>>
        %parallel_loop3A_493 = arith.constant 32 : index
        %parallel_loop3A_494 = tpu.vector_load %parallel_loop3A_492[%parallel_loop3A_493] {strides = array<i32>} : memref<64xf32, #tpu.memory_space<vmem>>, vector<16xf32>,
        tpu.vector_store %parallel_loop3A_492[%parallel_loop3A_493], %parallel_loop3A_485 {strides = array<i32>} : memref<64xf32, #tpu.memory_space<vmem>>, vector<16xf32>,
        %parallel_loop3A_495 = arith.subf %parallel_loop3A_395, %parallel_loop3A_417 : vector<16xf32>
        %parallel_loop3A_496 = arith.mulf %parallel_loop3A_495, %parallel_loop3A_455 : vector<16xf32>
        %parallel_loop3A_497 = arith.mulf %parallel_loop3A_496, %get3A_270 : vector<16xf32>
        %parallel_loop3A_498 = arith.addf %parallel_loop3A_497, %get3A_278 : vector<16xf32>
        %parallel_loop3A_499 = arith.constant 0 : i32
        %parallel_loop3A_500 = arith.constant 0 : i32
        %parallel_loop3A_501 = tpu.memref_slice %arg8[%parallel_loop3A_282, %parallel_loop3A_499, %parallel_loop3A_500] : memref<4x256x64xf32, #tpu.memory_space<vmem>> -> memref<1x256x64xf32, #tpu.memory_space<vmem>>
        %parallel_loop3A_502 = tpu.memref_squeeze %parallel_loop3A_501 : memref<1x256x64xf32, #tpu.memory_space<vmem>> -> memref<256x64xf32, #tpu.memory_space<vmem>>
        %parallel_loop3A_503 = arith.constant 0 : i32
        %parallel_loop3A_504 = tpu.memref_slice %parallel_loop3A_502[%parallel_loop3A_359, %parallel_loop3A_503] : memref<256x64xf32, #tpu.memory_space<vmem>> -> memref<1x64xf32, #tpu.memory_space<vmem>>
        %parallel_loop3A_505 = tpu.memref_squeeze %parallel_loop3A_504 : memref<1x64xf32, #tpu.memory_space<vmem>> -> memref<64xf32, #tpu.memory_space<vmem>>
        %parallel_loop3A_506 = arith.constant 48 : index
        %parallel_loop3A_507 = tpu.vector_load %parallel_loop3A_505[%parallel_loop3A_506] {strides = array<i32>} : memref<64xf32, #tpu.memory_space<vmem>>, vector<16xf32>,
        tpu.vector_store %parallel_loop3A_505[%parallel_loop3A_506], %parallel_loop3A_498 {strides = array<i32>} : memref<64xf32, #tpu.memory_space<vmem>>, vector<16xf32>,
      } {sc.loop_unroll_factor = 4 : i64, sc.parallel_access}
      %add3A_283 = arith.addi %mul3A_2, %add3A_247 : i32
      %dma_start3A_284 = arith.constant 2 : i32
      %dma_start3A_285 = arith.constant 0 : i32
      %dma_start3A_286 = arith.constant 0 : i32
      %dma_start3A_287 = tpu.memref_slice %arg8[%dma_start3A_284, %dma_start3A_285, %dma_start3A_286] : memref<4x256x64xf32, #tpu.memory_space<vmem>> -> memref<1x256x64xf32, #tpu.memory_space<vmem>>
      %dma_start3A_288 = tpu.memref_squeeze %dma_start3A_287 : memref<1x256x64xf32, #tpu.memory_space<vmem>> -> memref<256x64xf32, #tpu.memory_space<vmem>>
      %dma_start3A_289 = arith.constant 0 : i32
      %dma_start3A_290 = arith.constant 0 : i32
      %dma_start3A_291 = tpu.memref_slice %arg6[%add3A_283, %dma_start3A_289, %dma_start3A_290] : memref<3200x256x64xf32, #tpu.memory_space<hbm>> -> memref<1x256x64xf32, #tpu.memory_space<hbm>>
      %dma_start3A_292 = tpu.memref_squeeze %dma_start3A_291 : memref<1x256x64xf32, #tpu.memory_space<hbm>> -> memref<256x64xf32, #tpu.memory_space<hbm>>
      %dma_start3A_293 = arith.constant 0 : i32
      %dma_start3A_294 = arith.constant 0 : i32
      %dma_start3A_295 = tpu.memref_slice %arg6[%add3A_283, %dma_start3A_293, %dma_start3A_294] : memref<3200x256x64xf32, #tpu.memory_space<hbm>> -> memref<1x256x64xf32, #tpu.memory_space<hbm>>
      %dma_start3A_296 = tpu.memref_squeeze %dma_start3A_295 : memref<1x256x64xf32, #tpu.memory_space<hbm>> -> memref<256x64xf32, #tpu.memory_space<hbm>>
      %dma_start3A_297 = arith.constant 0 : i32
      %dma_start3A_298 = arith.constant 0 : i32
      %dma_start3A_299 = tpu.memref_slice %arg8[%dma_start3A_284, %dma_start3A_297, %dma_start3A_298] : memref<4x256x64xf32, #tpu.memory_space<vmem>> -> memref<1x256x64xf32, #tpu.memory_space<vmem>>
      %dma_start3A_300 = tpu.memref_squeeze %dma_start3A_299 : memref<1x256x64xf32, #tpu.memory_space<vmem>> -> memref<256x64xf32, #tpu.memory_space<vmem>>
      tpu.enqueue_dma source(%dma_start3A_300 : memref<256x64xf32, #tpu.memory_space<vmem>>) target(%dma_start3A_296 : memref<256x64xf32, #tpu.memory_space<hbm>>) target_semaphore(%arg17 : memref<!tpu.dma_semaphore, #tpu.memory_space<semaphore_mem>>)
      %mul3A_301 = arith.constant 4 : i32
      %mul3A_302 = arith.muli %scan3A_106, %mul3A_301 : i32
      %add3A_303 = arith.constant 3 : i32
      %add3A_304 = arith.addi %mul3A_302, %add3A_303 : i32
      %le3A_305 = arith.constant 23 : i32
      %le3A_306 = arith.cmpi sle, %scan3A_106, %le3A_305 : i32
      %convert_element_type3A_307 = arith.extui %le3A_306 : i1 to i32
      %cond3A_308 = arith.constant 0 : i32
      %cond3A_309 = arith.cmpi ne, %convert_element_type3A_307, %cond3A_308 : i32
      scf.if %cond3A_309 {
        %ge3A_359 = arith.constant 2 : i32
        %ge3A_360 = arith.cmpi sge, %add3A_304, %ge3A_359 : i32
        %convert_element_type3A_361 = arith.extui %ge3A_360 : i1 to i32
        %cond3A_362 = arith.constant 0 : i32
        %cond3A_363 = arith.cmpi ne, %convert_element_type3A_361, %cond3A_362 : i32
        scf.if %cond3A_363 {
          %sub3A = arith.constant 2 : i32
          %sub3A_377 = arith.subi %add3A_304, %sub3A : i32
          %add3A_378 = arith.addi %mul3A_2, %sub3A_377 : i32
          %dma_wait3A_379 = arith.constant 1 : i32
          %dma_wait3A_380 = arith.constant 0 : i32
          %dma_wait3A_381 = arith.constant 0 : i32
          %dma_wait3A_382 = tpu.memref_slice %arg8[%dma_wait3A_379, %dma_wait3A_380, %dma_wait3A_381] : memref<4x256x64xf32, #tpu.memory_space<vmem>> -> memref<1x256x64xf32, #tpu.memory_space<vmem>>
          %dma_wait3A_383 = tpu.memref_squeeze %dma_wait3A_382 : memref<1x256x64xf32, #tpu.memory_space<vmem>> -> memref<256x64xf32, #tpu.memory_space<vmem>>
          %dma_wait3A_384 = arith.constant 0 : i32
          %dma_wait3A_385 = arith.constant 0 : i32
          %dma_wait3A_386 = tpu.memref_slice %arg6[%add3A_378, %dma_wait3A_384, %dma_wait3A_385] : memref<3200x256x64xf32, #tpu.memory_space<hbm>> -> memref<1x256x64xf32, #tpu.memory_space<hbm>>
          %dma_wait3A_387 = tpu.memref_squeeze %dma_wait3A_386 : memref<1x256x64xf32, #tpu.memory_space<hbm>> -> memref<256x64xf32, #tpu.memory_space<hbm>>
          %dma_wait3A_388 = arith.constant 0 : i32
          %dma_wait3A_389 = arith.constant 0 : i32
          %dma_wait3A_390 = tpu.memref_slice %arg6[%add3A_378, %dma_wait3A_388, %dma_wait3A_389] : memref<3200x256x64xf32, #tpu.memory_space<hbm>> -> memref<1x256x64xf32, #tpu.memory_space<hbm>>
          %dma_wait3A_391 = tpu.memref_squeeze %dma_wait3A_390 : memref<1x256x64xf32, #tpu.memory_space<hbm>> -> memref<256x64xf32, #tpu.memory_space<hbm>>
          %dma_wait3A_392 = arith.constant 0 : i32
          %dma_wait3A_393 = arith.constant 0 : i32
          %dma_wait3A_394 = tpu.memref_slice %arg8[%dma_wait3A_379, %dma_wait3A_392, %dma_wait3A_393] : memref<4x256x64xf32, #tpu.memory_space<vmem>> -> memref<1x256x64xf32, #tpu.memory_space<vmem>>
          %dma_wait3A_395 = tpu.memref_squeeze %dma_wait3A_394 : memref<1x256x64xf32, #tpu.memory_space<vmem>> -> memref<256x64xf32, #tpu.memory_space<vmem>>
          tpu.wait_dma2 semaphore(%arg16 : memref<!tpu.dma_semaphore, #tpu.memory_space<semaphore_mem>>) src(%dma_wait3A_395 : memref<256x64xf32, #tpu.memory_space<vmem>>) dst(%dma_wait3A_391 : memref<256x64xf32, #tpu.memory_space<hbm>>)
        } else {
        }
        %add3A_364 = arith.constant 2 : i32
        %add3A_365 = arith.addi %add3A_304, %add3A_364 : i32
        %dma_start3A_366 = arith.constant 1 : i32
        %dma_start3A_367 = arith.constant 0 : i32
        %dma_start3A_368 = arith.constant 0 : i32
        %dma_start3A_369 = tpu.memref_slice %arg8[%dma_start3A_366, %dma_start3A_367, %dma_start3A_368] : memref<4x256x64xf32, #tpu.memory_space<vmem>> -> memref<1x256x64xf32, #tpu.memory_space<vmem>>
        %dma_start3A_370 = tpu.memref_squeeze %dma_start3A_369 : memref<1x256x64xf32, #tpu.memory_space<vmem>> -> memref<256x64xf32, #tpu.memory_space<vmem>>
        %dma_start3A_371 = arith.constant 0 : i32
        %dma_start3A_372 = tpu.memref_slice %arg7[%add3A_365, %dma_start3A_371] : memref<100x256xi32, #tpu.memory_space<vmem>> -> memref<1x256xi32, #tpu.memory_space<vmem>>
        %dma_start3A_373 = tpu.memref_squeeze %dma_start3A_372 : memref<1x256xi32, #tpu.memory_space<vmem>> -> memref<256xi32, #tpu.memory_space<vmem>>
        %dma_start3A_374 = arith.constant 0 : i32
        %dma_start3A_375 = arith.constant 0 : i32
        %dma_start3A_376 = tpu.memref_slice %arg3[%dma_start3A_374, %dma_start3A_375] : memref<1000000x64xf32, #tpu.memory_space<hbm>> -> memref<1000000x64xf32, #tpu.memory_space<hbm>>
        tpu.enqueue_indirect_dma source(%dma_start3A_376 : memref<1000000x64xf32, #tpu.memory_space<hbm>>) target(%dma_start3A_370 : memref<256x64xf32, #tpu.memory_space<vmem>>) offsets(%dma_start3A_373 : memref<256xi32, #tpu.memory_space<vmem>>) semaphore(%arg12 : memref<!tpu.dma_semaphore, #tpu.memory_space<semaphore_mem>>)
      } else {
      }
      %dma_wait3A_310 = arith.constant 3 : i32
      %dma_wait3A_311 = arith.constant 0 : i32
      %dma_wait3A_312 = arith.constant 0 : i32
      %dma_wait3A_313 = tpu.memref_slice %arg8[%dma_wait3A_310, %dma_wait3A_311, %dma_wait3A_312] : memref<4x256x64xf32, #tpu.memory_space<vmem>> -> memref<1x256x64xf32, #tpu.memory_space<vmem>>
      %dma_wait3A_314 = tpu.memref_squeeze %dma_wait3A_313 : memref<1x256x64xf32, #tpu.memory_space<vmem>> -> memref<256x64xf32, #tpu.memory_space<vmem>>
      %dma_wait3A_315 = arith.constant 0 : i32
      %dma_wait3A_316 = tpu.memref_slice %arg7[%add3A_304, %dma_wait3A_315] : memref<100x256xi32, #tpu.memory_space<vmem>> -> memref<1x256xi32, #tpu.memory_space<vmem>>
      %dma_wait3A_317 = tpu.memref_squeeze %dma_wait3A_316 : memref<1x256xi32, #tpu.memory_space<vmem>> -> memref<256xi32, #tpu.memory_space<vmem>>
      %dma_wait3A_318 = arith.constant 0 : i32
      %dma_wait3A_319 = arith.constant 0 : i32
      %dma_wait3A_320 = tpu.memref_slice %arg3[%dma_wait3A_318, %dma_wait3A_319] : memref<1000000x64xf32, #tpu.memory_space<hbm>> -> memref<1000000x64xf32, #tpu.memory_space<hbm>>
      tpu.wait_indirect_dma semaphore(%arg14 : memref<!tpu.dma_semaphore, #tpu.memory_space<semaphore_mem>>) src(%dma_wait3A_320 : memref<1000000x64xf32, #tpu.memory_space<hbm>>) dst(%dma_wait3A_314 : memref<256x64xf32, #tpu.memory_space<vmem>>)
      %get3A_321 = arith.constant 0 : index
      %get3A_322 = tpu.vector_load %arg9[%get3A_321] {strides = array<i32>} : memref<64xf32, #tpu.memory_space<vmem>>, vector<16xf32>,
      %get3A_323 = arith.constant 16 : index
      %get3A_324 = tpu.vector_load %arg9[%get3A_323] {strides = array<i32>} : memref<64xf32, #tpu.memory_space<vmem>>, vector<16xf32>,
      %get3A_325 = arith.constant 32 : index
      %get3A_326 = tpu.vector_load %arg9[%get3A_325] {strides = array<i32>} : memref<64xf32, #tpu.memory_space<vmem>>, vector<16xf32>,
      %get3A_327 = arith.constant 48 : index
      %get3A_328 = tpu.vector_load %arg9[%get3A_327] {strides = array<i32>} : memref<64xf32, #tpu.memory_space<vmem>>, vector<16xf32>,
      %get3A_329 = arith.constant 0 : index
      %get3A_330 = tpu.vector_load %arg10[%get3A_329] {strides = array<i32>} : memref<64xf32, #tpu.memory_space<vmem>>, vector<16xf32>,
      %get3A_331 = arith.constant 16 : index
      %get3A_332 = tpu.vector_load %arg10[%get3A_331] {strides = array<i32>} : memref<64xf32, #tpu.memory_space<vmem>>, vector<16xf32>,
      %get3A_333 = arith.constant 32 : index
      %get3A_334 = tpu.vector_load %arg10[%get3A_333] {strides = array<i32>} : memref<64xf32, #tpu.memory_space<vmem>>, vector<16xf32>,
      %get3A_335 = arith.constant 48 : index
      %get3A_336 = tpu.vector_load %arg10[%get3A_335] {strides = array<i32>} : memref<64xf32, #tpu.memory_space<vmem>>, vector<16xf32>,
      %parallel_loop3A_337 = arith.constant 0 : i32
      %parallel_loop3A_338 = arith.constant 256 : i32
      %parallel_loop3A_339 = arith.constant 1 : i32
      %parallel_loop3A_340 = arith.constant 3 : i32
      scf.for %parallel_loop3A_359 = %parallel_loop3A_337 to %parallel_loop3A_338 step %parallel_loop3A_339  : i32 {
        %parallel_loop3A_360 = arith.constant 0 : i32
        %parallel_loop3A_361 = arith.constant 0 : i32
        %parallel_loop3A_362 = tpu.memref_slice %arg8[%parallel_loop3A_340, %parallel_loop3A_360, %parallel_loop3A_361] : memref<4x256x64xf32, #tpu.memory_space<vmem>> -> memref<1x256x64xf32, #tpu.memory_space<vmem>>
        %parallel_loop3A_363 = tpu.memref_squeeze %parallel_loop3A_362 : memref<1x256x64xf32, #tpu.memory_space<vmem>> -> memref<256x64xf32, #tpu.memory_space<vmem>>
        %parallel_loop3A_364 = arith.constant 0 : i32
        %parallel_loop3A_365 = tpu.memref_slice %parallel_loop3A_363[%parallel_loop3A_359, %parallel_loop3A_364] : memref<256x64xf32, #tpu.memory_space<vmem>> -> memref<1x64xf32, #tpu.memory_space<vmem>>
        %parallel_loop3A_366 = tpu.memref_squeeze %parallel_loop3A_365 : memref<1x64xf32, #tpu.memory_space<vmem>> -> memref<64xf32, #tpu.memory_space<vmem>>
        %parallel_loop3A_367 = arith.constant 0 : index
        %parallel_loop3A_368 = tpu.vector_load %parallel_loop3A_366[%parallel_loop3A_367] {strides = array<i32>} : memref<64xf32, #tpu.memory_space<vmem>>, vector<16xf32>,
        %parallel_loop3A_369 = arith.constant 0 : i32
        %parallel_loop3A_370 = arith.constant 0 : i32
        %parallel_loop3A_371 = tpu.memref_slice %arg8[%parallel_loop3A_340, %parallel_loop3A_369, %parallel_loop3A_370] : memref<4x256x64xf32, #tpu.memory_space<vmem>> -> memref<1x256x64xf32, #tpu.memory_space<vmem>>
        %parallel_loop3A_372 = tpu.memref_squeeze %parallel_loop3A_371 : memref<1x256x64xf32, #tpu.memory_space<vmem>> -> memref<256x64xf32, #tpu.memory_space<vmem>>
        %parallel_loop3A_373 = arith.constant 0 : i32
        %parallel_loop3A_374 = tpu.memref_slice %parallel_loop3A_372[%parallel_loop3A_359, %parallel_loop3A_373] : memref<256x64xf32, #tpu.memory_space<vmem>> -> memref<1x64xf32, #tpu.memory_space<vmem>>
        %parallel_loop3A_375 = tpu.memref_squeeze %parallel_loop3A_374 : memref<1x64xf32, #tpu.memory_space<vmem>> -> memref<64xf32, #tpu.memory_space<vmem>>
        %parallel_loop3A_376 = arith.constant 16 : index
        %parallel_loop3A_377 = tpu.vector_load %parallel_loop3A_375[%parallel_loop3A_376] {strides = array<i32>} : memref<64xf32, #tpu.memory_space<vmem>>, vector<16xf32>,
        %parallel_loop3A_378 = arith.constant 0 : i32
        %parallel_loop3A_379 = arith.constant 0 : i32
        %parallel_loop3A_380 = tpu.memref_slice %arg8[%parallel_loop3A_340, %parallel_loop3A_378, %parallel_loop3A_379] : memref<4x256x64xf32, #tpu.memory_space<vmem>> -> memref<1x256x64xf32, #tpu.memory_space<vmem>>
        %parallel_loop3A_381 = tpu.memref_squeeze %parallel_loop3A_380 : memref<1x256x64xf32, #tpu.memory_space<vmem>> -> memref<256x64xf32, #tpu.memory_space<vmem>>
        %parallel_loop3A_382 = arith.constant 0 : i32
        %parallel_loop3A_383 = tpu.memref_slice %parallel_loop3A_381[%parallel_loop3A_359, %parallel_loop3A_382] : memref<256x64xf32, #tpu.memory_space<vmem>> -> memref<1x64xf32, #tpu.memory_space<vmem>>
        %parallel_loop3A_384 = tpu.memref_squeeze %parallel_loop3A_383 : memref<1x64xf32, #tpu.memory_space<vmem>> -> memref<64xf32, #tpu.memory_space<vmem>>
        %parallel_loop3A_385 = arith.constant 32 : index
        %parallel_loop3A_386 = tpu.vector_load %parallel_loop3A_384[%parallel_loop3A_385] {strides = array<i32>} : memref<64xf32, #tpu.memory_space<vmem>>, vector<16xf32>,
        %parallel_loop3A_387 = arith.constant 0 : i32
        %parallel_loop3A_388 = arith.constant 0 : i32
        %parallel_loop3A_389 = tpu.memref_slice %arg8[%parallel_loop3A_340, %parallel_loop3A_387, %parallel_loop3A_388] : memref<4x256x64xf32, #tpu.memory_space<vmem>> -> memref<1x256x64xf32, #tpu.memory_space<vmem>>
        %parallel_loop3A_390 = tpu.memref_squeeze %parallel_loop3A_389 : memref<1x256x64xf32, #tpu.memory_space<vmem>> -> memref<256x64xf32, #tpu.memory_space<vmem>>
        %parallel_loop3A_391 = arith.constant 0 : i32
        %parallel_loop3A_392 = tpu.memref_slice %parallel_loop3A_390[%parallel_loop3A_359, %parallel_loop3A_391] : memref<256x64xf32, #tpu.memory_space<vmem>> -> memref<1x64xf32, #tpu.memory_space<vmem>>
        %parallel_loop3A_393 = tpu.memref_squeeze %parallel_loop3A_392 : memref<1x64xf32, #tpu.memory_space<vmem>> -> memref<64xf32, #tpu.memory_space<vmem>>
        %parallel_loop3A_394 = arith.constant 48 : index
        %parallel_loop3A_395 = tpu.vector_load %parallel_loop3A_393[%parallel_loop3A_394] {strides = array<i32>} : memref<64xf32, #tpu.memory_space<vmem>>, vector<16xf32>,
        %parallel_loop3A_396 = arith.addf %parallel_loop3A_368, %parallel_loop3A_377 : vector<16xf32>
        %parallel_loop3A_397 = arith.addf %parallel_loop3A_386, %parallel_loop3A_395 : vector<16xf32>
        %parallel_loop3A_398 = arith.addf %parallel_loop3A_396, %parallel_loop3A_397 : vector<16xf32>
        %parallel_loop3A_399 = arith.mulf %parallel_loop3A_368, %parallel_loop3A_368 : vector<16xf32>
        %parallel_loop3A_400 = arith.mulf %parallel_loop3A_377, %parallel_loop3A_377 : vector<16xf32>
        %parallel_loop3A_401 = arith.addf %parallel_loop3A_399, %parallel_loop3A_400 : vector<16xf32>
        %parallel_loop3A_402 = arith.mulf %parallel_loop3A_386, %parallel_loop3A_386 : vector<16xf32>
        %parallel_loop3A_403 = arith.mulf %parallel_loop3A_395, %parallel_loop3A_395 : vector<16xf32>
        %parallel_loop3A_404 = arith.addf %parallel_loop3A_402, %parallel_loop3A_403 : vector<16xf32>
        %parallel_loop3A_405 = arith.addf %parallel_loop3A_401, %parallel_loop3A_404 : vector<16xf32>
        %parallel_loop3A_406 = arith.constant true
        %parallel_loop3A_407 = vector.broadcast %parallel_loop3A_406 : i1 to vector<16xi1>
        %parallel_loop3A_408 = tpu.scan <sum>, %parallel_loop3A_398 masked %parallel_loop3A_407 : vector<16xf32>, vector<16xi1> -> vector<16xf32>
        %parallel_loop3A_409 = vector.extract %parallel_loop3A_408[15] : f32 from vector<16xf32>
        %parallel_loop3A_410 = arith.constant true
        %parallel_loop3A_411 = vector.broadcast %parallel_loop3A_410 : i1 to vector<16xi1>
        %parallel_loop3A_412 = tpu.scan <sum>, %parallel_loop3A_405 masked %parallel_loop3A_411 : vector<16xf32>, vector<16xi1> -> vector<16xf32>
        %parallel_loop3A_413 = vector.extract %parallel_loop3A_412[15] : f32 from vector<16xf32>
        %parallel_loop3A_414 = vector.broadcast %parallel_loop3A_409 : f32 to vector<16xf32>
        %parallel_loop3A_415 = arith.constant 1.562500e-02 : f32
        %parallel_loop3A_416 = vector.broadcast %parallel_loop3A_415 : f32 to vector<16xf32>
        %parallel_loop3A_417 = arith.mulf %parallel_loop3A_414, %parallel_loop3A_416 : vector<16xf32>
        %parallel_loop3A_418 = vector.broadcast %parallel_loop3A_413 : f32 to vector<16xf32>
        %parallel_loop3A_419 = arith.constant 1.562500e-02 : f32
        %parallel_loop3A_420 = vector.broadcast %parallel_loop3A_419 : f32 to vector<16xf32>
        %parallel_loop3A_421 = arith.mulf %parallel_loop3A_418, %parallel_loop3A_420 : vector<16xf32>
        %parallel_loop3A_422 = arith.mulf %parallel_loop3A_417, %parallel_loop3A_417 : vector<16xf32>
        %parallel_loop3A_423 = arith.subf %parallel_loop3A_421, %parallel_loop3A_422 : vector<16xf32>
        %parallel_loop3A_424 = arith.constant 9.99999996E-13 : f32
        %parallel_loop3A_425 = vector.broadcast %parallel_loop3A_424 : f32 to vector<16xf32>
        %parallel_loop3A_426 = arith.addf %parallel_loop3A_423, %parallel_loop3A_425 : vector<16xf32>
        %parallel_loop3A_427 = vector.bitcast %parallel_loop3A_426 : vector<16xf32> to vector<16xi32>
        %parallel_loop3A_428 = arith.constant 1597463007 : i32
        %parallel_loop3A_429 = vector.broadcast %parallel_loop3A_428 : i32 to vector<16xi32>
        %parallel_loop3A_430 = arith.constant 1 : i32
        %parallel_loop3A_431 = vector.broadcast %parallel_loop3A_430 : i32 to vector<16xi32>
        %parallel_loop3A_432 = arith.shrsi %parallel_loop3A_427, %parallel_loop3A_431 : vector<16xi32>
        %parallel_loop3A_433 = arith.subi %parallel_loop3A_429, %parallel_loop3A_432 : vector<16xi32>
        %parallel_loop3A_434 = vector.bitcast %parallel_loop3A_433 : vector<16xi32> to vector<16xf32>
        %parallel_loop3A_435 = arith.constant 5.000000e-01 : f32
        %parallel_loop3A_436 = vector.broadcast %parallel_loop3A_435 : f32 to vector<16xf32>
        %parallel_loop3A_437 = arith.mulf %parallel_loop3A_426, %parallel_loop3A_436 : vector<16xf32>
        %parallel_loop3A_438 = arith.mulf %parallel_loop3A_437, %parallel_loop3A_434 : vector<16xf32>
        %parallel_loop3A_439 = arith.mulf %parallel_loop3A_438, %parallel_loop3A_434 : vector<16xf32>
        %parallel_loop3A_440 = arith.constant 1.500000e+00 : f32
        %parallel_loop3A_441 = vector.broadcast %parallel_loop3A_440 : f32 to vector<16xf32>
        %parallel_loop3A_442 = arith.subf %parallel_loop3A_441, %parallel_loop3A_439 : vector<16xf32>
        %parallel_loop3A_443 = arith.mulf %parallel_loop3A_434, %parallel_loop3A_442 : vector<16xf32>
        %parallel_loop3A_444 = arith.mulf %parallel_loop3A_437, %parallel_loop3A_443 : vector<16xf32>
        %parallel_loop3A_445 = arith.mulf %parallel_loop3A_444, %parallel_loop3A_443 : vector<16xf32>
        %parallel_loop3A_446 = arith.constant 1.500000e+00 : f32
        %parallel_loop3A_447 = vector.broadcast %parallel_loop3A_446 : f32 to vector<16xf32>
        %parallel_loop3A_448 = arith.subf %parallel_loop3A_447, %parallel_loop3A_445 : vector<16xf32>
        %parallel_loop3A_449 = arith.mulf %parallel_loop3A_443, %parallel_loop3A_448 : vector<16xf32>
        %parallel_loop3A_450 = arith.mulf %parallel_loop3A_437, %parallel_loop3A_449 : vector<16xf32>
        %parallel_loop3A_451 = arith.mulf %parallel_loop3A_450, %parallel_loop3A_449 : vector<16xf32>
        %parallel_loop3A_452 = arith.constant 1.500000e+00 : f32
        %parallel_loop3A_453 = vector.broadcast %parallel_loop3A_452 : f32 to vector<16xf32>
        %parallel_loop3A_454 = arith.subf %parallel_loop3A_453, %parallel_loop3A_451 : vector<16xf32>
        %parallel_loop3A_455 = arith.mulf %parallel_loop3A_449, %parallel_loop3A_454 : vector<16xf32>
        %parallel_loop3A_456 = arith.subf %parallel_loop3A_368, %parallel_loop3A_417 : vector<16xf32>
        %parallel_loop3A_457 = arith.mulf %parallel_loop3A_456, %parallel_loop3A_455 : vector<16xf32>
        %parallel_loop3A_458 = arith.mulf %parallel_loop3A_457, %get3A_322 : vector<16xf32>
        %parallel_loop3A_459 = arith.addf %parallel_loop3A_458, %get3A_330 : vector<16xf32>
        %parallel_loop3A_460 = arith.constant 0 : i32
        %parallel_loop3A_461 = arith.constant 0 : i32
        %parallel_loop3A_462 = tpu.memref_slice %arg8[%parallel_loop3A_340, %parallel_loop3A_460, %parallel_loop3A_461] : memref<4x256x64xf32, #tpu.memory_space<vmem>> -> memref<1x256x64xf32, #tpu.memory_space<vmem>>
        %parallel_loop3A_463 = tpu.memref_squeeze %parallel_loop3A_462 : memref<1x256x64xf32, #tpu.memory_space<vmem>> -> memref<256x64xf32, #tpu.memory_space<vmem>>
        %parallel_loop3A_464 = arith.constant 0 : i32
        %parallel_loop3A_465 = tpu.memref_slice %parallel_loop3A_463[%parallel_loop3A_359, %parallel_loop3A_464] : memref<256x64xf32, #tpu.memory_space<vmem>> -> memref<1x64xf32, #tpu.memory_space<vmem>>
        %parallel_loop3A_466 = tpu.memref_squeeze %parallel_loop3A_465 : memref<1x64xf32, #tpu.memory_space<vmem>> -> memref<64xf32, #tpu.memory_space<vmem>>
        %parallel_loop3A_467 = arith.constant 0 : index
        %parallel_loop3A_468 = tpu.vector_load %parallel_loop3A_466[%parallel_loop3A_467] {strides = array<i32>} : memref<64xf32, #tpu.memory_space<vmem>>, vector<16xf32>,
        tpu.vector_store %parallel_loop3A_466[%parallel_loop3A_467], %parallel_loop3A_459 {strides = array<i32>} : memref<64xf32, #tpu.memory_space<vmem>>, vector<16xf32>,
        %parallel_loop3A_469 = arith.subf %parallel_loop3A_377, %parallel_loop3A_417 : vector<16xf32>
        %parallel_loop3A_470 = arith.mulf %parallel_loop3A_469, %parallel_loop3A_455 : vector<16xf32>
        %parallel_loop3A_471 = arith.mulf %parallel_loop3A_470, %get3A_324 : vector<16xf32>
        %parallel_loop3A_472 = arith.addf %parallel_loop3A_471, %get3A_332 : vector<16xf32>
        %parallel_loop3A_473 = arith.constant 0 : i32
        %parallel_loop3A_474 = arith.constant 0 : i32
        %parallel_loop3A_475 = tpu.memref_slice %arg8[%parallel_loop3A_340, %parallel_loop3A_473, %parallel_loop3A_474] : memref<4x256x64xf32, #tpu.memory_space<vmem>> -> memref<1x256x64xf32, #tpu.memory_space<vmem>>
        %parallel_loop3A_476 = tpu.memref_squeeze %parallel_loop3A_475 : memref<1x256x64xf32, #tpu.memory_space<vmem>> -> memref<256x64xf32, #tpu.memory_space<vmem>>
        %parallel_loop3A_477 = arith.constant 0 : i32
        %parallel_loop3A_478 = tpu.memref_slice %parallel_loop3A_476[%parallel_loop3A_359, %parallel_loop3A_477] : memref<256x64xf32, #tpu.memory_space<vmem>> -> memref<1x64xf32, #tpu.memory_space<vmem>>
        %parallel_loop3A_479 = tpu.memref_squeeze %parallel_loop3A_478 : memref<1x64xf32, #tpu.memory_space<vmem>> -> memref<64xf32, #tpu.memory_space<vmem>>
        %parallel_loop3A_480 = arith.constant 16 : index
        %parallel_loop3A_481 = tpu.vector_load %parallel_loop3A_479[%parallel_loop3A_480] {strides = array<i32>} : memref<64xf32, #tpu.memory_space<vmem>>, vector<16xf32>,
        tpu.vector_store %parallel_loop3A_479[%parallel_loop3A_480], %parallel_loop3A_472 {strides = array<i32>} : memref<64xf32, #tpu.memory_space<vmem>>, vector<16xf32>,
        %parallel_loop3A_482 = arith.subf %parallel_loop3A_386, %parallel_loop3A_417 : vector<16xf32>
        %parallel_loop3A_483 = arith.mulf %parallel_loop3A_482, %parallel_loop3A_455 : vector<16xf32>
        %parallel_loop3A_484 = arith.mulf %parallel_loop3A_483, %get3A_326 : vector<16xf32>
        %parallel_loop3A_485 = arith.addf %parallel_loop3A_484, %get3A_334 : vector<16xf32>
        %parallel_loop3A_486 = arith.constant 0 : i32
        %parallel_loop3A_487 = arith.constant 0 : i32
        %parallel_loop3A_488 = tpu.memref_slice %arg8[%parallel_loop3A_340, %parallel_loop3A_486, %parallel_loop3A_487] : memref<4x256x64xf32, #tpu.memory_space<vmem>> -> memref<1x256x64xf32, #tpu.memory_space<vmem>>
        %parallel_loop3A_489 = tpu.memref_squeeze %parallel_loop3A_488 : memref<1x256x64xf32, #tpu.memory_space<vmem>> -> memref<256x64xf32, #tpu.memory_space<vmem>>
        %parallel_loop3A_490 = arith.constant 0 : i32
        %parallel_loop3A_491 = tpu.memref_slice %parallel_loop3A_489[%parallel_loop3A_359, %parallel_loop3A_490] : memref<256x64xf32, #tpu.memory_space<vmem>> -> memref<1x64xf32, #tpu.memory_space<vmem>>
        %parallel_loop3A_492 = tpu.memref_squeeze %parallel_loop3A_491 : memref<1x64xf32, #tpu.memory_space<vmem>> -> memref<64xf32, #tpu.memory_space<vmem>>
        %parallel_loop3A_493 = arith.constant 32 : index
        %parallel_loop3A_494 = tpu.vector_load %parallel_loop3A_492[%parallel_loop3A_493] {strides = array<i32>} : memref<64xf32, #tpu.memory_space<vmem>>, vector<16xf32>,
        tpu.vector_store %parallel_loop3A_492[%parallel_loop3A_493], %parallel_loop3A_485 {strides = array<i32>} : memref<64xf32, #tpu.memory_space<vmem>>, vector<16xf32>,
        %parallel_loop3A_495 = arith.subf %parallel_loop3A_395, %parallel_loop3A_417 : vector<16xf32>
        %parallel_loop3A_496 = arith.mulf %parallel_loop3A_495, %parallel_loop3A_455 : vector<16xf32>
        %parallel_loop3A_497 = arith.mulf %parallel_loop3A_496, %get3A_328 : vector<16xf32>
        %parallel_loop3A_498 = arith.addf %parallel_loop3A_497, %get3A_336 : vector<16xf32>
        %parallel_loop3A_499 = arith.constant 0 : i32
        %parallel_loop3A_500 = arith.constant 0 : i32
        %parallel_loop3A_501 = tpu.memref_slice %arg8[%parallel_loop3A_340, %parallel_loop3A_499, %parallel_loop3A_500] : memref<4x256x64xf32, #tpu.memory_space<vmem>> -> memref<1x256x64xf32, #tpu.memory_space<vmem>>
        %parallel_loop3A_502 = tpu.memref_squeeze %parallel_loop3A_501 : memref<1x256x64xf32, #tpu.memory_space<vmem>> -> memref<256x64xf32, #tpu.memory_space<vmem>>
        %parallel_loop3A_503 = arith.constant 0 : i32
        %parallel_loop3A_504 = tpu.memref_slice %parallel_loop3A_502[%parallel_loop3A_359, %parallel_loop3A_503] : memref<256x64xf32, #tpu.memory_space<vmem>> -> memref<1x64xf32, #tpu.memory_space<vmem>>
        %parallel_loop3A_505 = tpu.memref_squeeze %parallel_loop3A_504 : memref<1x64xf32, #tpu.memory_space<vmem>> -> memref<64xf32, #tpu.memory_space<vmem>>
        %parallel_loop3A_506 = arith.constant 48 : index
        %parallel_loop3A_507 = tpu.vector_load %parallel_loop3A_505[%parallel_loop3A_506] {strides = array<i32>} : memref<64xf32, #tpu.memory_space<vmem>>, vector<16xf32>,
        tpu.vector_store %parallel_loop3A_505[%parallel_loop3A_506], %parallel_loop3A_498 {strides = array<i32>} : memref<64xf32, #tpu.memory_space<vmem>>, vector<16xf32>,
      } {sc.loop_unroll_factor = 4 : i64, sc.parallel_access}
      %add3A_341 = arith.addi %mul3A_2, %add3A_304 : i32
      %dma_start3A_342 = arith.constant 3 : i32
      %dma_start3A_343 = arith.constant 0 : i32
      %dma_start3A_344 = arith.constant 0 : i32
      %dma_start3A_345 = tpu.memref_slice %arg8[%dma_start3A_342, %dma_start3A_343, %dma_start3A_344] : memref<4x256x64xf32, #tpu.memory_space<vmem>> -> memref<1x256x64xf32, #tpu.memory_space<vmem>>
      %dma_start3A_346 = tpu.memref_squeeze %dma_start3A_345 : memref<1x256x64xf32, #tpu.memory_space<vmem>> -> memref<256x64xf32, #tpu.memory_space<vmem>>
      %dma_start3A_347 = arith.constant 0 : i32
      %dma_start3A_348 = arith.constant 0 : i32
      %dma_start3A_349 = tpu.memref_slice %arg6[%add3A_341, %dma_start3A_347, %dma_start3A_348] : memref<3200x256x64xf32, #tpu.memory_space<hbm>> -> memref<1x256x64xf32, #tpu.memory_space<hbm>>
      %dma_start3A_350 = tpu.memref_squeeze %dma_start3A_349 : memref<1x256x64xf32, #tpu.memory_space<hbm>> -> memref<256x64xf32, #tpu.memory_space<hbm>>
      %dma_start3A_351 = arith.constant 0 : i32
      %dma_start3A_352 = arith.constant 0 : i32
      %dma_start3A_353 = tpu.memref_slice %arg6[%add3A_341, %dma_start3A_351, %dma_start3A_352] : memref<3200x256x64xf32, #tpu.memory_space<hbm>> -> memref<1x256x64xf32, #tpu.memory_space<hbm>>
      %dma_start3A_354 = tpu.memref_squeeze %dma_start3A_353 : memref<1x256x64xf32, #tpu.memory_space<hbm>> -> memref<256x64xf32, #tpu.memory_space<hbm>>
      %dma_start3A_355 = arith.constant 0 : i32
      %dma_start3A_356 = arith.constant 0 : i32
      %dma_start3A_357 = tpu.memref_slice %arg8[%dma_start3A_342, %dma_start3A_355, %dma_start3A_356] : memref<4x256x64xf32, #tpu.memory_space<vmem>> -> memref<1x256x64xf32, #tpu.memory_space<vmem>>
      %dma_start3A_358 = tpu.memref_squeeze %dma_start3A_357 : memref<1x256x64xf32, #tpu.memory_space<vmem>> -> memref<256x64xf32, #tpu.memory_space<vmem>>
      tpu.enqueue_dma source(%dma_start3A_358 : memref<256x64xf32, #tpu.memory_space<vmem>>) target(%dma_start3A_354 : memref<256x64xf32, #tpu.memory_space<hbm>>) target_semaphore(%arg18 : memref<!tpu.dma_semaphore, #tpu.memory_space<semaphore_mem>>)
    }
    %scan3A_30 = arith.constant 25 : i32
    %add3A_31 = arith.constant 96 : i32
    %add3A_32 = arith.addi %mul3A_2, %add3A_31 : i32
    %dma_wait3A = arith.constant 0 : i32
    %dma_wait3A_33 = arith.constant 0 : i32
    %dma_wait3A_34 = arith.constant 0 : i32
    %dma_wait3A_35 = tpu.memref_slice %arg8[%dma_wait3A, %dma_wait3A_33, %dma_wait3A_34] : memref<4x256x64xf32, #tpu.memory_space<vmem>> -> memref<1x256x64xf32, #tpu.memory_space<vmem>>
    %dma_wait3A_36 = tpu.memref_squeeze %dma_wait3A_35 : memref<1x256x64xf32, #tpu.memory_space<vmem>> -> memref<256x64xf32, #tpu.memory_space<vmem>>
    %dma_wait3A_37 = arith.constant 0 : i32
    %dma_wait3A_38 = arith.constant 0 : i32
    %dma_wait3A_39 = tpu.memref_slice %arg6[%add3A_32, %dma_wait3A_37, %dma_wait3A_38] : memref<3200x256x64xf32, #tpu.memory_space<hbm>> -> memref<1x256x64xf32, #tpu.memory_space<hbm>>
    %dma_wait3A_40 = tpu.memref_squeeze %dma_wait3A_39 : memref<1x256x64xf32, #tpu.memory_space<hbm>> -> memref<256x64xf32, #tpu.memory_space<hbm>>
    %dma_wait3A_41 = arith.constant 0 : i32
    %dma_wait3A_42 = arith.constant 0 : i32
    %dma_wait3A_43 = tpu.memref_slice %arg6[%add3A_32, %dma_wait3A_41, %dma_wait3A_42] : memref<3200x256x64xf32, #tpu.memory_space<hbm>> -> memref<1x256x64xf32, #tpu.memory_space<hbm>>
    %dma_wait3A_44 = tpu.memref_squeeze %dma_wait3A_43 : memref<1x256x64xf32, #tpu.memory_space<hbm>> -> memref<256x64xf32, #tpu.memory_space<hbm>>
    %dma_wait3A_45 = arith.constant 0 : i32
    %dma_wait3A_46 = arith.constant 0 : i32
    %dma_wait3A_47 = tpu.memref_slice %arg8[%dma_wait3A, %dma_wait3A_45, %dma_wait3A_46] : memref<4x256x64xf32, #tpu.memory_space<vmem>> -> memref<1x256x64xf32, #tpu.memory_space<vmem>>
    %dma_wait3A_48 = tpu.memref_squeeze %dma_wait3A_47 : memref<1x256x64xf32, #tpu.memory_space<vmem>> -> memref<256x64xf32, #tpu.memory_space<vmem>>
    tpu.wait_dma2 semaphore(%arg15 : memref<!tpu.dma_semaphore, #tpu.memory_space<semaphore_mem>>) src(%dma_wait3A_48 : memref<256x64xf32, #tpu.memory_space<vmem>>) dst(%dma_wait3A_44 : memref<256x64xf32, #tpu.memory_space<hbm>>)
    %add3A_49 = arith.constant 97 : i32
    %add3A_50 = arith.addi %mul3A_2, %add3A_49 : i32
    %dma_wait3A_51 = arith.constant 1 : i32
    %dma_wait3A_52 = arith.constant 0 : i32
    %dma_wait3A_53 = arith.constant 0 : i32
    %dma_wait3A_54 = tpu.memref_slice %arg8[%dma_wait3A_51, %dma_wait3A_52, %dma_wait3A_53] : memref<4x256x64xf32, #tpu.memory_space<vmem>> -> memref<1x256x64xf32, #tpu.memory_space<vmem>>
    %dma_wait3A_55 = tpu.memref_squeeze %dma_wait3A_54 : memref<1x256x64xf32, #tpu.memory_space<vmem>> -> memref<256x64xf32, #tpu.memory_space<vmem>>
    %dma_wait3A_56 = arith.constant 0 : i32
    %dma_wait3A_57 = arith.constant 0 : i32
    %dma_wait3A_58 = tpu.memref_slice %arg6[%add3A_50, %dma_wait3A_56, %dma_wait3A_57] : memref<3200x256x64xf32, #tpu.memory_space<hbm>> -> memref<1x256x64xf32, #tpu.memory_space<hbm>>
    %dma_wait3A_59 = tpu.memref_squeeze %dma_wait3A_58 : memref<1x256x64xf32, #tpu.memory_space<hbm>> -> memref<256x64xf32, #tpu.memory_space<hbm>>
    %dma_wait3A_60 = arith.constant 0 : i32
    %dma_wait3A_61 = arith.constant 0 : i32
    %dma_wait3A_62 = tpu.memref_slice %arg6[%add3A_50, %dma_wait3A_60, %dma_wait3A_61] : memref<3200x256x64xf32, #tpu.memory_space<hbm>> -> memref<1x256x64xf32, #tpu.memory_space<hbm>>
    %dma_wait3A_63 = tpu.memref_squeeze %dma_wait3A_62 : memref<1x256x64xf32, #tpu.memory_space<hbm>> -> memref<256x64xf32, #tpu.memory_space<hbm>>
    %dma_wait3A_64 = arith.constant 0 : i32
    %dma_wait3A_65 = arith.constant 0 : i32
    %dma_wait3A_66 = tpu.memref_slice %arg8[%dma_wait3A_51, %dma_wait3A_64, %dma_wait3A_65] : memref<4x256x64xf32, #tpu.memory_space<vmem>> -> memref<1x256x64xf32, #tpu.memory_space<vmem>>
    %dma_wait3A_67 = tpu.memref_squeeze %dma_wait3A_66 : memref<1x256x64xf32, #tpu.memory_space<vmem>> -> memref<256x64xf32, #tpu.memory_space<vmem>>
    tpu.wait_dma2 semaphore(%arg16 : memref<!tpu.dma_semaphore, #tpu.memory_space<semaphore_mem>>) src(%dma_wait3A_67 : memref<256x64xf32, #tpu.memory_space<vmem>>) dst(%dma_wait3A_63 : memref<256x64xf32, #tpu.memory_space<hbm>>)
    %add3A_68 = arith.constant 98 : i32
    %add3A_69 = arith.addi %mul3A_2, %add3A_68 : i32
    %dma_wait3A_70 = arith.constant 2 : i32
    %dma_wait3A_71 = arith.constant 0 : i32
    %dma_wait3A_72 = arith.constant 0 : i32
    %dma_wait3A_73 = tpu.memref_slice %arg8[%dma_wait3A_70, %dma_wait3A_71, %dma_wait3A_72] : memref<4x256x64xf32, #tpu.memory_space<vmem>> -> memref<1x256x64xf32, #tpu.memory_space<vmem>>
    %dma_wait3A_74 = tpu.memref_squeeze %dma_wait3A_73 : memref<1x256x64xf32, #tpu.memory_space<vmem>> -> memref<256x64xf32, #tpu.memory_space<vmem>>
    %dma_wait3A_75 = arith.constant 0 : i32
    %dma_wait3A_76 = arith.constant 0 : i32
    %dma_wait3A_77 = tpu.memref_slice %arg6[%add3A_69, %dma_wait3A_75, %dma_wait3A_76] : memref<3200x256x64xf32, #tpu.memory_space<hbm>> -> memref<1x256x64xf32, #tpu.memory_space<hbm>>
    %dma_wait3A_78 = tpu.memref_squeeze %dma_wait3A_77 : memref<1x256x64xf32, #tpu.memory_space<hbm>> -> memref<256x64xf32, #tpu.memory_space<hbm>>
    %dma_wait3A_79 = arith.constant 0 : i32
    %dma_wait3A_80 = arith.constant 0 : i32
    %dma_wait3A_81 = tpu.memref_slice %arg6[%add3A_69, %dma_wait3A_79, %dma_wait3A_80] : memref<3200x256x64xf32, #tpu.memory_space<hbm>> -> memref<1x256x64xf32, #tpu.memory_space<hbm>>
    %dma_wait3A_82 = tpu.memref_squeeze %dma_wait3A_81 : memref<1x256x64xf32, #tpu.memory_space<hbm>> -> memref<256x64xf32, #tpu.memory_space<hbm>>
    %dma_wait3A_83 = arith.constant 0 : i32
    %dma_wait3A_84 = arith.constant 0 : i32
    %dma_wait3A_85 = tpu.memref_slice %arg8[%dma_wait3A_70, %dma_wait3A_83, %dma_wait3A_84] : memref<4x256x64xf32, #tpu.memory_space<vmem>> -> memref<1x256x64xf32, #tpu.memory_space<vmem>>
    %dma_wait3A_86 = tpu.memref_squeeze %dma_wait3A_85 : memref<1x256x64xf32, #tpu.memory_space<vmem>> -> memref<256x64xf32, #tpu.memory_space<vmem>>
    tpu.wait_dma2 semaphore(%arg17 : memref<!tpu.dma_semaphore, #tpu.memory_space<semaphore_mem>>) src(%dma_wait3A_86 : memref<256x64xf32, #tpu.memory_space<vmem>>) dst(%dma_wait3A_82 : memref<256x64xf32, #tpu.memory_space<hbm>>)
    %add3A_87 = arith.constant 99 : i32
    %add3A_88 = arith.addi %mul3A_2, %add3A_87 : i32
    %dma_wait3A_89 = arith.constant 3 : i32
    %dma_wait3A_90 = arith.constant 0 : i32
    %dma_wait3A_91 = arith.constant 0 : i32
    %dma_wait3A_92 = tpu.memref_slice %arg8[%dma_wait3A_89, %dma_wait3A_90, %dma_wait3A_91] : memref<4x256x64xf32, #tpu.memory_space<vmem>> -> memref<1x256x64xf32, #tpu.memory_space<vmem>>
    %dma_wait3A_93 = tpu.memref_squeeze %dma_wait3A_92 : memref<1x256x64xf32, #tpu.memory_space<vmem>> -> memref<256x64xf32, #tpu.memory_space<vmem>>
    %dma_wait3A_94 = arith.constant 0 : i32
    %dma_wait3A_95 = arith.constant 0 : i32
    %dma_wait3A_96 = tpu.memref_slice %arg6[%add3A_88, %dma_wait3A_94, %dma_wait3A_95] : memref<3200x256x64xf32, #tpu.memory_space<hbm>> -> memref<1x256x64xf32, #tpu.memory_space<hbm>>
    %dma_wait3A_97 = tpu.memref_squeeze %dma_wait3A_96 : memref<1x256x64xf32, #tpu.memory_space<hbm>> -> memref<256x64xf32, #tpu.memory_space<hbm>>
    %dma_wait3A_98 = arith.constant 0 : i32
    %dma_wait3A_99 = arith.constant 0 : i32
    %dma_wait3A_100 = tpu.memref_slice %arg6[%add3A_88, %dma_wait3A_98, %dma_wait3A_99] : memref<3200x256x64xf32, #tpu.memory_space<hbm>> -> memref<1x256x64xf32, #tpu.memory_space<hbm>>
    %dma_wait3A_101 = tpu.memref_squeeze %dma_wait3A_100 : memref<1x256x64xf32, #tpu.memory_space<hbm>> -> memref<256x64xf32, #tpu.memory_space<hbm>>
    %dma_wait3A_102 = arith.constant 0 : i32
    %dma_wait3A_103 = arith.constant 0 : i32
    %dma_wait3A_104 = tpu.memref_slice %arg8[%dma_wait3A_89, %dma_wait3A_102, %dma_wait3A_103] : memref<4x256x64xf32, #tpu.memory_space<vmem>> -> memref<1x256x64xf32, #tpu.memory_space<vmem>>
    %dma_wait3A_105 = tpu.memref_squeeze %dma_wait3A_104 : memref<1x256x64xf32, #tpu.memory_space<vmem>> -> memref<256x64xf32, #tpu.memory_space<vmem>>
    tpu.wait_dma2 semaphore(%arg18 : memref<!tpu.dma_semaphore, #tpu.memory_space<semaphore_mem>>) src(%dma_wait3A_105 : memref<256x64xf32, #tpu.memory_space<vmem>>) dst(%dma_wait3A_101 : memref<256x64xf32, #tpu.memory_space<hbm>>)
    return
  }
}

</mosaic_0001>

<sc_bundles>
// kernel: kernel.3.cloned.1.call-start
scs
__scs_entry_jumppad:
0x0: {  	(pc) =	sbr.rel $0x88, $3  }
0x1: {  	(tag) =	ssettag $0x0;
	lr =	simm.s32 $0x1  }
0x2: {  	[smem:$0x3F9D] =	sst lr;
	_ =	strace $0xD0000000  }
0x3: {  	_ = 	snop  }
0x4: {  	_ = 	snop  }
0x5: {  	_ = 	snop  }
0x6: {  	_ = 	snop  }
0x7: {  	_ = 	snop  }
__scs_overlays_trampoline_lowered:
0x8: {  	[smem:$0x3FAC] =	sst s0  }
0x9: {  	[smem:$0x3FAD] =	sst s1  }
0xa: {  	[smem:$0x3FAE] =	sst s2  }
0xb: {  	[smem:$0x3FAF] =	sst s3  }
0xc: {  	[smem:$0x3FB0] =	sst s4  }
0xd: {  	[smem:$0x3FB1] =	sst s5  }
0xe: {  	[smem:$0x3FB2] =	sst s6  }
0xf: {  	[smem:$0x3FB3] =	sst s7  }
0x10: {  	[smem:$0x3FB4] =	sst s8  }
0x11: {  	[smem:$0x3FB5] =	sst s9;
	s0 =	simm.s32 @!p0 $0x0  }
0x12: {  	s1 =	sld [smem:$0x3F9B];
	s0 =	simm.s32 @p0 $0x1  }
0x13: {  	[smem:$0x3FB6] =	sst s0;
	s0 =	simm.s32 @!p1 $0x0  }
0x14: {  	s2 =	sld [smem:$0x3F9A];
	s0 =	simm.s32 @p1 $0x1  }
0x15: {  	[smem:$0x3FB7] =	sst s0;
	s0 =	simm.s32 @!p2 $0x0  }
0x16: {  	s3 =	sld [smem:$0x3FDB];
	s0 =	simm.s32 @p2 $0x1  }
0x17: {  	s4 =	simm.s32 $0x1BF5;
	[smem:$0x3FB9] =	sst s0  }
0x18: {  	s0 =	sld [smem:$0x3F9C];
	_ =	swait.ge [sflag:s4], $0x0  }
0x19: {  	s7 =	sld [smem:$0x3F9D]  }
0x1a: {  	s8 =	sadd.s32 $0xFFFFE003, lr  }
0x1b: {  	s9 =	sadd.s32 $0xFFFFFEF7, lr;
	s5 =	simm.s32 $0xFFFFFFFF;
	p2 =	slt.u32 s8, $0xFFFFF086  }
0x1c: {  	p1 =	slt.u32 s9, $0xF7A;
	s5 =	simm.s32 @!p2 $0x0  }
0x1d: {  	s5 =	simm.s32 @p1 $0x1;
	p0 =	seq.s32 s7, s2  }
0x1e: {  	s7 =	smul.u32 @!p0 $0xF7A, s2;
	p2 =	seq.s32 @!p0 s5, $0x0  }
0x1f: {  	s9 =	smul.u32 $0xF7A, s1;
	s8 =	simm.s32 @!p0 $0x1BF5;
	p2 =	por !p2, p0  }
0x20: {  	[sflag:s8] =	ssyncset.s32 @!p0 $0xFFFFF086;
	s6 =	sadd.s32 @!p0 s3, s7;
	s7 =	simm.s32 @!p0 $0x108  }
0x21: {  	s3 =	sadd.s32 s3, s9;
	s6 =	sadd.s32 @!p0 $0x88, s6;
	s7 =	simm.s32 @p2 $0x1082  }
0x22: {  	[simem:s7], [sflag:s8] =	dma.local @!p0 [hbm:s6], $0xF7A  }
0x23: {  	s9 =	sor.u32 $0xD0000000, s2;
	s6 =	simm.s32 $0x108;
	_ =	swait.ge @!p0 [sflag:s8], $0x0  }
0x24: {  	s3 =	sadd.s32 $0x88, s3;
	s6 =	simm.s32 @!p1 $0x1082;
	[sflag:s4] =	ssyncset.s32 $0xFFFFF086  }
0x25: {  	[simem:s6], [sflag:s4] =	dma.local [hbm:s3], $0xF7A  }
0x26: {  	[smem:$0x3F9D] =	sst s1;
	(tag) =	ssettag s2;
	_ =	strace s9  }
0x27: {  	s1 =	sld [smem:$0x3FAD]  }
0x28: {  	s2 =	sld [smem:$0x3FAE]  }
0x29: {  	s4 =	sld [smem:$0x3FB0]  }
0x2a: {  	p0 =	seq.s32 s5, $0x0;
	s5 =	sld [smem:$0x3FB1]  }
0x2b: {  	s6 =	sld [smem:$0x3FB2]  }
0x2c: {  	s7 =	sld [smem:$0x3FB3]  }
0x2d: {  	s3 =	simm.s32 $0x108;
	s8 =	sld [smem:$0x3FB4]  }
0x2e: {  	s3 =	simm.s32 @!p0 $0x1082;
	s9 =	sld [smem:$0x3FB5]  }
0x2f: {  	lr =	sadd.s32 s0, s3;
	s0 =	sld [smem:$0x3FAC]  }
0x30: {  	s3 =	sld [smem:$0x3FAF]  }
0x31: {  	[smem:$0x3FB8] =	sst s10  }
0x32: {  	s10 =	sld [smem:$0x3FB6];
	_ =	sdelay $0x3  }
0x33: {  	p0 =	seq.s32 s10, $0x1;
	s10 =	sld [smem:$0x3FB8];
	_ =	sdelay $0x3  }
0x34: {  	[smem:$0x3FB8] =	sst s10  }
0x35: {  	s10 =	sld [smem:$0x3FB7];
	_ =	sdelay $0x3  }
0x36: {  	p1 =	seq.s32 s10, $0x1;
	s10 =	sld [smem:$0x3FB8];
	_ =	sdelay $0x3  }
0x37: {  	[smem:$0x3FB8] =	sst s10  }
0x38: {  	s10 =	sld [smem:$0x3FB9]  }
0x39: {  	_ = 	snop;
	(pc) =	sbr.ind lr, $3  }
0x3a: {  	_ = 	snop  }
0x3b: {  	_ = 	snop  }
0x3c: {  	p2 =	seq.s32 s10, $0x1;
	s10 =	sld [smem:$0x3FB8]  }
0x3d: {  	_ =	shalt  }
0x3e: {  	_ =	shalt  }
0x3f: {  	_ =	shalt  }
0x40: {  	_ =	shalt  }
0x41: {  	_ =	shalt  }
0x42: {  	_ =	shalt  }
0x43: {  	_ =	shalt  }
0x44: {  	_ =	shalt  }
0x45: {  	_ =	shalt  }
0x46: {  	_ =	shalt  }
0x47: {  	_ =	shalt  }
0x48: {  	_ =	shalt  }
0x49: {  	_ =	shalt  }
0x4a: {  	_ =	shalt  }
0x4b: {  	_ =	shalt  }
0x4c: {  	_ =	shalt  }
0x4d: {  	_ =	shalt  }
0x4e: {  	_ =	shalt  }
0x4f: {  	_ =	shalt  }
0x50: {  	_ =	shalt  }
0x51: {  	_ =	shalt  }
0x52: {  	_ =	shalt  }
0x53: {  	_ =	shalt  }
0x54: {  	_ =	shalt  }
0x55: {  	_ =	shalt  }
0x56: {  	_ =	shalt  }
0x57: {  	_ =	shalt  }
0x58: {  	_ =	shalt  }
0x59: {  	_ =	shalt  }
0x5a: {  	_ =	shalt  }
0x5b: {  	_ =	shalt  }
0x5c: {  	_ =	shalt  }
0x5d: {  	_ =	shalt  }
0x5e: {  	_ =	shalt  }
0x5f: {  	_ =	shalt  }
0x60: {  	_ =	shalt  }
0x61: {  	_ =	shalt  }
0x62: {  	_ =	shalt  }
0x63: {  	_ =	shalt  }
0x64: {  	_ =	shalt  }
0x65: {  	_ =	shalt  }
0x66: {  	_ =	shalt  }
0x67: {  	_ =	shalt  }
0x68: {  	_ =	shalt  }
0x69: {  	_ =	shalt  }
0x6a: {  	_ =	shalt  }
0x6b: {  	_ =	shalt  }
0x6c: {  	_ =	shalt  }
0x6d: {  	_ =	shalt  }
0x6e: {  	_ =	shalt  }
0x6f: {  	_ =	shalt  }
0x70: {  	_ =	shalt  }
0x71: {  	_ =	shalt  }
0x72: {  	_ =	shalt  }
0x73: {  	_ =	shalt  }
0x74: {  	_ =	shalt  }
0x75: {  	_ =	shalt  }
0x76: {  	_ =	shalt  }
0x77: {  	_ =	shalt  }
0x78: {  	_ =	shalt  }
0x79: {  	_ =	shalt  }
0x7a: {  	_ =	shalt  }
0x7b: {  	_ =	shalt  }
0x7c: {  	_ =	shalt  }
0x7d: {  	_ =	shalt  }
0x7e: {  	_ =	shalt  }
0x7f: {  	_ =	shalt  }
0x80: {  	_ =	shalt  }
0x81: {  	_ =	shalt  }
0x82: {  	_ =	shalt  }
0x83: {  	_ =	shalt  }
0x84: {  	_ =	shalt  }
0x85: {  	_ =	shalt  }
0x86: {  	_ =	shalt  }
0x87: {  	_ =	shalt  }
.Lfunc_end0:
.L_simem_size_0:
called_computation.1_lowered:
.L_overlay_start_0:
0x88: {  	s2 =	sld [smem:$0x3FD9]  }
0x89: {  	s3 =	sld [smem:$0x3FFE];
	_ =	sdelay $0x1  }
0x8a: {  	s1 =	srdreg.scid  }
0x8b: {  	s0 =	sand.u32 $0x1, s1  }
0x8c: {  	s17 =	sshll.u32 s0, $0xA;
	s2 =	sadd.s32 s3, s2  }
0x8d: {  	s2 =	sadd.s32 s2, s17  }
0x8e: {  	[smem:$0x3FC4] =	sst s2  }
0x8f: {  	_ = 	snop  }
0x90: {  	s2 =	sld [smem:$0x3FC7]  }
0x91: {  	s18 =	sld [smem:$0x3FC6]  }
0x92: {  	s4 =	sld [smem:$0x3FD0];
	(tm) =	ssettm $0x1  }
0x93: {  	s5 =	sld [smem:$0x3FFB];
	_ =	sdelay $0x3  }
0x94: {  	_ =	strace s5  }
0x95: {  	s5 =	sld [smem:$0x3FFC];
	_ =	sdelay $0x3  }
0x96: {  	_ =	strace s5  }
0x97: {  	s5 =	sld [smem:$0x3FFD];
	_ =	sdelay $0x3  }
0x98: {  	_ =	strace s5  }
0x99: {  	_ =	strace $0x8FFFFFFF  }
0x9a: {  	s19 =	sld [smem:$0x3FDB];
	_ =	sdelay $0x1  }
0x9b: {  	s6 =	simm.s32 $_scs_section_size  }
0x9c: {  	s7 =	simm.s32 $_size__tile_overlayer_lowered;
	s8 =	simm.s32 $_tile_overlayer_lowered  }
0x9d: {  	s22 =	simm.s32 $0x1BFF;
	s21 =	sshll.u32 s8, $0x1;
	s5 =	sadd.s32 s6, s19  }
0x9e: {  	s9 =	simm.s32 $0x0;
	s20 =	sshll.u32 s7, $0x1;
	s7 =	sadd.s32 s21, s5  }
0x9f: {  	[timem:s9], [sflag:s22] =	dma.local [hbm:s7], s20  }
0xa0: {  	_ =	swait.ge [sflag:s22], s20  }
0xa1: {  	s6 =	ssub.s32 $0x0, s20;
	[sflag:s22] =	ssyncset.done $0x0  }
0xa2: {  	[sflag:s22] =	ssyncadd.s32 s6;
	_ =	sdelay $0x1  }
0xa3: {  	s23 =	simm.s32 $0x1B8B  }
0xa4: {  	_ =	swait.ge [sflag:s23], $0x1  }
0xa5: {  	[sflag:s23] =	ssyncset.done $0x0  }
0xa6: {  	s25 =	simm.s32 $0x1B8E;
	s24 =	sld [smem:$0x3FFE];
	[sflag:s23] =	ssyncadd.s32 $0xFFFFFFFF  }
0xa7: {  	s26 =	simm.s32 $execute0_lowered;
	[smem:$0x3FD2] =	sst s25  }
0xa8: {  	s7 =	sshll.u32 s26, $0x1;
	_ =	strace $0x80000046;
	[dreg:$0x1] =	wrdreg $0xFFFFFFFF  }
0xa9: {  	s28 =	simm.s32 $_size_execute0_lowered;
	s5 =	sadd.s32 s5, s7;
	[dreg:$0x0] =	wrdreg $0x0  }
0xaa: {  	s7 =	sshll.u32 s28, $0x1;
	[dreg:$0x2] =	wrdreg s5  }
0xab: {  	[dreg:$0x3] =	wrdreg s7  }
0xac: {  	[dreg:$0x4] =	wrdreg $0xC0  }
0xad: {  	_ =	task [dreg:s9], $0x5FFFF  }
0xae: {  	[dreg:$0x1] =	wrdreg $0xFFFFFFFF  }
0xaf: {  	[dreg:$0x0] =	wrdreg $0x60  }
0xb0: {  	[dreg:$0x2] =	wrdreg s24  }
0xb1: {  	[dreg:$0x3] =	wrdreg s2  }
0xb2: {  	[dreg:$0x4] =	wrdreg s18  }
0xb3: {  	[dreg:$0x5] =	wrdreg s4  }
0xb4: {  	[dreg:$0x6] =	wrdreg $0x9  }
0xb5: {  	_ =	task.clear_ibuf [dreg:s9], $0x7FFFF;
	_ =	strace $0x90000046  }
0xb6: {  	s29 =	simm.s32 $0x9;
	_ =	strace $0x80000048  }
0xb7: {  	_ =	swait.ge [sflag:s29], $0x1  }
0xb8: {  	[sflag:s29] =	ssyncadd.s32 $0xFFFFFFFF  }
0xb9: {  	_ =	strace $0x90000048  }
0xba: {  	_ =	sfence  }
0xbb: {  	s30 =	sld [smem:$0x0];
	_ =	sdelay $0x2  }
0xbc: {  	s31 =	sshll.u32 s1, $0xD;
	s1 =	sshrl.u32 s1, $0x2  }
0xbd: {  	s3 =	sand.u32 $0x4000, s31;
	s1 =	sadd.s32 s1, s30  }
0xbe: {  	s0 =	sor.u32 s3, s0;
	s1 =	sshll.u32 s1, $0x11  }
0xbf: {  	s0 =	sor.u32 s1, s0  }
0xc0: {  	s0 =	sadd.s32 $0x8F2B, s0  }
0xc1: {  	[sflag:s0] =	ssyncadd.remote.s32 $0x1  }
0xc2: {  	_ =	sfence.sel $0xFFFF  }
0xc3: {  	[dreg:$0x0] =	wrdreg $0xFFFFFFFF;
	(pc) =	sbr.abs _section_cstart, $3  }
0xc4: {  	[dreg:$0x1] =	wrdreg $0xFFFFFFFF  }
0xc5: {  	_ =	task.clear_ibuf [dreg:s9], $0x2FFFF;
	_ =	strace $0x9FFFFFFF  }
0xc6: {  	(tm) =	ssettm $0x7FFFFFFF  }
0xc7: {  	_ =	shalt  }
tec
execute0_lowered:
.L_overlay_start_1:
0x0: {  	(tag) =	ssettag $0x1  }
0x1: {  	s0 =	rddreg [dreg:$0x0]  }
0x2: {  	s1 =	srdreg.scid;
	s2 =	stileid.u32  }
0x3: {  	s4 =	rddreg [dreg:$0x3];
	s5 =	simm.s32 $0x0;
	s11 =	simm.s32 $0x9  }
0x4: {  	s13 =	simm.s32 $0x16440;
	s14 =	simm.s32 $0x100;
	s15 =	simm.s32 $0x6400  }
0x5: {  	s16 =	simm.s32 $0xA400;
	s17 =	simm.s32 $0xE400;
	s18 =	simm.s32 $0x1  }
0x6: {  	s19 =	simm.s32 $0x12400;
	s20 =	simm.s32 $0x2;
	s21 =	simm.s32 $0x3  }
0x7: {  	s22 =	simm.s32 $0x4;
	s23 =	simm.s32 $0x5;
	s24 =	simm.s32 $0x6  }
0x8: {  	s25 =	simm.s32 $0x7;
	s1 =	sand.u32 $0x1, s1;
	s2 =	sshll.u32 s2, $0x1  }
0x9: {  	s26 =	simm.s32 $0x8;
	s28 =	simm.s32 $0x0;
	s2 =	sor.u32 s1, s2  }
0xa: {  	[smem:$0x7FF] =	sst s5;
	s1 =	ssub.s32 $0x2, s1;
	s3 =	smul.u32 $0xC80, s2  }
0xb: {  	s7 =	sadd.s32 $0xF42E00, s0;
	s6 =	smul.u32 $0x64, s2;
	s31 =	sshrl.u32 s1, $0x1  }
0xc: {  	_ =	strace $0x80000047;
	s30 =	sadd.s32 s3, s0;
	s0 =	ssub.s32 s1, s31  }
0xd: {  	s9 =	sor.u32 $0x1, s6;
	s8 =	sadd.s32 $0xA00, s30;
	s10 =	smax.u32 s0, $0x1  }
.LBB2_1:
0xe: {  	[tilespmem:s5], [sflag:$0x9] =	stream.linear.gather [hbm4b:s8+s5], $0x6400, $0x38;
	[tilespmem:$0x16480] =	vst v63  }
0xf: {  	_ =	swait.ge [sflag:s11], $0x6400  }
0x10: {  	[sflag:s11] =	ssyncset.done $0x0  }
0x11: {  	[sflag:s11] =	ssyncadd.s32 $0xFFFF9C00  }
0x12: {  	s1 =	simm.s32 $0x16400;
	s0 =	rddreg [dreg:$0x1]  }
0x13: {  	[tilespmem:s1], [sflag:$0x9] =	stream.linear.gather [hbm4b:s0+s5], $0x40, $0x38;
	[tilespmem:$0x16480] =	vst v63  }
0x14: {  	_ =	swait.ge [sflag:s11], $0x40  }
0x15: {  	[sflag:s11] =	ssyncset.done $0x0  }
0x16: {  	[sflag:s11] =	ssyncadd.s32 $0xFFFFFFC0  }
0x17: {  	s31 =	rddreg [dreg:$0x2]  }
0x18: {  	[tilespmem:s13], [sflag:$0x9] =	stream.linear.gather [hbm4b:s31+s5], $0x40, $0x38;
	[tilespmem:$0x16480] =	vst v63  }
0x19: {  	_ =	swait.ge [sflag:s11], $0x40  }
0x1a: {  	[sflag:s11] =	ssyncset.done $0x0  }
0x1b: {  	[sflag:s11] =	ssyncadd.s32 $0xFFFFFFC0  }
0x1c: {  	[tilespmem:s15], [sflag:$0x1] =	stream.indirect.gather [hbm4b:s7+s14], $0x40, s5, s14, $0xb8;
	[tilespmem:$0x16480] =	vst v63  }
0x1d: {  	s29 =	simm.s32 $0x0  }
0x1e: {  	[tilespmem:s16], [sflag:$0x2] =	stream.indirect.gather [hbm4b:s7+s14], $0x40, s14, s14, $0xb8;
	[tilespmem:$0x16480] =	vst v63  }
.LBB2_2:
0x1f: {  	p0 =	seq.s32 s29, $0x0  }
0x20: {  	s2 =	sshll.u32 s29, $0x2;
	s0 =	simm.s32 @!p0 $0x7  }
0x21: {  	s31 =	sor.u32 $0x2, s2;
	_ =	swait.ge @!p0 [sflag:s0], $0x4000  }
0x22: {  	s1 =	sshll.u32 s31, $0x8;
	[sflag:s0] =	ssyncset.done @!p0 $0x0  }
0x23: {  	s12 =	sand.u32 $0x3FFFFF00, s1;
	[sflag:s0] =	ssyncadd.s32 @!p0 $0xFFFFC000  }
0x24: {  	[tilespmem:s17], [sflag:$0x3] =	stream.indirect.gather [hbm4b:s7+s14], $0x40, s12, s14, $0xb8;
	[tilespmem:$0x16480] =	vst v63  }
0x25: {  	_ =	swait.ge [sflag:s18], $0x4000  }
0x26: {  	[sflag:s18] =	ssyncset.done $0x0  }
0x27: {  	s30 =	simm.s32 $0x6480;
	[sflag:s18] =	ssyncadd.s32 $0xFFFFC000  }
0x28: {  	v6 =	vld [tilespmem:s30+$0xFFFFFF90]  }
0x29: {  	v8 =	vld [tilespmem:s30+$0xFFFFFFE0]  }
0x2a: {  	v1 =	vld [tilespmem:s30+$0xFFFFFFB0]  }
0x2b: {  	v5 =	vld [tilespmem:s30+$0xFFFFFFA0]  }
0x2c: {  	v0 =	vld [tilespmem:s30+$0xFFFFFF80]  }
0x2d: {  	v10 =	vld [tilespmem:s30+$0xFFFFFFD0]  }
0x2e: {  	v9 =	vld [tilespmem:s30+$0xFFFFFFF0]  }
0x2f: {  	v12 =	vld [tilespmem:s30+$0xFFFFFFC0];
	_ =	sdelay $0x1  }
0x30: {  	v2 =	vadd.f32 v1, v5;
	v3 =	vadd.f32 v6, v0  }
0x31: {  	v4 =	vmul.f32 v6, v6;
	v7 =	vmul.f32 v1, v1  }
0x32: {  	v11 =	vmul.f32 v0, v0;
	v2 =	vadd.f32 v2, v3;
	v3 =	vmul.f32 v5, v5  }
0x33: {  	v13 =	vadd.f32 v10, v12;
	v14 =	vadd.f32 v9, v8  }
0x34: {  	v4 =	vadd.f32 v4, v11;
	v3 =	vadd.f32 v7, v3  }
0x35: {  	v21 =	vld [tilespmem:s30+$0x70];
	v7 =	vadd.f32 v14, v13  }
0x36: {  	v26 =	vld [tilespmem:s30+$0x40];
	(xrf2) =	vadd.scan.msk.f32 $0xffff, v2;
	v2 =	vadd.f32 v3, v4  }
0x37: {  	v19 =	vld [tilespmem:s30+$0x60];
	(xrf2) =	vadd.scan.msk.f32 $0xffff, v7  }
0x38: {  	v20 =	vld [tilespmem:s30+$0x50];
	(xrf2) =	vadd.scan.msk.f32 $0xffff, v2  }
0x39: {  	v16 =	vld [tilespmem:s30+$0x10]  }
0x3a: {  	v13 =	vld [tilespmem:s30+$0x30]  }
0x3b: {  	v18 =	vmul.f32 v26, v26;
	v14 =	vld [tilespmem:s30+$0x20]  }
0x3c: {  	v22 =	vmul.f32 v19, v19;
	v7 =	vld [tilespmem:s30+$0x0];
	v4 =	vmul.f32 v21, v21  }
0x3d: {  	v15 =	vmul.f32 v9, v9;
	v2 =	vmul.f32 v8, v8  }
0x3e: {  	v11 =	vadd.f32 v21, v19;
	v3 =	vmul.f32 v20, v20;
	v4 =	vadd.f32 v4, v22  }
0x3f: {  	v23 =	vmul.f32 v10, v10;
	v2 =	vadd.f32 v15, v2;
	v15 =	vadd.f32 v20, v26  }
0x40: {  	v24 =	vmul.f32 v12, v12;
	v3 =	vadd.f32 v3, v18;
	v17 =	vadd.f32 v13, v14;
	v18, _, _ =	vpop (xrf2)  }
0x41: {  	v11 =	vadd.f32 v11, v15;
	v15 =	vmul.f32 $1.562500000e-02, v18;
	v18 =	vadd.f32 v16, v7;
	v22, _, _ =	vpop (xrf2)  }
0x42: {  	v23 =	vadd.f32 v23, v24;
	v3 =	vadd.f32 v4, v3;
	v4, _, _ =	vpop (xrf2)  }
0x43: {  	(xrf2) =	vadd.scan.msk.f32 $0xffff, v11;
	v11 =	vadd.f32 v17, v18;
	v17 =	vmul.f32 v15, v15;
	v4 =	vmul.f32 $1.562500000e-02, v4  }
0x44: {  	v2 =	vadd.f32 v2, v23;
	(xrf2) =	vadd.scan.msk.f32 $0xffff, v3  }
0x45: {  	(xrf2) =	vadd.scan.msk.f32 $0xffff, v11;
	v3 =	vsub.f32 v4, v17  }
0x46: {  	v11 =	vmul.f32 v7, v7;
	(xrf2) =	vadd.scan.msk.f32 $0xffff, v2;
	v2 =	vmul.f32 v13, v13  }
0x47: {  	v4 =	vmul.f32 v16, v16;
	v17 =	vmul.f32 v14, v14;
	v3 =	vadd.f32 $9.999999960e-13, v3  }
0x48: {  	s0 =	simm.s32 $0x6580  }
0x49: {  	v40 =	vld [tilespmem:s0+$0xFFFFFFB0];
	v4 =	vadd.f32 v4, v11;
	v2 =	vadd.f32 v2, v17;
	v3 =	vbroadcast v3, $0xF;
	_ =	sdelay $0x1  }
0x4a: {  	v45 =	vld [tilespmem:s0+$0xFFFFFFA0];
	v2 =	vadd.f32 v2, v4;
	v11 =	vshra.s32 v3, $0x1;
	v17 =	vmul.f32 $5.000000000e-01, v3  }
0x4b: {  	v3 =	vsub.s32 $0x5F3759DF, v11  }
0x4c: {  	v4, _, _ =	vpop (xrf2);
	v11 =	vmul.f32 v3, v17  }
0x4d: {  	v51 =	vmul.f32 v40, v40;
	v18, _, _ =	vpop (xrf2)  }
0x4e: {  	v22 =	vmul.f32 $1.562500000e-02, v22;
	(xrf2) =	vadd.scan.msk.f32 $0xffff, v2;
	v2, _, _ =	vpop (xrf2);
	v11 =	vmul.f32 v3, v11  }
0x4f: {  	v61 =	vmul.f32 v45, v45;
	v15 =	vbroadcast v15, $0xF;
	v23, _, _ =	vpop (xrf2)  }
0x50: {  	v24 =	vmul.f32 v22, v22;
	v23 =	vmul.f32 $1.562500000e-02, v23;
	v11 =	vsub.f32 $1.500000000e+00, v11  }
0x51: {  	v51 =	vadd.f32 v51, v61;
	v28 =	vsub.f32 v0, v15;
	v22 =	vbroadcast v22, $0xF  }
0x52: {  	v25 =	vmul.f32 $1.562500000e-02, v2;
	v23 =	vsub.f32 v23, v24;
	v11 =	vmul.f32 v3, v11  }
0x53: {  	v32 =	vsub.f32 v1, v15;
	v44 =	vsub.f32 v12, v22  }
0x54: {  	v33 =	vbroadcast v25, $0xF;
	v3 =	vadd.f32 $9.999999960e-13, v23;
	v23 =	vmul.f32 v11, v17  }
0x55: {  	v47 =	vsub.f32 v10, v22;
	v24 =	vmul.f32 $1.562500000e-02, v4;
	v4 =	vmul.f32 $1.562500000e-02, v18  }
0x56: {  	v48 =	vld [tilespmem:s0+$0xFFFFFF80];
	v50 =	vsub.f32 v8, v22;
	v3 =	vbroadcast v3, $0xF;
	v18 =	vmul.f32 v23, v11  }
0x57: {  	v39 =	vsub.f32 v14, v33;
	v41 =	vsub.f32 v16, v33;
	v14 =	vld [tilespmem:s0+$0xFFFFFFD0];
	v23 =	vmul.f32 v24, v24  }
0x58: {  	v16 =	vld [tilespmem:s0+$0x10];
	v2, _, _ =	vpop (xrf2);
	v27 =	vshra.s32 v3, $0x1;
	v29 =	vmul.f32 $5.000000000e-01, v3;
	v18 =	vsub.f32 $1.500000000e+00, v18  }
0x59: {  	v30 =	vmul.f32 v25, v25;
	v31 =	vmul.f32 $1.562500000e-02, v2;
	v27 =	vsub.s32 $0x5F3759DF, v27  }
0x5a: {  	v4 =	vsub.f32 v4, v23;
	v23 =	vmul.f32 v27, v29;
	v18 =	vmul.f32 v18, v11  }
0x5b: {  	v54 =	vmul.f32 v48, v48;
	v35 =	vsub.f32 v7, v33;
	v11 =	vsub.f32 v31, v30  }
0x5c: {  	v30 =	vadd.f32 $9.999999960e-13, v4;
	v23 =	vmul.f32 v27, v23;
	v17 =	vmul.f32 v18, v17  }
0x5d: {  	v0 =	vld [tilespmem:$0x16400];
	v52 =	vmul.f32 v14, v14;
	v58 =	vmul.f32 v16, v16;
	v11 =	vadd.f32 $9.999999960e-13, v11  }
0x5e: {  	v1 =	vld [tilespmem:$0x16440];
	v34 =	vbroadcast v30, $0xF;
	v25 =	vsub.f32 $1.500000000e+00, v23;
	v17 =	vmul.f32 v17, v18  }
0x5f: {  	v8 =	vld [tilespmem:s0+$0x60];
	v31 =	vsub.f32 v5, v15;
	v30 =	vsub.f32 v6, v15;
	v6 =	vbroadcast v11, $0xF  }
0x60: {  	v23 =	vld [tilespmem:s0+$0xFFFFFF90];
	v7 =	vshra.s32 v34, $0x1;
	v36 =	vmul.f32 v27, v25;
	v15 =	vsub.f32 $1.500000000e+00, v17  }
0x61: {  	v11 =	vld [tilespmem:s0+$0xFFFFFFE0];
	v25 =	vsub.s32 $0x5F3759DF, v7;
	v17 =	vshra.s32 v6, $0x1;
	v37 =	vmul.f32 $5.000000000e-01, v6  }
0x62: {  	v7 =	vld [tilespmem:s0+$0x50];
	v27 =	vmul.f32 v36, v29;
	v17 =	vsub.s32 $0x5F3759DF, v17;
	v38 =	vmul.f32 v15, v18  }
0x63: {  	v22 =	vsub.f32 v9, v22;
	v3 =	vld [tilespmem:$0x16410];
	v34 =	vmul.f32 $5.000000000e-01, v34;
	v18 =	vmul.f32 v17, v37  }
0x64: {  	v2 =	vld [tilespmem:$0x16430];
	v42 =	vmul.f32 v27, v36;
	v27 =	vsub.f32 v13, v33;
	v13 =	vmul.f32 v38, v28  }
0x65: {  	v9 =	vadd.f32 v40, v45;
	v6 =	vld [tilespmem:s0+$0x70];
	v43 =	vmul.f32 v23, v23;
	v12 =	vmul.f32 v17, v18  }
0x66: {  	v5 =	vld [tilespmem:$0x16470];
	v53 =	vadd.f32 v23, v48;
	v33 =	vmul.f32 v11, v11;
	v13 =	vmul.f32 v13, v0  }
0x67: {  	v15 =	vld [tilespmem:s0+$0x30];
	v46 =	vmul.f32 v7, v7;
	v31 =	vmul.f32 v38, v31;
	v10 =	vsub.f32 $1.500000000e+00, v12  }
0x68: {  	v12 =	vmul.f32 v38, v32;
	v32 =	vsub.f32 $1.500000000e+00, v42;
	v28 =	vadd.f32 v13, v1;
	v13 =	vld [tilespmem:s0+$0xFFFFFFF0]  }
0x69: {  	v53 =	vadd.f32 v9, v53;
	v30 =	vmul.f32 v38, v30;
	v10 =	vmul.f32 v17, v10;
	v17 =	vld [tilespmem:s0+$0xFFFFFFC0]  }
0x6a: {  	v43 =	vadd.f32 v43, v54;
	v49 =	vmul.f32 v6, v6;
	v32 =	vmul.f32 v32, v36  }
0x6b: {  	v55 =	vadd.f32 v6, v8;
	v12 =	vmul.f32 v12, v2;
	v62 =	vmul.f32 v10, v37  }
0x6c: {  	v9 =	vld [tilespmem:$0x16420];
	v61 =	vadd.f32 v51, v43;
	v56 =	vmul.f32 v30, v3;
	v29 =	vmul.f32 v32, v29  }
0x6d: {  	v18 =	vld [tilespmem:s0+$0x20];
	(xrf2) =	vadd.scan.msk.f32 $0xffff, v53;
	v42 =	vmul.f32 v15, v15;
	v30 =	vadd.f32 v12, v5;
	v38 =	vmul.f32 v62, v10  }
0x6e: {  	v12 =	vld [tilespmem:s0+$0x40];
	v29 =	vmul.f32 v29, v32;
	v54 =	vmul.f32 v13, v13;
	v59 =	vadd.f32 v14, v17  }
0x6f: {  	v60 =	vmul.f32 v17, v17;
	v53 =	vadd.f32 v13, v11;
	v38 =	vsub.f32 $1.500000000e+00, v38  }
0x70: {  	v62 =	vbroadcast v24, $0xF;
	v29 =	vsub.f32 $1.500000000e+00, v29;
	v24 =	vadd.f32 v54, v33  }
0x71: {  	v31 =	vmul.f32 v31, v9;
	v63 =	vadd.f32 v52, v60;
	v60 =	vadd.f32 v53, v59  }
0x72: {  	v57 =	vadd.f32 v15, v18;
	v53 =	vld [tilespmem:s0+$0x0];
	v54 =	vmul.f32 v8, v8;
	v38 =	vmul.f32 v38, v10  }
0x73: {  	v29 =	vmul.f32 v29, v32;
	v33 =	vadd.f32 v24, v63;
	v24 =	vadd.f32 v7, v12;
	(xrf2) =	vadd.scan.msk.f32 $0xffff, v60  }
0x74: {  	v63 =	vmul.f32 v12, v12;
	v59 =	vadd.f32 v49, v54;
	v37 =	vmul.f32 v38, v37;
	(xrf2) =	vadd.scan.msk.f32 $0xffff, v61  }
0x75: {  	v49 =	vsub.f32 v21, v62;
	v21 =	vmul.f32 v18, v18;
	v61 =	vmul.f32 v25, v34  }
0x76: {  	v24 =	vadd.f32 v55, v24;
	v55 =	vadd.f32 v46, v63;
	v37 =	vmul.f32 v37, v38  }
0x77: {  	v4 =	vld [tilespmem:$0x16450];
	v46 =	vsub.f32 v20, v62;
	v60, _, _ =	vpop (xrf2);
	v21 =	vadd.f32 v42, v21;
	v20 =	vmul.f32 v53, v53  }
0x78: {  	v43 =	vmul.f32 $1.562500000e-02, v60;
	v42 =	vmul.f32 v25, v61;
	v36 =	vsub.f32 $1.500000000e+00, v37  }
0x79: {  	v63 =	vadd.f32 v16, v53;
	v61 =	vmul.f32 v29, v47;
	v20 =	vadd.f32 v58, v20  }
0x7a: {  	v37 =	vadd.f32 v59, v55;
	v42 =	vsub.f32 $1.500000000e+00, v42;
	v36 =	vmul.f32 v36, v38  }
0x7b: {  	(xrf2) =	vadd.scan.msk.f32 $0xffff, v24;
	v38 =	vbroadcast v43, $0xF;
	v59 =	vadd.f32 v21, v20;
	v21 =	vmul.f32 v29, v44  }
0x7c: {  	v56 =	vadd.f32 v56, v4;
	v43 =	vmul.f32 v43, v43;
	v42 =	vmul.f32 v25, v42  }
0x7d: {  	v10 =	vld [tilespmem:$0x16460];
	v58 =	vadd.f32 v57, v63;
	(xrf2) =	vadd.scan.msk.f32 $0xffff, v37;
	v37 =	vmul.f32 v61, v3;
	v32 =	vmul.f32 v36, v35;
	v60, _, _ =	vpop (xrf2)  }
0x7e: {  	v41 =	vmul.f32 v36, v41;
	v39 =	vmul.f32 v36, v39;
	v24 =	vsub.f32 v48, v38;
	v63, _, _ =	vpop (xrf2)  }
0x7f: {  	v48 =	vmul.f32 v29, v50;
	v20 =	vsub.f32 v40, v38;
	v50 =	vmul.f32 $1.562500000e-02, v63  }
0x80: {  	v54 =	vmul.f32 v21, v0;
	v21 =	vsub.f32 v23, v38;
	v23 =	vmul.f32 v42, v34;
	(xrf2) =	vadd.scan.msk.f32 $0xffff, v58  }
0x81: {  	v29 =	vmul.f32 v29, v22;
	v27 =	vmul.f32 v36, v27;
	(xrf2) =	vadd.scan.msk.f32 $0xffff, v33;
	v40 =	vsub.f32 v50, v43  }
0x82: {  	v31 =	vadd.f32 v31, v10;
	v55 =	vmul.f32 v48, v9;
	v57 =	vmul.f32 v23, v42  }
0x83: {  	v29 =	vmul.f32 v29, v2;
	v25 =	vmul.f32 $1.562500000e-02, v60;
	v40 =	vadd.f32 $9.999999960e-13, v40  }
0x84: {  	v41 =	vmul.f32 v41, v3;
	v39 =	vmul.f32 v39, v9;
	v44 =	vsub.f32 $1.500000000e+00, v57  }
0x85: {  	v22 =	vsub.f32 v45, v38;
	v51 =	vmul.f32 v27, v2;
	v23, _, _ =	vpop (xrf2);
	v40 =	vbroadcast v40, $0xF  }
0x86: {  	v37 =	vadd.f32 v37, v4;
	v23 =	vmul.f32 $1.562500000e-02, v23;
	v42 =	vmul.f32 v44, v42  }
0x87: {  	v63 =	vsub.f32 v26, v62;
	(xrf2) =	vadd.scan.msk.f32 $0xffff, v59;
	v59 =	vshra.s32 v40, $0x1;
	v40 =	vmul.f32 $5.000000000e-01, v40  }
0x88: {  	v58, _, _ =	vpop (xrf2);
	v26 =	vmul.f32 v23, v23;
	v34 =	vmul.f32 v42, v34;
	v45 =	vsub.s32 $0x5F3759DF, v59  }
0x89: {  	v33 =	vadd.f32 v55, v10;
	v35 =	vmul.f32 $1.562500000e-02, v58;
	v60 =	vmul.f32 v45, v40  }
0x8a: {  	v43 =	vadd.f32 v29, v5;
	v29 =	vmul.f32 v25, v25;
	v34 =	vmul.f32 v34, v42;
	v61, _, _ =	vpop (xrf2)  }
0x8b: {  	v50 =	vsub.f32 v19, v62;
	v26 =	vsub.f32 v35, v26;
	v47, _, _ =	vpop (xrf2);
	v19 =	vmul.f32 v45, v60  }
0x8c: {  	[tilespmem:s30+$0xFFFFFF80] =	vst v28;
	v27 =	vmul.f32 $1.562500000e-02, v61;
	v28 =	vsub.f32 $1.500000000e+00, v34;
	v36 =	vmul.f32 $1.562500000e-02, v47  }
0x8d: {  	v52 =	vmul.f32 v32, v0;
	v26 =	vadd.f32 $9.999999960e-13, v26;
	v19 =	vsub.f32 $1.500000000e+00, v19  }
0x8e: {  	v55 =	vmul.f32 v27, v27;
	v42 =	vmul.f32 v28, v42;
	v36 =	vsub.f32 v36, v29  }
0x8f: {  	v38 =	vadd.f32 v54, v1;
	v29 =	vbroadcast v27, $0xF;
	v54 =	vmul.f32 v45, v19  }
0x90: {  	[tilespmem:s30+$0xFFFFFFB0] =	vst v30;
	v27 =	vbroadcast v26, $0xF;
	v58 =	vmul.f32 v42, v46;
	v30 =	vadd.f32 $9.999999960e-13, v36  }
0x91: {  	[tilespmem:s30+$0xFFFFFF90] =	vst v56;
	v41 =	vadd.f32 v41, v4;
	v60 =	vmul.f32 v42, v49;
	v56 =	vmul.f32 v54, v40  }
0x92: {  	[tilespmem:s30+$0xFFFFFFA0] =	vst v31;
	v39 =	vadd.f32 v39, v10;
	v35 =	vmul.f32 v42, v50;
	v26, _, _ =	vpop (xrf2);
	v28 =	vbroadcast v30, $0xF  }
0x93: {  	[tilespmem:s30+$0xFFFFFFD0] =	vst v37;
	v57 =	vshra.s32 v27, $0x1;
	v26 =	vmul.f32 $1.562500000e-02, v26;
	v31 =	vmul.f32 v56, v54  }
0x94: {  	[tilespmem:s30+$0xFFFFFFC0] =	vst v38;
	v34 =	vmul.f32 v58, v3;
	v59 =	vshra.s32 v28, $0x1;
	v28 =	vmul.f32 $5.000000000e-01, v28  }
0x95: {  	[tilespmem:s30+$0xFFFFFFE0] =	vst v33;
	v36 =	vsub.f32 v26, v55;
	v33 =	vsub.s32 $0x5F3759DF, v59;
	v31 =	vsub.f32 $1.500000000e+00, v31  }
0x96: {  	[tilespmem:s30+$0x10] =	vst v41;
	v38 =	vmul.f32 v60, v2;
	v19 =	vsub.f32 v53, v29;
	v61 =	vmul.f32 v33, v28  }
0x97: {  	[tilespmem:s30+$0x20] =	vst v39;
	v30 =	vadd.f32 v51, v5;
	v62 =	vadd.f32 $9.999999960e-13, v36;
	v32 =	vmul.f32 v31, v54  }
0x98: {  	[tilespmem:s30+$0xFFFFFFF0] =	vst v43;
	v37 =	vmul.f32 v33, v61;
	v31 =	vmul.f32 v42, v63;
	v63 =	vadd.f32 v52, v1  }
0x99: {  	v26 =	vsub.s32 $0x5F3759DF, v57;
	[tilespmem:s30+$0x30] =	vst v30;
	v30 =	vadd.f32 v38, v5;
	v36 =	vmul.f32 v32, v40  }
0x9a: {  	s3 =	simm.s32 $0x6680;
	s1 =	simm.s32 $0x4;
	v39 =	vbroadcast v62, $0xF;
	v38 =	vsub.f32 $1.500000000e+00, v37;
	[tilespmem:s30+$0x0] =	vst v63;
	v37 =	vmul.f32 v31, v0  }
.LBB2_3:
0x9b: {  	v31 =	vld [tilespmem:s3+$0xFFFFFF90];
	s1 =	sadd.s32 $0x4, s1;
	v36 =	vmul.f32 v36, v32;
	v34 =	vadd.f32 v34, v4;
	v35 =	vmul.f32 v35, v9  }
0x9c: {  	v43 =	vld [tilespmem:s3+$0xFFFFFFE0];
	p1 =	slt.u32 s1, $0xFC;
	v38 =	vmul.f32 v33, v38;
	v33 =	vshra.s32 v39, $0x1;
	v37 =	vadd.f32 v37, v1  }
0x9d: {  	v46 =	vmul.f32 $5.000000000e-01, v39;
	v44 =	vld [tilespmem:s3+$0x50];
	v36 =	vsub.f32 $1.500000000e+00, v36;
	v45 =	vsub.s32 $0x5F3759DF, v33;
	[tilespmem:s30+$0x50] =	vst v34  }
0x9e: {  	v33 =	vsub.f32 v18, v29;
	v18 =	vadd.f32 v35, v10;
	v42 =	vld [tilespmem:s3+$0x70];
	v34 =	vmul.f32 v38, v28;
	[tilespmem:s30+$0x40] =	vst v37  }
0x9f: {  	v37 =	vld [tilespmem:s3+$0x30];
	v47 =	vmul.f32 v36, v32;
	v32 =	vmul.f32 v45, v46;
	v36 =	vsub.f32 v16, v29;
	[tilespmem:s30+$0x70] =	vst v30  }
0xa0: {  	v48 =	vbroadcast v25, $0xF;
	v29 =	vsub.f32 v15, v29;
	v35 =	vld [tilespmem:s3+$0xFFFFFFB0];
	v30 =	vmul.f32 v34, v38;
	[tilespmem:s30+$0x60] =	vst v18;
	s30 =	smov.u32 s0;
	s0 =	smov.u32 s3  }
0xa1: {  	v34 =	vmul.f32 v31, v31;
	v49 =	vld [tilespmem:s3+$0xFFFFFFD0];
	v53 =	vmul.f32 v47, v24  }
0xa2: {  	v39 =	vsub.f32 v17, v48;
	v24 =	vmul.f32 v43, v43;
	v17 =	vmul.f32 v45, v32;
	v16 =	vld [tilespmem:s3+$0x10]  }
0xa3: {  	v41 =	vsub.f32 v14, v48;
	v50 =	vmul.f32 v44, v44;
	v25 =	vld [tilespmem:s3+$0xFFFFFFA0];
	v18 =	vmul.f32 v53, v0  }
0xa4: {  	v40 =	vsub.f32 v11, v48;
	v11 =	vmovc v43;
	v52 =	vmul.f32 v42, v42;
	v54 =	vsub.f32 $1.500000000e+00, v17;
	v51 =	vld [tilespmem:s3+$0xFFFFFF80];
	v15 =	vmovc v37  }
0xa5: {  	v20 =	vmul.f32 v47, v20;
	v43 =	vmul.f32 v35, v35;
	v32 =	vld [tilespmem:s3+$0x60];
	v17 =	vadd.f32 v18, v1  }
0xa6: {  	v22 =	vmul.f32 v47, v22;
	v53 =	vsub.f32 $1.500000000e+00, v30;
	v45 =	vmul.f32 v45, v54;
	v18 =	vld [tilespmem:s3+$0x20];
	v14 =	vmovc v49  }
0xa7: {  	v48 =	vsub.f32 v13, v48;
	v20 =	vmul.f32 v20, v2;
	v54 =	vmul.f32 v37, v15;
	v30 =	vld [tilespmem:s3+$0x0];
	[tilespmem:s30+$0xFFFFFF80] =	vst v17  }
0xa8: {  	v21 =	vmul.f32 v47, v21;
	v49 =	vmul.f32 v49, v14;
	v37 =	vadd.f32 v35, v25;
	v13 =	vld [tilespmem:s3+$0xFFFFFFF0]  }
0xa9: {  	v56 =	vmul.f32 v45, v46;
	v47 =	vadd.f32 v31, v51;
	v55 =	vmul.f32 v51, v51;
	v17 =	vld [tilespmem:s3+$0xFFFFFFC0]  }
0xaa: {  	v21 =	vmul.f32 v21, v3;
	v20 =	vadd.f32 v20, v5;
	v57 =	vadd.f32 v42, v32  }
0xab: {  	v59 =	vmul.f32 v16, v16;
	v56 =	vmul.f32 v56, v45;
	v58 =	vadd.f32 v15, v18  }
0xac: {  	v47 =	vadd.f32 v37, v47;
	v55 =	vadd.f32 v34, v55;
	v37 =	vbroadcast v23, $0xF;
	[tilespmem:s30+$0xFFFFFFB0] =	vst v20  }
0xad: {  	v21 =	vadd.f32 v21, v4;
	v23 =	vsub.f32 $1.500000000e+00, v56;
	v20 =	vmul.f32 v13, v13;
	v34 =	vld [tilespmem:s3+$0x40]  }
0xae: {  	v60 =	vadd.f32 v13, v11;
	v56 =	vadd.f32 v14, v17;
	v61 =	vmul.f32 v17, v17;
	(xrf2) =	vadd.scan.msk.f32 $0xffff, v47  }
0xaf: {  	v47 =	vmul.f32 v25, v25;
	v20 =	vadd.f32 v20, v24;
	[tilespmem:s30+$0xFFFFFF90] =	vst v21;
	v21 =	vmul.f32 v23, v45  }
0xb0: {  	v23 =	vadd.f32 v60, v56;
	v24 =	vadd.f32 v49, v61  }
0xb1: {  	v45 =	vmul.f32 v53, v38;
	v43 =	vadd.f32 v43, v47;
	v38 =	vmul.f32 v21, v46  }
0xb2: {  	v22 =	vmul.f32 v22, v9;
	v46 =	vadd.f32 v20, v24;
	v20 =	vadd.f32 v44, v34;
	(xrf2) =	vadd.scan.msk.f32 $0xffff, v23  }
0xb3: {  	v23 =	vadd.f32 v43, v55;
	v24 =	vmul.f32 v34, v34;
	v38 =	vmul.f32 v38, v21  }
0xb4: {  	v22 =	vadd.f32 v22, v10;
	v43 =	vmul.f32 v32, v32;
	v20 =	vadd.f32 v57, v20  }
0xb5: {  	(xrf2) =	vadd.scan.msk.f32 $0xffff, v23;
	v23 =	vmul.f32 v45, v28;
	v47 =	vsub.f32 $1.500000000e+00, v38;
	v28 =	vsub.f32 v7, v37;
	v7 =	vmovc v44  }
0xb6: {  	v27 =	vmul.f32 $5.000000000e-01, v27;
	v24 =	vadd.f32 v50, v24;
	v44 =	vadd.f32 v52, v43;
	[tilespmem:s30+$0xFFFFFFA0] =	vst v22  }
0xb7: {  	v38 =	vsub.f32 v6, v37;
	v6 =	vmovc v42;
	v22 =	vmul.f32 v30, v30;
	v23 =	vmul.f32 v23, v45  }
0xb8: {  	v42 =	vmul.f32 v18, v18;
	v24 =	vadd.f32 v44, v24;
	v43, _, _ =	vpop (xrf2);
	(xrf2) =	vadd.scan.msk.f32 $0xffff, v20;
	v20 =	vmul.f32 v26, v27  }
0xb9: {  	v44 =	vadd.f32 v16, v30;
	v22 =	vadd.f32 v59, v22;
	v43 =	vmul.f32 $1.562500000e-02, v43  }
0xba: {  	v42 =	vadd.f32 v54, v42;
	v47 =	vmul.f32 v47, v21;
	v23 =	vsub.f32 $1.500000000e+00, v23  }
0xbb: {  	v44 =	vadd.f32 v58, v44;
	v49 =	vmul.f32 v26, v20;
	v21 =	vbroadcast v43, $0xF  }
0xbc: {  	v19 =	vmul.f32 v47, v19;
	v42 =	vadd.f32 v42, v22;
	v23 =	vmul.f32 v23, v45;
	v50, _, _ =	vpop (xrf2);
	(xrf2) =	vadd.scan.msk.f32 $0xffff, v24  }
0xbd: {  	v36 =	vmul.f32 v47, v36;
	v33 =	vmul.f32 v47, v33;
	v24 =	vsub.f32 v51, v21  }
0xbe: {  	v20 =	vsub.f32 v35, v21;
	v35 =	vmul.f32 v23, v39;
	v39 =	vmul.f32 v23, v41  }
0xbf: {  	v45 =	vmul.f32 v43, v43;
	v43 =	vsub.f32 $1.500000000e+00, v49;
	v40 =	vmul.f32 v23, v40;
	v22, _, _ =	vpop (xrf2);
	(xrf2) =	vadd.scan.msk.f32 $0xffff, v44  }
0xc0: {  	v23 =	vmul.f32 v23, v48;
	v44 =	vmul.f32 $1.562500000e-02, v22;
	v22 =	vsub.f32 v25, v21  }
0xc1: {  	v26 =	vmul.f32 v26, v43;
	v21 =	vsub.f32 v31, v21;
	v31 =	vmul.f32 v35, v0  }
0xc2: {  	v40 =	vmul.f32 v40, v9;
	v23 =	vmul.f32 v23, v2;
	v35 =	vsub.f32 v44, v45;
	(xrf2) =	vadd.scan.msk.f32 $0xffff, v46;
	v41, _, _ =	vpop (xrf2)  }
0xc3: {  	v25 =	vmul.f32 $1.562500000e-02, v50;
	v43 =	vmul.f32 v26, v27;
	v31 =	vadd.f32 v31, v1  }
0xc4: {  	v39 =	vmul.f32 v39, v3;
	v44 =	vadd.f32 v23, v5;
	v35 =	vadd.f32 $9.999999960e-13, v35  }
0xc5: {  	v45 =	vmul.f32 v25, v25;
	[tilespmem:s30+$0xFFFFFFC0] =	vst v31;
	v31 =	vadd.f32 v40, v10;
	v40 =	vmul.f32 v43, v26  }
0xc6: {  	v36 =	vmul.f32 v36, v3;
	v39 =	vadd.f32 v39, v4;
	v35 =	vbroadcast v35, $0xF;
	(xrf2) =	vadd.scan.msk.f32 $0xffff, v42;
	v42, _, _ =	vpop (xrf2)  }
0xc7: {  	v23 =	vmul.f32 $1.562500000e-02, v41;
	[tilespmem:s30+$0xFFFFFFE0] =	vst v31;
	v31 =	vmul.f32 v33, v9;
	v33 =	vsub.f32 $1.500000000e+00, v40  }
0xc8: {  	v36 =	vadd.f32 v36, v4;
	v40 =	vshra.s32 v35, $0x1;
	v35 =	vmul.f32 $5.000000000e-01, v35;
	[tilespmem:s30+$0xFFFFFFF0] =	vst v44  }
0xc9: {  	v41 =	vmul.f32 $1.562500000e-02, v42;
	v40 =	vsub.s32 $0x5F3759DF, v40;
	v42, _, _ =	vpop (xrf2);
	[tilespmem:s30+$0xFFFFFFD0] =	vst v39;
	v31 =	vadd.f32 v31, v10  }
0xca: {  	v26 =	vmul.f32 v33, v26;
	v39 =	vmul.f32 v40, v35;
	[tilespmem:s30+$0x10] =	vst v36;
	v36 =	vsub.f32 v12, v37  }
0xcb: {  	v29 =	vmul.f32 v47, v29;
	v43 =	vmul.f32 v23, v23;
	[tilespmem:s30+$0x20] =	vst v31;
	v31 =	vsub.f32 v8, v37  }
0xcc: {  	v27 =	vmul.f32 v26, v27;
	v8 =	vmov v32;
	v33 =	vmul.f32 v40, v39;
	v37, _, _ =	vpop (xrf2)  }
0xcd: {  	v12 =	vmovc v34;
	v39 =	vmul.f32 v29, v2;
	v32 =	vmul.f32 $1.562500000e-02, v37;
	v37 =	vsub.f32 v41, v43  }
0xce: {  	v27 =	vmul.f32 v27, v26;
	v29 =	vsub.f32 $1.500000000e+00, v33;
	v33 =	vmul.f32 $1.562500000e-02, v42  }
0xcf: {  	v32 =	vsub.f32 v32, v45;
	v34 =	vadd.f32 $9.999999960e-13, v37;
	v37 =	vmul.f32 v19, v0  }
0xd0: {  	v42 =	vsub.f32 $1.500000000e+00, v27;
	v40 =	vmul.f32 v40, v29;
	v29 =	vbroadcast v33, $0xF;
	v41, _, _ =	vpop (xrf2)  }
0xd1: {  	v43 =	vmul.f32 v33, v33;
	v32 =	vadd.f32 $9.999999960e-13, v32;
	v27 =	vbroadcast v34, $0xF  }
0xd2: {  	v33 =	vmul.f32 v40, v35;
	v19 =	vsub.f32 v30, v29;
	v30 =	vmul.f32 v42, v26  }
0xd3: {  	v34 =	vadd.f32 v39, v5;
	v26 =	vbroadcast v32, $0xF;
	v32 =	vmul.f32 $1.562500000e-02, v41  }
0xd4: {  	v39 =	vshra.s32 v27, $0x1;
	v33 =	vmul.f32 v33, v40;
	v41 =	vmul.f32 v30, v28  }
0xd5: {  	v42 =	vshra.s32 v26, $0x1;
	v28 =	vmul.f32 $5.000000000e-01, v26;
	[tilespmem:s30+$0x30] =	vst v34;
	v26 =	vmul.f32 v30, v38  }
0xd6: {  	v38 =	vsub.f32 $1.500000000e+00, v33;
	v33 =	vsub.s32 $0x5F3759DF, v42;
	v34 =	vmul.f32 v41, v3  }
.Ltmp0:
0xd7: {  	v42 =	vsub.f32 v32, v43;
	v41 =	vmul.f32 v33, v28;
	v43 =	vmul.f32 v26, v2;
	(pc) =	sbr.rel @p1 .LBB2_3-.Ltmp0, $4  }
0xd8: {  	v26 =	vsub.s32 $0x5F3759DF, v39;
	v32 =	vmul.f32 v38, v40;
	v40 =	vmul.f32 v30, v36  }
0xd9: {  	v37 =	vadd.f32 v37, v1;
	v39 =	vadd.f32 $9.999999960e-13, v42;
	v38 =	vmul.f32 v33, v41  }
0xda: {  	v36 =	vmul.f32 v32, v35;
	v35 =	vmul.f32 v30, v31;
	v30 =	vadd.f32 v43, v5  }
0xdb: {  	s3 =	sadd.s32 $0x100, s3;
	v39 =	vbroadcast v39, $0xF;
	v38 =	vsub.f32 $1.500000000e+00, v38;
	[tilespmem:s30+$0x0] =	vst v37;
	v37 =	vmul.f32 v40, v0  }
0xdc: {  	_ = 	snop  }
0xdd: {  	v31 =	vshra.s32 v39, $0x1;
	v47 =	vmul.f32 $5.000000000e-01, v39  }
0xde: {  	v36 =	vmul.f32 v36, v32;
	v27 =	vmul.f32 $5.000000000e-01, v27;
	v31 =	vsub.s32 $0x5F3759DF, v31  }
0xdf: {  	v33 =	vmul.f32 v33, v38;
	v40 =	vmul.f32 v31, v47  }
0xe0: {  	v34 =	vadd.f32 v34, v4;
	v35 =	vmul.f32 v35, v9;
	v41 =	vmul.f32 v26, v27  }
0xe1: {  	v18 =	vsub.f32 v18, v29;
	v49 =	vmul.f32 v33, v28;
	v40 =	vmul.f32 v31, v40  }
0xe2: {  	v16 =	vsub.f32 v16, v29;
	v25 =	vbroadcast v25, $0xF;
	v52 =	vmul.f32 v26, v41  }
0xe3: {  	v36 =	vsub.f32 $1.500000000e+00, v36;
	v51 =	vmul.f32 v49, v33;
	v40 =	vsub.f32 $1.500000000e+00, v40  }
0xe4: {  	v15 =	vsub.f32 v15, v29;
	v23 =	vbroadcast v23, $0xF;
	v53 =	vsub.f32 $1.500000000e+00, v52  }
0xe5: {  	v50 =	vmul.f32 v36, v32;
	v36 =	vsub.f32 $1.500000000e+00, v51;
	v31 =	vmul.f32 v31, v40  }
0xe6: {  	v37 =	vadd.f32 v37, v1;
	v35 =	vadd.f32 v35, v10;
	v26 =	vmul.f32 v26, v53  }
0xe7: {  	v17 =	vsub.f32 v17, v25;
	v29 =	vmul.f32 v36, v33;
	v48 =	vmul.f32 v31, v47  }
0xe8: {  	v14 =	vsub.f32 v14, v25;
	v24 =	vmul.f32 v50, v24;
	v55 =	vmul.f32 v26, v27  }
0xe9: {  	v11 =	vsub.f32 v11, v25;
	v28 =	vmul.f32 v29, v28;
	v38 =	vmul.f32 v48, v31  }
0xea: {  	v13 =	vsub.f32 v13, v25;
	v20 =	vmul.f32 v50, v20;
	v57 =	vmul.f32 v55, v26  }
0xeb: {  	v21 =	vmul.f32 v50, v21;
	v28 =	vmul.f32 v28, v29;
	v38 =	vsub.f32 $1.500000000e+00, v38  }
0xec: {  	v22 =	vmul.f32 v50, v22;
	v24 =	vmul.f32 v24, v0;
	v58 =	vsub.f32 $1.500000000e+00, v57  }
0xed: {  	v20 =	vmul.f32 v20, v2;
	v28 =	vsub.f32 $1.500000000e+00, v28;
	v31 =	vmul.f32 v38, v31  }
0xee: {  	v7 =	vsub.f32 v7, v23;
	v21 =	vmul.f32 v21, v3;
	v26 =	vmul.f32 v58, v26  }
0xef: {  	v6 =	vsub.f32 v6, v23;
	v25 =	vmul.f32 v28, v29;
	v54 =	vmul.f32 v31, v47  }
0xf0: {  	v12 =	vsub.f32 v12, v23;
	v22 =	vmul.f32 v22, v9;
	v27 =	vmul.f32 v26, v27  }
0xf1: {  	[tilespmem:s30+$0x70] =	vst v30;
	v24 =	vadd.f32 v24, v1;
	v17 =	vmul.f32 v25, v17;
	v33 =	vmul.f32 v54, v31  }
0xf2: {  	[tilespmem:s30+$0x50] =	vst v34;
	v20 =	vadd.f32 v20, v5;
	v14 =	vmul.f32 v25, v14;
	v13 =	vmul.f32 v25, v13  }
0xf3: {  	[tilespmem:s0+$0xFFFFFF80] =	vst v24;
	v24 =	vmul.f32 v27, v26;
	v17 =	vmul.f32 v17, v0;
	v56 =	vsub.f32 $1.500000000e+00, v33  }
0xf4: {  	v8 =	vsub.f32 v8, v23;
	[tilespmem:s30+$0x40] =	vst v37;
	v11 =	vmul.f32 v25, v11;
	v13 =	vmul.f32 v13, v2  }
0xf5: {  	[tilespmem:s0+$0xFFFFFFB0] =	vst v20;
	v20 =	vsub.f32 $1.500000000e+00, v24;
	v17 =	vadd.f32 v17, v1;
	v31 =	vmul.f32 v56, v31  }
0xf6: {  	[tilespmem:s30+$0x60] =	vst v35;
	v21 =	vadd.f32 v21, v4;
	v11 =	vmul.f32 v11, v9;
	v14 =	vmul.f32 v14, v3  }
0xf7: {  	v22 =	vadd.f32 v22, v10;
	[tilespmem:s0+$0xFFFFFFC0] =	vst v17;
	v17 =	vmul.f32 v20, v26;
	v16 =	vmul.f32 v31, v16  }
0xf8: {  	[tilespmem:s0+$0xFFFFFF90] =	vst v21;
	v11 =	vadd.f32 v11, v10;
	v18 =	vmul.f32 v31, v18;
	v15 =	vmul.f32 v31, v15  }
0xf9: {  	[tilespmem:s0+$0xFFFFFFA0] =	vst v22;
	v14 =	vadd.f32 v14, v4;
	v19 =	vmul.f32 v31, v19;
	v16 =	vmul.f32 v16, v3  }
0xfa: {  	v13 =	vadd.f32 v13, v5;
	[tilespmem:s0+$0xFFFFFFE0] =	vst v11;
	v7 =	vmul.f32 v17, v7;
	v18 =	vmul.f32 v18, v9  }
0xfb: {  	[tilespmem:s0+$0xFFFFFFD0] =	vst v14;
	v12 =	vmul.f32 v17, v12;
	v14 =	vmul.f32 v19, v0;
	v11 =	vadd.f32 v16, v4  }
0xfc: {  	[tilespmem:s0+$0xFFFFFFF0] =	vst v13;
	v6 =	vmul.f32 v17, v6;
	v3 =	vmul.f32 v7, v3;
	v13 =	vadd.f32 v18, v10  }
0xfd: {  	v8 =	vmul.f32 v17, v8;
	v0 =	vmul.f32 v12, v0;
	v7 =	vadd.f32 v14, v1;
	[tilespmem:s0+$0x10] =	vst v11  }
0xfe: {  	v15 =	vmul.f32 v15, v2;
	v2 =	vmul.f32 v6, v2;
	v3 =	vadd.f32 v3, v4;
	[tilespmem:s0+$0x20] =	vst v13  }
0xff: {  	v0 =	vadd.f32 v0, v1;
	[tilespmem:s0+$0x0] =	vst v7  }
0x100: {  	v4 =	vmul.f32 v8, v9;
	v1 =	vadd.f32 v2, v5;
	[tilespmem:s0+$0x50] =	vst v3  }
0x101: {  	v11 =	vadd.f32 v15, v5;
	[tilespmem:s0+$0x40] =	vst v0  }
0x102: {  	s1 =	sadd.s32 s6, s2;
	v0 =	vadd.f32 v4, v10;
	[tilespmem:s0+$0x70] =	vst v1  }
0x103: {  	s1 =	sshll.u32 s1, $0xB;
	[tilespmem:s0+$0x30] =	vst v11  }
0x104: {  	s1 =	sadd.s32 s4, s1;
	[tilespmem:s0+$0x60] =	vst v0;
	s0 =	simm.s32 @!p0 $0x8  }
0x105: {  	[hbm4b:s1+s5] =	stream.linear.scatter [tilespmem:s15], [sflag:$0x5], $0x4000, $0x38;
	[tilespmem:$0x16480] =	vst v63  }
0x106: {  	s30 =	sor.u32 $0x3, s2;
	_ =	swait.ge @!p0 [sflag:s0], $0x4000  }
0x107: {  	s3 =	sshll.u32 s30, $0x8;
	[sflag:s0] =	ssyncset.done @!p0 $0x0  }
0x108: {  	s12 =	sand.u32 $0x3FFFFF00, s3;
	[sflag:s0] =	ssyncadd.s32 @!p0 $0xFFFFC000  }
0x109: {  	[tilespmem:s19], [sflag:$0x4] =	stream.indirect.gather [hbm4b:s7+s14], $0x40, s12, s14, $0xb8;
	[tilespmem:$0x16480] =	vst v63  }
0x10a: {  	_ =	swait.ge [sflag:s20], $0x4000  }
0x10b: {  	[sflag:s20] =	ssyncset.done $0x0  }
0x10c: {  	s0 =	simm.s32 $0xA4F0;
	[sflag:s20] =	ssyncadd.s32 $0xFFFFC000  }
0x10d: {  	v6 =	vld [tilespmem:s0+$0xFFFFFF20]  }
0x10e: {  	v8 =	vld [tilespmem:s0+$0xFFFFFF70]  }
0x10f: {  	v1 =	vld [tilespmem:s0+$0xFFFFFF40]  }
0x110: {  	v5 =	vld [tilespmem:s0+$0xFFFFFF30]  }
0x111: {  	v0 =	vld [tilespmem:s0+$0xFFFFFF10]  }
0x112: {  	v10 =	vld [tilespmem:s0+$0xFFFFFF60]  }
0x113: {  	v9 =	vld [tilespmem:s0+$0xFFFFFF80]  }
0x114: {  	v12 =	vld [tilespmem:s0+$0xFFFFFF50];
	_ =	sdelay $0x1  }
0x115: {  	v2 =	vadd.f32 v1, v5;
	v3 =	vadd.f32 v6, v0  }
0x116: {  	v4 =	vmul.f32 v6, v6;
	v7 =	vmul.f32 v1, v1  }
0x117: {  	v11 =	vmul.f32 v0, v0;
	v2 =	vadd.f32 v2, v3;
	v3 =	vmul.f32 v5, v5  }
0x118: {  	v13 =	vadd.f32 v10, v12;
	v14 =	vadd.f32 v9, v8  }
0x119: {  	v21 =	vld [tilespmem:s0+$0x0];
	v4 =	vadd.f32 v4, v11;
	v3 =	vadd.f32 v7, v3  }
0x11a: {  	v26 =	vld [tilespmem:s0+$0xFFFFFFD0];
	v7 =	vadd.f32 v14, v13;
	(xrf2) =	vadd.scan.msk.f32 $0xffff, v2  }
0x11b: {  	v19 =	vld [tilespmem:s0+$0xFFFFFFF0];
	v2 =	vadd.f32 v3, v4  }
0x11c: {  	v20 =	vld [tilespmem:s0+$0xFFFFFFE0];
	(xrf2) =	vadd.scan.msk.f32 $0xffff, v7  }
0x11d: {  	v16 =	vld [tilespmem:s0+$0xFFFFFFA0];
	(xrf2) =	vadd.scan.msk.f32 $0xffff, v2  }
0x11e: {  	v13 =	vld [tilespmem:s0+$0xFFFFFFC0]  }
0x11f: {  	v18 =	vmul.f32 v26, v26;
	v14 =	vld [tilespmem:s0+$0xFFFFFFB0]  }
0x120: {  	v22 =	vmul.f32 v19, v19;
	v7 =	vld [tilespmem:s0+$0xFFFFFF90];
	v4 =	vmul.f32 v21, v21  }
0x121: {  	v15 =	vmul.f32 v9, v9;
	v2 =	vmul.f32 v8, v8  }
0x122: {  	v11 =	vadd.f32 v21, v19;
	v3 =	vmul.f32 v20, v20;
	v4 =	vadd.f32 v4, v22  }
0x123: {  	v23 =	vmul.f32 v10, v10;
	v2 =	vadd.f32 v15, v2;
	v15 =	vadd.f32 v20, v26  }
0x124: {  	v24 =	vmul.f32 v12, v12;
	v3 =	vadd.f32 v3, v18;
	v17 =	vadd.f32 v13, v14;
	v18, _, _ =	vpop (xrf2)  }
0x125: {  	v11 =	vadd.f32 v11, v15;
	v15 =	vmul.f32 $1.562500000e-02, v18;
	v18 =	vadd.f32 v16, v7  }
0x126: {  	v23 =	vadd.f32 v23, v24;
	v3 =	vadd.f32 v4, v3;
	v22, _, _ =	vpop (xrf2)  }
0x127: {  	(xrf2) =	vadd.scan.msk.f32 $0xffff, v11;
	v11 =	vadd.f32 v17, v18;
	v4, _, _ =	vpop (xrf2)  }
0x128: {  	v2 =	vadd.f32 v2, v23;
	(xrf2) =	vadd.scan.msk.f32 $0xffff, v3;
	v17 =	vmul.f32 v15, v15;
	v4 =	vmul.f32 $1.562500000e-02, v4  }
0x129: {  	(xrf2) =	vadd.scan.msk.f32 $0xffff, v11  }
0x12a: {  	v11 =	vmul.f32 v7, v7;
	(xrf2) =	vadd.scan.msk.f32 $0xffff, v2;
	v2 =	vmul.f32 v13, v13;
	v3 =	vsub.f32 v4, v17  }
0x12b: {  	v4 =	vmul.f32 v16, v16;
	v17 =	vmul.f32 v14, v14  }
0x12c: {  	v3 =	vadd.f32 $9.999999960e-13, v3  }
0x12d: {  	v4 =	vadd.f32 v4, v11;
	v2 =	vadd.f32 v2, v17  }
0x12e: {  	v3 =	vbroadcast v3, $0xF  }
0x12f: {  	v2 =	vadd.f32 v2, v4  }
0x130: {  	s1 =	simm.s32 $0xA5F0;
	v11 =	vshra.s32 v3, $0x1;
	v17 =	vmul.f32 $5.000000000e-01, v3  }
0x131: {  	v40 =	vld [tilespmem:s1+$0xFFFFFF40];
	v4, _, _ =	vpop (xrf2);
	v3 =	vsub.s32 $0x5F3759DF, v11  }
0x132: {  	v48 =	vld [tilespmem:s1+$0xFFFFFF10];
	v18, _, _ =	vpop (xrf2);
	v11 =	vmul.f32 v3, v17  }
0x133: {  	v22 =	vmul.f32 $1.562500000e-02, v22;
	(xrf2) =	vadd.scan.msk.f32 $0xffff, v2;
	v2, _, _ =	vpop (xrf2)  }
0x134: {  	v23, _, _ =	vpop (xrf2);
	v11 =	vmul.f32 v3, v11  }
0x135: {  	v24 =	vmul.f32 v22, v22;
	v23 =	vmul.f32 $1.562500000e-02, v23  }
0x136: {  	v51 =	vmul.f32 v40, v40;
	v15 =	vbroadcast v15, $0xF;
	v11 =	vsub.f32 $1.500000000e+00, v11  }
0x137: {  	v54 =	vmul.f32 v48, v48;
	v25 =	vmul.f32 $1.562500000e-02, v2;
	v23 =	vsub.f32 v23, v24  }
0x138: {  	v28 =	vsub.f32 v0, v15;
	v22 =	vbroadcast v22, $0xF;
	v11 =	vmul.f32 v3, v11  }
0x139: {  	v59 =	vsub.f32 v1, v15;
	v30 =	vmul.f32 v25, v25;
	v3 =	vadd.f32 $9.999999960e-13, v23  }
0x13a: {  	v44 =	vsub.f32 v12, v22;
	v60 =	vbroadcast v25, $0xF;
	v23 =	vmul.f32 v11, v17  }
0x13b: {  	v47 =	vsub.f32 v10, v22;
	v24 =	vmul.f32 $1.562500000e-02, v4;
	v3 =	vbroadcast v3, $0xF  }
0x13c: {  	v4 =	vmul.f32 $1.562500000e-02, v18;
	v39 =	vsub.f32 v14, v60;
	v18 =	vmul.f32 v23, v11  }
0x13d: {  	v14 =	vld [tilespmem:s1+$0xFFFFFF60];
	v23 =	vmul.f32 v24, v24;
	v27 =	vshra.s32 v3, $0x1;
	v29 =	vmul.f32 $5.000000000e-01, v3  }
0x13e: {  	v41 =	vsub.f32 v16, v60;
	v2, _, _ =	vpop (xrf2);
	v27 =	vsub.s32 $0x5F3759DF, v27;
	v18 =	vsub.f32 $1.500000000e+00, v18  }
0x13f: {  	v16 =	vld [tilespmem:s1+$0xFFFFFFA0];
	v31 =	vmul.f32 $1.562500000e-02, v2;
	v4 =	vsub.f32 v4, v23;
	v23 =	vmul.f32 v27, v29  }
0x140: {  	v50 =	vsub.f32 v8, v22;
	v22 =	vsub.f32 v9, v22;
	v18 =	vmul.f32 v18, v11  }
0x141: {  	v11 =	vsub.f32 v31, v30;
	v30 =	vadd.f32 $9.999999960e-13, v4;
	v23 =	vmul.f32 v27, v23  }
0x142: {  	v45 =	vld [tilespmem:s1+$0xFFFFFF30];
	v35 =	vsub.f32 v7, v60;
	v52 =	vmul.f32 v14, v14;
	v17 =	vmul.f32 v18, v17  }
0x143: {  	v11 =	vadd.f32 $9.999999960e-13, v11;
	v34 =	vbroadcast v30, $0xF;
	v25 =	vsub.f32 $1.500000000e+00, v23;
	v23 =	vld [tilespmem:s1+$0xFFFFFF20]  }
0x144: {  	v0 =	vld [tilespmem:$0x16400];
	v58 =	vmul.f32 v16, v16;
	v31 =	vsub.f32 v5, v15;
	v30 =	vsub.f32 v6, v15  }
0x145: {  	v17 =	vmul.f32 v17, v18;
	v6 =	vbroadcast v11, $0xF;
	v7 =	vshra.s32 v34, $0x1;
	v11 =	vld [tilespmem:s1+$0xFFFFFF70]  }
0x146: {  	v1 =	vld [tilespmem:$0x16440];
	v36 =	vmul.f32 v27, v25;
	v34 =	vmul.f32 $5.000000000e-01, v34;
	v25 =	vsub.s32 $0x5F3759DF, v7  }
0x147: {  	v7 =	vld [tilespmem:s1+$0xFFFFFFE0];
	v15 =	vsub.f32 $1.500000000e+00, v17;
	v17 =	vshra.s32 v6, $0x1;
	v37 =	vmul.f32 $5.000000000e-01, v6  }
0x148: {  	v8 =	vld [tilespmem:s1+$0xFFFFFFF0];
	v27 =	vmul.f32 v36, v29;
	v17 =	vsub.s32 $0x5F3759DF, v17;
	v43 =	vmul.f32 v23, v23  }
0x149: {  	v9 =	vadd.f32 v40, v45;
	v6 =	vld [tilespmem:s1+$0x0];
	v61 =	vmul.f32 v15, v18;
	v18 =	vmul.f32 v17, v37  }
0x14a: {  	v3 =	vld [tilespmem:$0x16410];
	v53 =	vadd.f32 v23, v48;
	v42 =	vmul.f32 v27, v36;
	v33 =	vmul.f32 v11, v11  }
0x14b: {  	v2 =	vld [tilespmem:$0x16430];
	v27 =	vsub.f32 v13, v60;
	v13 =	vmul.f32 v61, v28;
	v12 =	vmul.f32 v17, v18  }
0x14c: {  	v5 =	vld [tilespmem:$0x16470];
	v46 =	vmul.f32 v7, v7;
	v31 =	vmul.f32 v61, v31;
	v32 =	vsub.f32 $1.500000000e+00, v42  }
0x14d: {  	v15 =	vld [tilespmem:s1+$0xFFFFFFC0];
	v53 =	vadd.f32 v9, v53;
	v30 =	vmul.f32 v61, v30;
	v13 =	vmul.f32 v13, v0  }
0x14e: {  	v18 =	vld [tilespmem:s1+$0xFFFFFFB0];
	v49 =	vmul.f32 v6, v6;
	v10 =	vsub.f32 $1.500000000e+00, v12;
	v32 =	vmul.f32 v32, v36  }
0x14f: {  	v12 =	vmul.f32 v61, v59;
	v61 =	vmul.f32 v45, v45;
	v28 =	vadd.f32 v13, v1;
	v13 =	vld [tilespmem:s1+$0xFFFFFF80]  }
0x150: {  	v43 =	vadd.f32 v43, v54;
	v10 =	vmul.f32 v17, v10;
	v17 =	vld [tilespmem:s1+$0xFFFFFF50];
	v29 =	vmul.f32 v32, v29  }
0x151: {  	v55 =	vadd.f32 v6, v8;
	v56 =	vmul.f32 v30, v3;
	v12 =	vmul.f32 v12, v2  }
0x152: {  	v9 =	vld [tilespmem:$0x16420];
	v51 =	vadd.f32 v51, v61;
	v62 =	vmul.f32 v10, v37;
	v29 =	vmul.f32 v29, v32  }
0x153: {  	(xrf2) =	vadd.scan.msk.f32 $0xffff, v53;
	v42 =	vmul.f32 v15, v15;
	v57 =	vadd.f32 v15, v18;
	v30 =	vadd.f32 v12, v5  }
0x154: {  	v12 =	vld [tilespmem:s1+$0xFFFFFFD0];
	v38 =	vmul.f32 v62, v10;
	v29 =	vsub.f32 $1.500000000e+00, v29;
	v54 =	vmul.f32 v13, v13  }
0x155: {  	v59 =	vadd.f32 v14, v17;
	v60 =	vmul.f32 v17, v17;
	v53 =	vadd.f32 v13, v11  }
0x156: {  	v62 =	vbroadcast v24, $0xF;
	v38 =	vsub.f32 $1.500000000e+00, v38;
	v24 =	vadd.f32 v54, v33  }
0x157: {  	v31 =	vmul.f32 v31, v9;
	v63 =	vadd.f32 v52, v60;
	v60 =	vadd.f32 v53, v59  }
0x158: {  	v61 =	vadd.f32 v51, v43;
	v53 =	vld [tilespmem:s1+$0xFFFFFF90];
	v54 =	vmul.f32 v8, v8;
	v38 =	vmul.f32 v38, v10  }
0x159: {  	v29 =	vmul.f32 v29, v32;
	v33 =	vadd.f32 v24, v63;
	v24 =	vadd.f32 v7, v12;
	(xrf2) =	vadd.scan.msk.f32 $0xffff, v60  }
0x15a: {  	v63 =	vmul.f32 v12, v12;
	v59 =	vadd.f32 v49, v54;
	v37 =	vmul.f32 v38, v37;
	(xrf2) =	vadd.scan.msk.f32 $0xffff, v61  }
0x15b: {  	v49 =	vsub.f32 v21, v62;
	v21 =	vmul.f32 v18, v18;
	v61 =	vmul.f32 v25, v34  }
0x15c: {  	v24 =	vadd.f32 v55, v24;
	v55 =	vadd.f32 v46, v63;
	v37 =	vmul.f32 v37, v38  }
0x15d: {  	v4 =	vld [tilespmem:$0x16450];
	v46 =	vsub.f32 v20, v62;
	v60, _, _ =	vpop (xrf2);
	v21 =	vadd.f32 v42, v21;
	v20 =	vmul.f32 v53, v53  }
0x15e: {  	v43 =	vmul.f32 $1.562500000e-02, v60;
	v42 =	vmul.f32 v25, v61;
	v36 =	vsub.f32 $1.500000000e+00, v37  }
0x15f: {  	v63 =	vadd.f32 v16, v53;
	v61 =	vmul.f32 v29, v47;
	v20 =	vadd.f32 v58, v20  }
0x160: {  	v37 =	vadd.f32 v59, v55;
	v42 =	vsub.f32 $1.500000000e+00, v42;
	v36 =	vmul.f32 v36, v38  }
0x161: {  	(xrf2) =	vadd.scan.msk.f32 $0xffff, v24;
	v38 =	vbroadcast v43, $0xF;
	v59 =	vadd.f32 v21, v20;
	v21 =	vmul.f32 v29, v44  }
0x162: {  	v56 =	vadd.f32 v56, v4;
	v43 =	vmul.f32 v43, v43;
	v42 =	vmul.f32 v25, v42  }
0x163: {  	v10 =	vld [tilespmem:$0x16460];
	v58 =	vadd.f32 v57, v63;
	(xrf2) =	vadd.scan.msk.f32 $0xffff, v37;
	v37 =	vmul.f32 v61, v3;
	v32 =	vmul.f32 v36, v35;
	v60, _, _ =	vpop (xrf2)  }
0x164: {  	v41 =	vmul.f32 v36, v41;
	v39 =	vmul.f32 v36, v39;
	v24 =	vsub.f32 v48, v38;
	v63, _, _ =	vpop (xrf2)  }
0x165: {  	v48 =	vmul.f32 v29, v50;
	v20 =	vsub.f32 v40, v38;
	v50 =	vmul.f32 $1.562500000e-02, v63  }
0x166: {  	v54 =	vmul.f32 v21, v0;
	v21 =	vsub.f32 v23, v38;
	v23 =	vmul.f32 v42, v34;
	(xrf2) =	vadd.scan.msk.f32 $0xffff, v58  }
0x167: {  	v29 =	vmul.f32 v29, v22;
	v27 =	vmul.f32 v36, v27;
	(xrf2) =	vadd.scan.msk.f32 $0xffff, v33;
	v40 =	vsub.f32 v50, v43  }
0x168: {  	v31 =	vadd.f32 v31, v10;
	v55 =	vmul.f32 v48, v9;
	v57 =	vmul.f32 v23, v42  }
0x169: {  	v29 =	vmul.f32 v29, v2;
	v25 =	vmul.f32 $1.562500000e-02, v60;
	v40 =	vadd.f32 $9.999999960e-13, v40  }
0x16a: {  	v41 =	vmul.f32 v41, v3;
	v39 =	vmul.f32 v39, v9;
	v44 =	vsub.f32 $1.500000000e+00, v57  }
0x16b: {  	v22 =	vsub.f32 v45, v38;
	v51 =	vmul.f32 v27, v2;
	v23, _, _ =	vpop (xrf2);
	v40 =	vbroadcast v40, $0xF  }
0x16c: {  	v37 =	vadd.f32 v37, v4;
	v23 =	vmul.f32 $1.562500000e-02, v23;
	v42 =	vmul.f32 v44, v42  }
0x16d: {  	v63 =	vsub.f32 v26, v62;
	(xrf2) =	vadd.scan.msk.f32 $0xffff, v59;
	v59 =	vshra.s32 v40, $0x1;
	v40 =	vmul.f32 $5.000000000e-01, v40  }
0x16e: {  	v58, _, _ =	vpop (xrf2);
	v26 =	vmul.f32 v23, v23;
	v34 =	vmul.f32 v42, v34;
	v45 =	vsub.s32 $0x5F3759DF, v59  }
0x16f: {  	v33 =	vadd.f32 v55, v10;
	v35 =	vmul.f32 $1.562500000e-02, v58;
	v60 =	vmul.f32 v45, v40  }
0x170: {  	v43 =	vadd.f32 v29, v5;
	v29 =	vmul.f32 v25, v25;
	v34 =	vmul.f32 v34, v42;
	v61, _, _ =	vpop (xrf2)  }
0x171: {  	v50 =	vsub.f32 v19, v62;
	v26 =	vsub.f32 v35, v26;
	v47, _, _ =	vpop (xrf2);
	v19 =	vmul.f32 v45, v60  }
0x172: {  	[tilespmem:s0+$0xFFFFFF10] =	vst v28;
	v27 =	vmul.f32 $1.562500000e-02, v61;
	v28 =	vsub.f32 $1.500000000e+00, v34;
	v36 =	vmul.f32 $1.562500000e-02, v47  }
0x173: {  	v52 =	vmul.f32 v32, v0;
	v26 =	vadd.f32 $9.999999960e-13, v26;
	v19 =	vsub.f32 $1.500000000e+00, v19  }
0x174: {  	v55 =	vmul.f32 v27, v27;
	v42 =	vmul.f32 v28, v42;
	v36 =	vsub.f32 v36, v29  }
0x175: {  	v38 =	vadd.f32 v54, v1;
	v29 =	vbroadcast v27, $0xF;
	v54 =	vmul.f32 v45, v19  }
0x176: {  	[tilespmem:s0+$0xFFFFFF40] =	vst v30;
	v27 =	vbroadcast v26, $0xF;
	v58 =	vmul.f32 v42, v46;
	v30 =	vadd.f32 $9.999999960e-13, v36  }
0x177: {  	[tilespmem:s0+$0xFFFFFF20] =	vst v56;
	v41 =	vadd.f32 v41, v4;
	v60 =	vmul.f32 v42, v49;
	v56 =	vmul.f32 v54, v40  }
0x178: {  	[tilespmem:s0+$0xFFFFFF30] =	vst v31;
	v39 =	vadd.f32 v39, v10;
	v35 =	vmul.f32 v42, v50;
	v26, _, _ =	vpop (xrf2);
	v28 =	vbroadcast v30, $0xF  }
0x179: {  	[tilespmem:s0+$0xFFFFFF60] =	vst v37;
	v57 =	vshra.s32 v27, $0x1;
	v26 =	vmul.f32 $1.562500000e-02, v26;
	v31 =	vmul.f32 v56, v54  }
0x17a: {  	[tilespmem:s0+$0xFFFFFF50] =	vst v38;
	v34 =	vmul.f32 v58, v3;
	v59 =	vshra.s32 v28, $0x1;
	v28 =	vmul.f32 $5.000000000e-01, v28  }
0x17b: {  	[tilespmem:s0+$0xFFFFFF70] =	vst v33;
	v36 =	vsub.f32 v26, v55;
	v33 =	vsub.s32 $0x5F3759DF, v59;
	v31 =	vsub.f32 $1.500000000e+00, v31  }
0x17c: {  	[tilespmem:s0+$0xFFFFFFA0] =	vst v41;
	v38 =	vmul.f32 v60, v2;
	v19 =	vsub.f32 v53, v29;
	v61 =	vmul.f32 v33, v28  }
0x17d: {  	[tilespmem:s0+$0xFFFFFFB0] =	vst v39;
	v30 =	vadd.f32 v51, v5;
	v62 =	vadd.f32 $9.999999960e-13, v36;
	v32 =	vmul.f32 v31, v54  }
0x17e: {  	[tilespmem:s0+$0xFFFFFF80] =	vst v43;
	v37 =	vmul.f32 v33, v61;
	v31 =	vmul.f32 v42, v63;
	v63 =	vadd.f32 v52, v1  }
0x17f: {  	v26 =	vsub.s32 $0x5F3759DF, v57;
	[tilespmem:s0+$0xFFFFFFC0] =	vst v30;
	v30 =	vadd.f32 v38, v5;
	v36 =	vmul.f32 v32, v40  }
0x180: {  	s3 =	simm.s32 $0x4;
	s12 =	simm.s32 $0xA6F0;
	v39 =	vbroadcast v62, $0xF;
	v38 =	vsub.f32 $1.500000000e+00, v37;
	[tilespmem:s0+$0xFFFFFF90] =	vst v63;
	v37 =	vmul.f32 v31, v0  }
.LBB2_5:
0x181: {  	v31 =	vld [tilespmem:s12+$0xFFFFFF20];
	s3 =	sadd.s32 $0x4, s3;
	v36 =	vmul.f32 v36, v32;
	v34 =	vadd.f32 v34, v4;
	v35 =	vmul.f32 v35, v9  }
0x182: {  	v43 =	vld [tilespmem:s12+$0xFFFFFF70];
	p0 =	slt.u32 s3, $0xFC;
	v38 =	vmul.f32 v33, v38;
	v33 =	vshra.s32 v39, $0x1;
	v37 =	vadd.f32 v37, v1  }
0x183: {  	v46 =	vmul.f32 $5.000000000e-01, v39;
	v44 =	vld [tilespmem:s12+$0xFFFFFFE0];
	v36 =	vsub.f32 $1.500000000e+00, v36;
	v45 =	vsub.s32 $0x5F3759DF, v33;
	[tilespmem:s0+$0xFFFFFFE0] =	vst v34  }
0x184: {  	v33 =	vsub.f32 v18, v29;
	v18 =	vadd.f32 v35, v10;
	v42 =	vld [tilespmem:s12+$0x0];
	v34 =	vmul.f32 v38, v28;
	[tilespmem:s0+$0xFFFFFFD0] =	vst v37  }
0x185: {  	v37 =	vld [tilespmem:s12+$0xFFFFFFC0];
	v47 =	vmul.f32 v36, v32;
	v32 =	vmul.f32 v45, v46;
	v36 =	vsub.f32 v16, v29;
	[tilespmem:s0+$0x0] =	vst v30  }
0x186: {  	v48 =	vbroadcast v25, $0xF;
	v29 =	vsub.f32 v15, v29;
	v35 =	vld [tilespmem:s12+$0xFFFFFF40];
	v30 =	vmul.f32 v34, v38;
	[tilespmem:s0+$0xFFFFFFF0] =	vst v18;
	s0 =	smov.u32 s1;
	s1 =	smov.u32 s12  }
0x187: {  	v34 =	vmul.f32 v31, v31;
	v49 =	vld [tilespmem:s12+$0xFFFFFF60];
	v53 =	vmul.f32 v47, v24  }
0x188: {  	v39 =	vsub.f32 v17, v48;
	v24 =	vmul.f32 v43, v43;
	v17 =	vmul.f32 v45, v32;
	v16 =	vld [tilespmem:s12+$0xFFFFFFA0]  }
0x189: {  	v41 =	vsub.f32 v14, v48;
	v50 =	vmul.f32 v44, v44;
	v25 =	vld [tilespmem:s12+$0xFFFFFF30];
	v18 =	vmul.f32 v53, v0  }
0x18a: {  	v40 =	vsub.f32 v11, v48;
	v11 =	vmovc v43;
	v52 =	vmul.f32 v42, v42;
	v54 =	vsub.f32 $1.500000000e+00, v17;
	v51 =	vld [tilespmem:s12+$0xFFFFFF10];
	v15 =	vmovc v37  }
0x18b: {  	v20 =	vmul.f32 v47, v20;
	v43 =	vmul.f32 v35, v35;
	v32 =	vld [tilespmem:s12+$0xFFFFFFF0];
	v17 =	vadd.f32 v18, v1  }
0x18c: {  	v22 =	vmul.f32 v47, v22;
	v53 =	vsub.f32 $1.500000000e+00, v30;
	v45 =	vmul.f32 v45, v54;
	v18 =	vld [tilespmem:s12+$0xFFFFFFB0];
	v14 =	vmovc v49  }
0x18d: {  	v48 =	vsub.f32 v13, v48;
	v20 =	vmul.f32 v20, v2;
	v54 =	vmul.f32 v37, v15;
	v30 =	vld [tilespmem:s12+$0xFFFFFF90];
	[tilespmem:s0+$0xFFFFFF10] =	vst v17  }
0x18e: {  	v21 =	vmul.f32 v47, v21;
	v49 =	vmul.f32 v49, v14;
	v37 =	vadd.f32 v35, v25;
	v13 =	vld [tilespmem:s12+$0xFFFFFF80]  }
0x18f: {  	v56 =	vmul.f32 v45, v46;
	v47 =	vadd.f32 v31, v51;
	v55 =	vmul.f32 v51, v51;
	v17 =	vld [tilespmem:s12+$0xFFFFFF50]  }
0x190: {  	v21 =	vmul.f32 v21, v3;
	v20 =	vadd.f32 v20, v5;
	v57 =	vadd.f32 v42, v32  }
0x191: {  	v59 =	vmul.f32 v16, v16;
	v56 =	vmul.f32 v56, v45;
	v58 =	vadd.f32 v15, v18  }
0x192: {  	v47 =	vadd.f32 v37, v47;
	v55 =	vadd.f32 v34, v55;
	v37 =	vbroadcast v23, $0xF;
	[tilespmem:s0+$0xFFFFFF40] =	vst v20  }
0x193: {  	v21 =	vadd.f32 v21, v4;
	v23 =	vsub.f32 $1.500000000e+00, v56;
	v20 =	vmul.f32 v13, v13;
	v34 =	vld [tilespmem:s12+$0xFFFFFFD0]  }
0x194: {  	v60 =	vadd.f32 v13, v11;
	v56 =	vadd.f32 v14, v17;
	v61 =	vmul.f32 v17, v17;
	(xrf2) =	vadd.scan.msk.f32 $0xffff, v47  }
0x195: {  	v47 =	vmul.f32 v25, v25;
	v20 =	vadd.f32 v20, v24;
	[tilespmem:s0+$0xFFFFFF20] =	vst v21;
	v21 =	vmul.f32 v23, v45  }
0x196: {  	v23 =	vadd.f32 v60, v56;
	v24 =	vadd.f32 v49, v61  }
0x197: {  	v45 =	vmul.f32 v53, v38;
	v43 =	vadd.f32 v43, v47;
	v38 =	vmul.f32 v21, v46  }
0x198: {  	v22 =	vmul.f32 v22, v9;
	v46 =	vadd.f32 v20, v24;
	v20 =	vadd.f32 v44, v34;
	(xrf2) =	vadd.scan.msk.f32 $0xffff, v23  }
0x199: {  	v23 =	vadd.f32 v43, v55;
	v24 =	vmul.f32 v34, v34;
	v38 =	vmul.f32 v38, v21  }
0x19a: {  	v22 =	vadd.f32 v22, v10;
	v43 =	vmul.f32 v32, v32;
	v20 =	vadd.f32 v57, v20  }
0x19b: {  	(xrf2) =	vadd.scan.msk.f32 $0xffff, v23;
	v23 =	vmul.f32 v45, v28;
	v47 =	vsub.f32 $1.500000000e+00, v38;
	v28 =	vsub.f32 v7, v37;
	v7 =	vmovc v44  }
0x19c: {  	v27 =	vmul.f32 $5.000000000e-01, v27;
	v24 =	vadd.f32 v50, v24;
	v44 =	vadd.f32 v52, v43;
	[tilespmem:s0+$0xFFFFFF30] =	vst v22  }
0x19d: {  	v38 =	vsub.f32 v6, v37;
	v6 =	vmovc v42;
	v22 =	vmul.f32 v30, v30;
	v23 =	vmul.f32 v23, v45  }
0x19e: {  	v42 =	vmul.f32 v18, v18;
	v24 =	vadd.f32 v44, v24;
	v43, _, _ =	vpop (xrf2);
	(xrf2) =	vadd.scan.msk.f32 $0xffff, v20;
	v20 =	vmul.f32 v26, v27  }
0x19f: {  	v44 =	vadd.f32 v16, v30;
	v22 =	vadd.f32 v59, v22;
	v43 =	vmul.f32 $1.562500000e-02, v43  }
0x1a0: {  	v42 =	vadd.f32 v54, v42;
	v47 =	vmul.f32 v47, v21;
	v23 =	vsub.f32 $1.500000000e+00, v23  }
0x1a1: {  	v44 =	vadd.f32 v58, v44;
	v49 =	vmul.f32 v26, v20;
	v21 =	vbroadcast v43, $0xF  }
0x1a2: {  	v19 =	vmul.f32 v47, v19;
	v42 =	vadd.f32 v42, v22;
	v23 =	vmul.f32 v23, v45;
	v50, _, _ =	vpop (xrf2);
	(xrf2) =	vadd.scan.msk.f32 $0xffff, v24  }
0x1a3: {  	v36 =	vmul.f32 v47, v36;
	v33 =	vmul.f32 v47, v33;
	v24 =	vsub.f32 v51, v21  }
0x1a4: {  	v20 =	vsub.f32 v35, v21;
	v35 =	vmul.f32 v23, v39;
	v39 =	vmul.f32 v23, v41  }
0x1a5: {  	v45 =	vmul.f32 v43, v43;
	v43 =	vsub.f32 $1.500000000e+00, v49;
	v40 =	vmul.f32 v23, v40;
	v22, _, _ =	vpop (xrf2);
	(xrf2) =	vadd.scan.msk.f32 $0xffff, v44  }
0x1a6: {  	v23 =	vmul.f32 v23, v48;
	v44 =	vmul.f32 $1.562500000e-02, v22;
	v22 =	vsub.f32 v25, v21  }
0x1a7: {  	v26 =	vmul.f32 v26, v43;
	v21 =	vsub.f32 v31, v21;
	v31 =	vmul.f32 v35, v0  }
0x1a8: {  	v40 =	vmul.f32 v40, v9;
	v23 =	vmul.f32 v23, v2;
	v35 =	vsub.f32 v44, v45;
	(xrf2) =	vadd.scan.msk.f32 $0xffff, v46;
	v41, _, _ =	vpop (xrf2)  }
0x1a9: {  	v25 =	vmul.f32 $1.562500000e-02, v50;
	v43 =	vmul.f32 v26, v27;
	v31 =	vadd.f32 v31, v1  }
0x1aa: {  	v39 =	vmul.f32 v39, v3;
	v44 =	vadd.f32 v23, v5;
	v35 =	vadd.f32 $9.999999960e-13, v35  }
0x1ab: {  	v45 =	vmul.f32 v25, v25;
	[tilespmem:s0+$0xFFFFFF50] =	vst v31;
	v31 =	vadd.f32 v40, v10;
	v40 =	vmul.f32 v43, v26  }
0x1ac: {  	v36 =	vmul.f32 v36, v3;
	v39 =	vadd.f32 v39, v4;
	v35 =	vbroadcast v35, $0xF;
	(xrf2) =	vadd.scan.msk.f32 $0xffff, v42;
	v42, _, _ =	vpop (xrf2)  }
0x1ad: {  	v23 =	vmul.f32 $1.562500000e-02, v41;
	[tilespmem:s0+$0xFFFFFF70] =	vst v31;
	v31 =	vmul.f32 v33, v9;
	v33 =	vsub.f32 $1.500000000e+00, v40  }
0x1ae: {  	v36 =	vadd.f32 v36, v4;
	v40 =	vshra.s32 v35, $0x1;
	v35 =	vmul.f32 $5.000000000e-01, v35;
	[tilespmem:s0+$0xFFFFFF80] =	vst v44  }
0x1af: {  	v41 =	vmul.f32 $1.562500000e-02, v42;
	v40 =	vsub.s32 $0x5F3759DF, v40;
	v42, _, _ =	vpop (xrf2);
	[tilespmem:s0+$0xFFFFFF60] =	vst v39;
	v31 =	vadd.f32 v31, v10  }
0x1b0: {  	v26 =	vmul.f32 v33, v26;
	v39 =	vmul.f32 v40, v35;
	[tilespmem:s0+$0xFFFFFFA0] =	vst v36;
	v36 =	vsub.f32 v12, v37  }
0x1b1: {  	v29 =	vmul.f32 v47, v29;
	v43 =	vmul.f32 v23, v23;
	[tilespmem:s0+$0xFFFFFFB0] =	vst v31;
	v31 =	vsub.f32 v8, v37  }
0x1b2: {  	v27 =	vmul.f32 v26, v27;
	v8 =	vmov v32;
	v33 =	vmul.f32 v40, v39;
	v37, _, _ =	vpop (xrf2)  }
0x1b3: {  	v12 =	vmovc v34;
	v39 =	vmul.f32 v29, v2;
	v32 =	vmul.f32 $1.562500000e-02, v37;
	v37 =	vsub.f32 v41, v43  }
0x1b4: {  	v27 =	vmul.f32 v27, v26;
	v29 =	vsub.f32 $1.500000000e+00, v33;
	v33 =	vmul.f32 $1.562500000e-02, v42  }
0x1b5: {  	v32 =	vsub.f32 v32, v45;
	v34 =	vadd.f32 $9.999999960e-13, v37;
	v37 =	vmul.f32 v19, v0  }
0x1b6: {  	v42 =	vsub.f32 $1.500000000e+00, v27;
	v40 =	vmul.f32 v40, v29;
	v29 =	vbroadcast v33, $0xF;
	v41, _, _ =	vpop (xrf2)  }
0x1b7: {  	v43 =	vmul.f32 v33, v33;
	v32 =	vadd.f32 $9.999999960e-13, v32;
	v27 =	vbroadcast v34, $0xF  }
0x1b8: {  	v33 =	vmul.f32 v40, v35;
	v19 =	vsub.f32 v30, v29;
	v30 =	vmul.f32 v42, v26  }
0x1b9: {  	v34 =	vadd.f32 v39, v5;
	v26 =	vbroadcast v32, $0xF;
	v32 =	vmul.f32 $1.562500000e-02, v41  }
0x1ba: {  	v39 =	vshra.s32 v27, $0x1;
	v33 =	vmul.f32 v33, v40;
	v41 =	vmul.f32 v30, v28  }
0x1bb: {  	v42 =	vshra.s32 v26, $0x1;
	v28 =	vmul.f32 $5.000000000e-01, v26;
	[tilespmem:s0+$0xFFFFFFC0] =	vst v34;
	v26 =	vmul.f32 v30, v38  }
0x1bc: {  	v38 =	vsub.f32 $1.500000000e+00, v33;
	v33 =	vsub.s32 $0x5F3759DF, v42;
	v34 =	vmul.f32 v41, v3  }
.Ltmp1:
0x1bd: {  	v42 =	vsub.f32 v32, v43;
	v41 =	vmul.f32 v33, v28;
	v43 =	vmul.f32 v26, v2;
	(pc) =	sbr.rel @p0 .LBB2_5-.Ltmp1, $4  }
0x1be: {  	v26 =	vsub.s32 $0x5F3759DF, v39;
	v32 =	vmul.f32 v38, v40;
	v40 =	vmul.f32 v30, v36  }
0x1bf: {  	v37 =	vadd.f32 v37, v1;
	v39 =	vadd.f32 $9.999999960e-13, v42;
	v38 =	vmul.f32 v33, v41  }
0x1c0: {  	v36 =	vmul.f32 v32, v35;
	v35 =	vmul.f32 v30, v31;
	v30 =	vadd.f32 v43, v5  }
0x1c1: {  	s12 =	sadd.s32 $0x100, s12;
	v39 =	vbroadcast v39, $0xF;
	v38 =	vsub.f32 $1.500000000e+00, v38;
	[tilespmem:s0+$0xFFFFFF90] =	vst v37;
	v37 =	vmul.f32 v40, v0  }
0x1c2: {  	_ = 	snop  }
0x1c3: {  	v31 =	vshra.s32 v39, $0x1;
	v47 =	vmul.f32 $5.000000000e-01, v39  }
0x1c4: {  	v36 =	vmul.f32 v36, v32;
	v27 =	vmul.f32 $5.000000000e-01, v27;
	v31 =	vsub.s32 $0x5F3759DF, v31  }
0x1c5: {  	v33 =	vmul.f32 v33, v38;
	v40 =	vmul.f32 v31, v47  }
0x1c6: {  	v34 =	vadd.f32 v34, v4;
	v35 =	vmul.f32 v35, v9;
	v41 =	vmul.f32 v26, v27  }
0x1c7: {  	v18 =	vsub.f32 v18, v29;
	v49 =	vmul.f32 v33, v28;
	v40 =	vmul.f32 v31, v40  }
0x1c8: {  	v16 =	vsub.f32 v16, v29;
	v25 =	vbroadcast v25, $0xF;
	v52 =	vmul.f32 v26, v41  }
0x1c9: {  	v36 =	vsub.f32 $1.500000000e+00, v36;
	v51 =	vmul.f32 v49, v33;
	v40 =	vsub.f32 $1.500000000e+00, v40  }
0x1ca: {  	v15 =	vsub.f32 v15, v29;
	v23 =	vbroadcast v23, $0xF;
	v53 =	vsub.f32 $1.500000000e+00, v52  }
0x1cb: {  	v50 =	vmul.f32 v36, v32;
	v36 =	vsub.f32 $1.500000000e+00, v51;
	v31 =	vmul.f32 v31, v40  }
0x1cc: {  	v37 =	vadd.f32 v37, v1;
	v35 =	vadd.f32 v35, v10;
	v26 =	vmul.f32 v26, v53  }
0x1cd: {  	v17 =	vsub.f32 v17, v25;
	v29 =	vmul.f32 v36, v33;
	v48 =	vmul.f32 v31, v47  }
0x1ce: {  	v14 =	vsub.f32 v14, v25;
	v24 =	vmul.f32 v50, v24;
	v55 =	vmul.f32 v26, v27  }
0x1cf: {  	v11 =	vsub.f32 v11, v25;
	v28 =	vmul.f32 v29, v28;
	v38 =	vmul.f32 v48, v31  }
0x1d0: {  	v13 =	vsub.f32 v13, v25;
	v20 =	vmul.f32 v50, v20;
	v57 =	vmul.f32 v55, v26  }
0x1d1: {  	v21 =	vmul.f32 v50, v21;
	v28 =	vmul.f32 v28, v29;
	v38 =	vsub.f32 $1.500000000e+00, v38  }
0x1d2: {  	v22 =	vmul.f32 v50, v22;
	v24 =	vmul.f32 v24, v0;
	v58 =	vsub.f32 $1.500000000e+00, v57  }
0x1d3: {  	v20 =	vmul.f32 v20, v2;
	v28 =	vsub.f32 $1.500000000e+00, v28;
	v31 =	vmul.f32 v38, v31  }
0x1d4: {  	v7 =	vsub.f32 v7, v23;
	v21 =	vmul.f32 v21, v3;
	v26 =	vmul.f32 v58, v26  }
0x1d5: {  	v6 =	vsub.f32 v6, v23;
	v25 =	vmul.f32 v28, v29;
	v54 =	vmul.f32 v31, v47  }
0x1d6: {  	v12 =	vsub.f32 v12, v23;
	v22 =	vmul.f32 v22, v9;
	v27 =	vmul.f32 v26, v27  }
0x1d7: {  	[tilespmem:s0+$0x0] =	vst v30;
	v24 =	vadd.f32 v24, v1;
	v17 =	vmul.f32 v25, v17;
	v33 =	vmul.f32 v54, v31  }
0x1d8: {  	[tilespmem:s0+$0xFFFFFFE0] =	vst v34;
	v20 =	vadd.f32 v20, v5;
	v14 =	vmul.f32 v25, v14;
	v13 =	vmul.f32 v25, v13  }
0x1d9: {  	[tilespmem:s1+$0xFFFFFF10] =	vst v24;
	v24 =	vmul.f32 v27, v26;
	v17 =	vmul.f32 v17, v0;
	v56 =	vsub.f32 $1.500000000e+00, v33  }
0x1da: {  	v8 =	vsub.f32 v8, v23;
	[tilespmem:s0+$0xFFFFFFD0] =	vst v37;
	v11 =	vmul.f32 v25, v11;
	v13 =	vmul.f32 v13, v2  }
0x1db: {  	[tilespmem:s1+$0xFFFFFF40] =	vst v20;
	v20 =	vsub.f32 $1.500000000e+00, v24;
	v17 =	vadd.f32 v17, v1;
	v31 =	vmul.f32 v56, v31  }
0x1dc: {  	[tilespmem:s0+$0xFFFFFFF0] =	vst v35;
	v21 =	vadd.f32 v21, v4;
	v11 =	vmul.f32 v11, v9;
	v14 =	vmul.f32 v14, v3  }
0x1dd: {  	v22 =	vadd.f32 v22, v10;
	[tilespmem:s1+$0xFFFFFF50] =	vst v17;
	v17 =	vmul.f32 v20, v26;
	v16 =	vmul.f32 v31, v16  }
0x1de: {  	[tilespmem:s1+$0xFFFFFF20] =	vst v21;
	v11 =	vadd.f32 v11, v10;
	v18 =	vmul.f32 v31, v18;
	v15 =	vmul.f32 v31, v15  }
0x1df: {  	[tilespmem:s1+$0xFFFFFF30] =	vst v22;
	v14 =	vadd.f32 v14, v4;
	v19 =	vmul.f32 v31, v19;
	v16 =	vmul.f32 v16, v3  }
0x1e0: {  	v13 =	vadd.f32 v13, v5;
	[tilespmem:s1+$0xFFFFFF70] =	vst v11;
	v7 =	vmul.f32 v17, v7;
	v18 =	vmul.f32 v18, v9  }
0x1e1: {  	[tilespmem:s1+$0xFFFFFF60] =	vst v14;
	v12 =	vmul.f32 v17, v12;
	v14 =	vmul.f32 v19, v0;
	v11 =	vadd.f32 v16, v4  }
0x1e2: {  	[tilespmem:s1+$0xFFFFFF80] =	vst v13;
	v6 =	vmul.f32 v17, v6;
	v3 =	vmul.f32 v7, v3;
	v13 =	vadd.f32 v18, v10  }
0x1e3: {  	v8 =	vmul.f32 v17, v8;
	v0 =	vmul.f32 v12, v0;
	v7 =	vadd.f32 v14, v1;
	[tilespmem:s1+$0xFFFFFFA0] =	vst v11  }
0x1e4: {  	v15 =	vmul.f32 v15, v2;
	v2 =	vmul.f32 v6, v2;
	v3 =	vadd.f32 v3, v4;
	[tilespmem:s1+$0xFFFFFFB0] =	vst v13  }
0x1e5: {  	v0 =	vadd.f32 v0, v1;
	[tilespmem:s1+$0xFFFFFF90] =	vst v7  }
0x1e6: {  	v4 =	vmul.f32 v8, v9;
	v1 =	vadd.f32 v2, v5;
	[tilespmem:s1+$0xFFFFFFE0] =	vst v3  }
0x1e7: {  	s12 =	sadd.s32 s2, s9;
	v11 =	vadd.f32 v15, v5;
	[tilespmem:s1+$0xFFFFFFD0] =	vst v0  }
0x1e8: {  	s0 =	sshll.u32 s12, $0xB;
	v0 =	vadd.f32 v4, v10;
	[tilespmem:s1+$0x0] =	vst v1  }
0x1e9: {  	s0 =	sand.u32 $0x1FFFE800, s0;
	[tilespmem:s1+$0xFFFFFFC0] =	vst v11  }
0x1ea: {  	p0 =	seq.s32 s29, $0x18;
	s0 =	sadd.s32 s4, s0;
	[tilespmem:s1+$0xFFFFFFF0] =	vst v0  }
0x1eb: {  	[hbm4b:s0+s5] =	stream.linear.scatter [tilespmem:s16], [sflag:$0x6], $0x4000, $0x38;
	[tilespmem:$0x16480] =	vst v63  }
0x1ec: {  	s0 =	simm.s32 @!p0 $0x5  }
0x1ed: {  	s1 =	sshll.u32 @!p0 s29, $0xA;
	_ =	swait.ge @!p0 [sflag:s0], $0x4000  }
0x1ee: {  	s3 =	simm.s32 @!p0 $0x6400;
	s2 =	sand.u32 @!p0 $0x3FFFFC00, s1;
	[sflag:s0] =	ssyncset.done @!p0 $0x0  }
0x1ef: {  	s1 =	simm.s32 @!p0 $0x100;
	[sflag:s0] =	ssyncadd.s32 @!p0 $0xFFFFC000;
	s0 =	sadd.s32 @!p0 $0x400, s2  }
0x1f0: {  	[tilespmem:s3], [sflag:$0x1] =	stream.indirect.gather @!p0 [hbm4b:s7+s1], $0x40, s0, s1, $0xb8;
	[tilespmem:$0x16480] =	vst v63  }
0x1f1: {  	_ =	swait.ge [sflag:s21], $0x4000  }
0x1f2: {  	[sflag:s21] =	ssyncset.done $0x0  }
0x1f3: {  	s0 =	simm.s32 $0xE4F0;
	[sflag:s21] =	ssyncadd.s32 $0xFFFFC000  }
0x1f4: {  	v6 =	vld [tilespmem:s0+$0xFFFFFF20]  }
0x1f5: {  	v8 =	vld [tilespmem:s0+$0xFFFFFF70]  }
0x1f6: {  	v1 =	vld [tilespmem:s0+$0xFFFFFF40]  }
0x1f7: {  	v5 =	vld [tilespmem:s0+$0xFFFFFF30]  }
0x1f8: {  	v0 =	vld [tilespmem:s0+$0xFFFFFF10]  }
0x1f9: {  	v10 =	vld [tilespmem:s0+$0xFFFFFF60]  }
0x1fa: {  	v9 =	vld [tilespmem:s0+$0xFFFFFF80]  }
0x1fb: {  	v12 =	vld [tilespmem:s0+$0xFFFFFF50];
	_ =	sdelay $0x1  }
0x1fc: {  	v2 =	vadd.f32 v1, v5;
	v3 =	vadd.f32 v6, v0  }
0x1fd: {  	v4 =	vmul.f32 v6, v6;
	v7 =	vmul.f32 v1, v1  }
0x1fe: {  	v11 =	vmul.f32 v0, v0;
	v2 =	vadd.f32 v2, v3;
	v3 =	vmul.f32 v5, v5  }
0x1ff: {  	v13 =	vadd.f32 v10, v12;
	v14 =	vadd.f32 v9, v8  }
0x200: {  	v21 =	vld [tilespmem:s0+$0x0];
	v4 =	vadd.f32 v4, v11;
	v3 =	vadd.f32 v7, v3  }
0x201: {  	v26 =	vld [tilespmem:s0+$0xFFFFFFD0];
	v7 =	vadd.f32 v14, v13;
	(xrf2) =	vadd.scan.msk.f32 $0xffff, v2  }
0x202: {  	v19 =	vld [tilespmem:s0+$0xFFFFFFF0];
	v2 =	vadd.f32 v3, v4  }
0x203: {  	v20 =	vld [tilespmem:s0+$0xFFFFFFE0];
	(xrf2) =	vadd.scan.msk.f32 $0xffff, v7  }
0x204: {  	v16 =	vld [tilespmem:s0+$0xFFFFFFA0];
	(xrf2) =	vadd.scan.msk.f32 $0xffff, v2  }
0x205: {  	v13 =	vld [tilespmem:s0+$0xFFFFFFC0]  }
0x206: {  	v18 =	vmul.f32 v26, v26;
	v14 =	vld [tilespmem:s0+$0xFFFFFFB0]  }
0x207: {  	v22 =	vmul.f32 v19, v19;
	v7 =	vld [tilespmem:s0+$0xFFFFFF90];
	v4 =	vmul.f32 v21, v21  }
0x208: {  	v15 =	vmul.f32 v9, v9;
	v2 =	vmul.f32 v8, v8  }
0x209: {  	v11 =	vadd.f32 v21, v19;
	v3 =	vmul.f32 v20, v20;
	v4 =	vadd.f32 v4, v22  }
0x20a: {  	v23 =	vmul.f32 v10, v10;
	v2 =	vadd.f32 v15, v2;
	v15 =	vadd.f32 v20, v26  }
0x20b: {  	v24 =	vmul.f32 v12, v12;
	v3 =	vadd.f32 v3, v18;
	v17 =	vadd.f32 v13, v14;
	v18, _, _ =	vpop (xrf2)  }
0x20c: {  	v11 =	vadd.f32 v11, v15;
	v15 =	vmul.f32 $1.562500000e-02, v18;
	v18 =	vadd.f32 v16, v7  }
0x20d: {  	v23 =	vadd.f32 v23, v24;
	v3 =	vadd.f32 v4, v3;
	v22, _, _ =	vpop (xrf2)  }
0x20e: {  	(xrf2) =	vadd.scan.msk.f32 $0xffff, v11;
	v11 =	vadd.f32 v17, v18;
	v4, _, _ =	vpop (xrf2)  }
0x20f: {  	v2 =	vadd.f32 v2, v23;
	(xrf2) =	vadd.scan.msk.f32 $0xffff, v3;
	v17 =	vmul.f32 v15, v15;
	v4 =	vmul.f32 $1.562500000e-02, v4  }
0x210: {  	(xrf2) =	vadd.scan.msk.f32 $0xffff, v11  }
0x211: {  	v11 =	vmul.f32 v7, v7;
	(xrf2) =	vadd.scan.msk.f32 $0xffff, v2;
	v2 =	vmul.f32 v13, v13;
	v3 =	vsub.f32 v4, v17  }
0x212: {  	v4 =	vmul.f32 v16, v16;
	v17 =	vmul.f32 v14, v14  }
0x213: {  	v3 =	vadd.f32 $9.999999960e-13, v3  }
0x214: {  	v4 =	vadd.f32 v4, v11;
	v2 =	vadd.f32 v2, v17  }
0x215: {  	v3 =	vbroadcast v3, $0xF  }
0x216: {  	v2 =	vadd.f32 v2, v4  }
0x217: {  	s1 =	simm.s32 $0xE5F0;
	v11 =	vshra.s32 v3, $0x1;
	v17 =	vmul.f32 $5.000000000e-01, v3  }
0x218: {  	v40 =	vld [tilespmem:s1+$0xFFFFFF40];
	v4, _, _ =	vpop (xrf2);
	v3 =	vsub.s32 $0x5F3759DF, v11  }
0x219: {  	v48 =	vld [tilespmem:s1+$0xFFFFFF10];
	v18, _, _ =	vpop (xrf2);
	v11 =	vmul.f32 v3, v17  }
0x21a: {  	v22 =	vmul.f32 $1.562500000e-02, v22;
	(xrf2) =	vadd.scan.msk.f32 $0xffff, v2;
	v2, _, _ =	vpop (xrf2)  }
0x21b: {  	v23, _, _ =	vpop (xrf2);
	v11 =	vmul.f32 v3, v11  }
0x21c: {  	v24 =	vmul.f32 v22, v22;
	v23 =	vmul.f32 $1.562500000e-02, v23  }
0x21d: {  	v51 =	vmul.f32 v40, v40;
	v15 =	vbroadcast v15, $0xF;
	v11 =	vsub.f32 $1.500000000e+00, v11  }
0x21e: {  	v54 =	vmul.f32 v48, v48;
	v25 =	vmul.f32 $1.562500000e-02, v2;
	v23 =	vsub.f32 v23, v24  }
0x21f: {  	v28 =	vsub.f32 v0, v15;
	v22 =	vbroadcast v22, $0xF;
	v11 =	vmul.f32 v3, v11  }
0x220: {  	v59 =	vsub.f32 v1, v15;
	v30 =	vmul.f32 v25, v25;
	v3 =	vadd.f32 $9.999999960e-13, v23  }
0x221: {  	v44 =	vsub.f32 v12, v22;
	v60 =	vbroadcast v25, $0xF;
	v23 =	vmul.f32 v11, v17  }
0x222: {  	v47 =	vsub.f32 v10, v22;
	v24 =	vmul.f32 $1.562500000e-02, v4;
	v3 =	vbroadcast v3, $0xF  }
0x223: {  	v4 =	vmul.f32 $1.562500000e-02, v18;
	v39 =	vsub.f32 v14, v60;
	v18 =	vmul.f32 v23, v11  }
0x224: {  	v14 =	vld [tilespmem:s1+$0xFFFFFF60];
	v23 =	vmul.f32 v24, v24;
	v27 =	vshra.s32 v3, $0x1;
	v29 =	vmul.f32 $5.000000000e-01, v3  }
0x225: {  	v41 =	vsub.f32 v16, v60;
	v2, _, _ =	vpop (xrf2);
	v27 =	vsub.s32 $0x5F3759DF, v27;
	v18 =	vsub.f32 $1.500000000e+00, v18  }
0x226: {  	v16 =	vld [tilespmem:s1+$0xFFFFFFA0];
	v31 =	vmul.f32 $1.562500000e-02, v2;
	v4 =	vsub.f32 v4, v23;
	v23 =	vmul.f32 v27, v29  }
0x227: {  	v50 =	vsub.f32 v8, v22;
	v22 =	vsub.f32 v9, v22;
	v18 =	vmul.f32 v18, v11  }
0x228: {  	v11 =	vsub.f32 v31, v30;
	v30 =	vadd.f32 $9.999999960e-13, v4;
	v23 =	vmul.f32 v27, v23  }
0x229: {  	v45 =	vld [tilespmem:s1+$0xFFFFFF30];
	v35 =	vsub.f32 v7, v60;
	v52 =	vmul.f32 v14, v14;
	v17 =	vmul.f32 v18, v17  }
0x22a: {  	v11 =	vadd.f32 $9.999999960e-13, v11;
	v34 =	vbroadcast v30, $0xF;
	v25 =	vsub.f32 $1.500000000e+00, v23;
	v23 =	vld [tilespmem:s1+$0xFFFFFF20]  }
0x22b: {  	v0 =	vld [tilespmem:$0x16400];
	v58 =	vmul.f32 v16, v16;
	v31 =	vsub.f32 v5, v15;
	v30 =	vsub.f32 v6, v15  }
0x22c: {  	v17 =	vmul.f32 v17, v18;
	v6 =	vbroadcast v11, $0xF;
	v7 =	vshra.s32 v34, $0x1;
	v11 =	vld [tilespmem:s1+$0xFFFFFF70]  }
0x22d: {  	v1 =	vld [tilespmem:$0x16440];
	v36 =	vmul.f32 v27, v25;
	v34 =	vmul.f32 $5.000000000e-01, v34;
	v25 =	vsub.s32 $0x5F3759DF, v7  }
0x22e: {  	v7 =	vld [tilespmem:s1+$0xFFFFFFE0];
	v15 =	vsub.f32 $1.500000000e+00, v17;
	v17 =	vshra.s32 v6, $0x1;
	v37 =	vmul.f32 $5.000000000e-01, v6  }
0x22f: {  	v8 =	vld [tilespmem:s1+$0xFFFFFFF0];
	v27 =	vmul.f32 v36, v29;
	v17 =	vsub.s32 $0x5F3759DF, v17;
	v43 =	vmul.f32 v23, v23  }
0x230: {  	v9 =	vadd.f32 v40, v45;
	v6 =	vld [tilespmem:s1+$0x0];
	v61 =	vmul.f32 v15, v18;
	v18 =	vmul.f32 v17, v37  }
0x231: {  	v3 =	vld [tilespmem:$0x16410];
	v53 =	vadd.f32 v23, v48;
	v42 =	vmul.f32 v27, v36;
	v33 =	vmul.f32 v11, v11  }
0x232: {  	v2 =	vld [tilespmem:$0x16430];
	v27 =	vsub.f32 v13, v60;
	v13 =	vmul.f32 v61, v28;
	v12 =	vmul.f32 v17, v18  }
0x233: {  	v5 =	vld [tilespmem:$0x16470];
	v46 =	vmul.f32 v7, v7;
	v31 =	vmul.f32 v61, v31;
	v32 =	vsub.f32 $1.500000000e+00, v42  }
0x234: {  	v15 =	vld [tilespmem:s1+$0xFFFFFFC0];
	v53 =	vadd.f32 v9, v53;
	v30 =	vmul.f32 v61, v30;
	v13 =	vmul.f32 v13, v0  }
0x235: {  	v18 =	vld [tilespmem:s1+$0xFFFFFFB0];
	v49 =	vmul.f32 v6, v6;
	v10 =	vsub.f32 $1.500000000e+00, v12;
	v32 =	vmul.f32 v32, v36  }
0x236: {  	v12 =	vmul.f32 v61, v59;
	v61 =	vmul.f32 v45, v45;
	v28 =	vadd.f32 v13, v1;
	v13 =	vld [tilespmem:s1+$0xFFFFFF80]  }
0x237: {  	v43 =	vadd.f32 v43, v54;
	v10 =	vmul.f32 v17, v10;
	v17 =	vld [tilespmem:s1+$0xFFFFFF50];
	v29 =	vmul.f32 v32, v29  }
0x238: {  	v55 =	vadd.f32 v6, v8;
	v56 =	vmul.f32 v30, v3;
	v12 =	vmul.f32 v12, v2  }
0x239: {  	v9 =	vld [tilespmem:$0x16420];
	v51 =	vadd.f32 v51, v61;
	v62 =	vmul.f32 v10, v37;
	v29 =	vmul.f32 v29, v32  }
0x23a: {  	(xrf2) =	vadd.scan.msk.f32 $0xffff, v53;
	v42 =	vmul.f32 v15, v15;
	v57 =	vadd.f32 v15, v18;
	v30 =	vadd.f32 v12, v5  }
0x23b: {  	v12 =	vld [tilespmem:s1+$0xFFFFFFD0];
	v38 =	vmul.f32 v62, v10;
	v29 =	vsub.f32 $1.500000000e+00, v29;
	v54 =	vmul.f32 v13, v13  }
0x23c: {  	v59 =	vadd.f32 v14, v17;
	v60 =	vmul.f32 v17, v17;
	v53 =	vadd.f32 v13, v11  }
0x23d: {  	v62 =	vbroadcast v24, $0xF;
	v38 =	vsub.f32 $1.500000000e+00, v38;
	v24 =	vadd.f32 v54, v33  }
0x23e: {  	v31 =	vmul.f32 v31, v9;
	v63 =	vadd.f32 v52, v60;
	v60 =	vadd.f32 v53, v59  }
0x23f: {  	v61 =	vadd.f32 v51, v43;
	v53 =	vld [tilespmem:s1+$0xFFFFFF90];
	v54 =	vmul.f32 v8, v8;
	v38 =	vmul.f32 v38, v10  }
0x240: {  	v29 =	vmul.f32 v29, v32;
	v33 =	vadd.f32 v24, v63;
	v24 =	vadd.f32 v7, v12;
	(xrf2) =	vadd.scan.msk.f32 $0xffff, v60  }
0x241: {  	v63 =	vmul.f32 v12, v12;
	v59 =	vadd.f32 v49, v54;
	v37 =	vmul.f32 v38, v37;
	(xrf2) =	vadd.scan.msk.f32 $0xffff, v61  }
0x242: {  	v49 =	vsub.f32 v21, v62;
	v21 =	vmul.f32 v18, v18;
	v61 =	vmul.f32 v25, v34  }
0x243: {  	v24 =	vadd.f32 v55, v24;
	v55 =	vadd.f32 v46, v63;
	v37 =	vmul.f32 v37, v38  }
0x244: {  	v4 =	vld [tilespmem:$0x16450];
	v46 =	vsub.f32 v20, v62;
	v60, _, _ =	vpop (xrf2);
	v21 =	vadd.f32 v42, v21;
	v20 =	vmul.f32 v53, v53  }
0x245: {  	v43 =	vmul.f32 $1.562500000e-02, v60;
	v42 =	vmul.f32 v25, v61;
	v36 =	vsub.f32 $1.500000000e+00, v37  }
0x246: {  	v63 =	vadd.f32 v16, v53;
	v61 =	vmul.f32 v29, v47;
	v20 =	vadd.f32 v58, v20  }
0x247: {  	v37 =	vadd.f32 v59, v55;
	v42 =	vsub.f32 $1.500000000e+00, v42;
	v36 =	vmul.f32 v36, v38  }
0x248: {  	(xrf2) =	vadd.scan.msk.f32 $0xffff, v24;
	v38 =	vbroadcast v43, $0xF;
	v59 =	vadd.f32 v21, v20;
	v21 =	vmul.f32 v29, v44  }
0x249: {  	v56 =	vadd.f32 v56, v4;
	v43 =	vmul.f32 v43, v43;
	v42 =	vmul.f32 v25, v42  }
0x24a: {  	v10 =	vld [tilespmem:$0x16460];
	v58 =	vadd.f32 v57, v63;
	(xrf2) =	vadd.scan.msk.f32 $0xffff, v37;
	v37 =	vmul.f32 v61, v3;
	v32 =	vmul.f32 v36, v35;
	v60, _, _ =	vpop (xrf2)  }
0x24b: {  	v41 =	vmul.f32 v36, v41;
	v39 =	vmul.f32 v36, v39;
	v24 =	vsub.f32 v48, v38;
	v63, _, _ =	vpop (xrf2)  }
0x24c: {  	v48 =	vmul.f32 v29, v50;
	v20 =	vsub.f32 v40, v38;
	v50 =	vmul.f32 $1.562500000e-02, v63  }
0x24d: {  	v54 =	vmul.f32 v21, v0;
	v21 =	vsub.f32 v23, v38;
	v23 =	vmul.f32 v42, v34;
	(xrf2) =	vadd.scan.msk.f32 $0xffff, v58  }
0x24e: {  	v29 =	vmul.f32 v29, v22;
	v27 =	vmul.f32 v36, v27;
	(xrf2) =	vadd.scan.msk.f32 $0xffff, v33;
	v40 =	vsub.f32 v50, v43  }
0x24f: {  	v31 =	vadd.f32 v31, v10;
	v55 =	vmul.f32 v48, v9;
	v57 =	vmul.f32 v23, v42  }
0x250: {  	v29 =	vmul.f32 v29, v2;
	v25 =	vmul.f32 $1.562500000e-02, v60;
	v40 =	vadd.f32 $9.999999960e-13, v40  }
0x251: {  	v41 =	vmul.f32 v41, v3;
	v39 =	vmul.f32 v39, v9;
	v44 =	vsub.f32 $1.500000000e+00, v57  }
0x252: {  	v22 =	vsub.f32 v45, v38;
	v51 =	vmul.f32 v27, v2;
	v23, _, _ =	vpop (xrf2);
	v40 =	vbroadcast v40, $0xF  }
0x253: {  	v37 =	vadd.f32 v37, v4;
	v23 =	vmul.f32 $1.562500000e-02, v23;
	v42 =	vmul.f32 v44, v42  }
0x254: {  	v63 =	vsub.f32 v26, v62;
	(xrf2) =	vadd.scan.msk.f32 $0xffff, v59;
	v59 =	vshra.s32 v40, $0x1;
	v40 =	vmul.f32 $5.000000000e-01, v40  }
0x255: {  	v58, _, _ =	vpop (xrf2);
	v26 =	vmul.f32 v23, v23;
	v34 =	vmul.f32 v42, v34;
	v45 =	vsub.s32 $0x5F3759DF, v59  }
0x256: {  	v33 =	vadd.f32 v55, v10;
	v35 =	vmul.f32 $1.562500000e-02, v58;
	v60 =	vmul.f32 v45, v40  }
0x257: {  	v43 =	vadd.f32 v29, v5;
	v29 =	vmul.f32 v25, v25;
	v34 =	vmul.f32 v34, v42;
	v61, _, _ =	vpop (xrf2)  }
0x258: {  	v50 =	vsub.f32 v19, v62;
	v26 =	vsub.f32 v35, v26;
	v47, _, _ =	vpop (xrf2);
	v19 =	vmul.f32 v45, v60  }
0x259: {  	[tilespmem:s0+$0xFFFFFF10] =	vst v28;
	v27 =	vmul.f32 $1.562500000e-02, v61;
	v28 =	vsub.f32 $1.500000000e+00, v34;
	v36 =	vmul.f32 $1.562500000e-02, v47  }
0x25a: {  	v52 =	vmul.f32 v32, v0;
	v26 =	vadd.f32 $9.999999960e-13, v26;
	v19 =	vsub.f32 $1.500000000e+00, v19  }
0x25b: {  	v55 =	vmul.f32 v27, v27;
	v42 =	vmul.f32 v28, v42;
	v36 =	vsub.f32 v36, v29  }
0x25c: {  	v38 =	vadd.f32 v54, v1;
	v29 =	vbroadcast v27, $0xF;
	v54 =	vmul.f32 v45, v19  }
0x25d: {  	[tilespmem:s0+$0xFFFFFF40] =	vst v30;
	v27 =	vbroadcast v26, $0xF;
	v58 =	vmul.f32 v42, v46;
	v30 =	vadd.f32 $9.999999960e-13, v36  }
0x25e: {  	[tilespmem:s0+$0xFFFFFF20] =	vst v56;
	v41 =	vadd.f32 v41, v4;
	v60 =	vmul.f32 v42, v49;
	v56 =	vmul.f32 v54, v40  }
0x25f: {  	[tilespmem:s0+$0xFFFFFF30] =	vst v31;
	v39 =	vadd.f32 v39, v10;
	v35 =	vmul.f32 v42, v50;
	v26, _, _ =	vpop (xrf2);
	v28 =	vbroadcast v30, $0xF  }
0x260: {  	[tilespmem:s0+$0xFFFFFF60] =	vst v37;
	v57 =	vshra.s32 v27, $0x1;
	v26 =	vmul.f32 $1.562500000e-02, v26;
	v31 =	vmul.f32 v56, v54  }
0x261: {  	[tilespmem:s0+$0xFFFFFF50] =	vst v38;
	v34 =	vmul.f32 v58, v3;
	v59 =	vshra.s32 v28, $0x1;
	v28 =	vmul.f32 $5.000000000e-01, v28  }
0x262: {  	[tilespmem:s0+$0xFFFFFF70] =	vst v33;
	v36 =	vsub.f32 v26, v55;
	v33 =	vsub.s32 $0x5F3759DF, v59;
	v31 =	vsub.f32 $1.500000000e+00, v31  }
0x263: {  	[tilespmem:s0+$0xFFFFFFA0] =	vst v41;
	v38 =	vmul.f32 v60, v2;
	v19 =	vsub.f32 v53, v29;
	v61 =	vmul.f32 v33, v28  }
0x264: {  	[tilespmem:s0+$0xFFFFFFB0] =	vst v39;
	v30 =	vadd.f32 v51, v5;
	v62 =	vadd.f32 $9.999999960e-13, v36;
	v32 =	vmul.f32 v31, v54  }
0x265: {  	[tilespmem:s0+$0xFFFFFF80] =	vst v43;
	v37 =	vmul.f32 v33, v61;
	v31 =	vmul.f32 v42, v63;
	v63 =	vadd.f32 v52, v1  }
0x266: {  	v26 =	vsub.s32 $0x5F3759DF, v57;
	[tilespmem:s0+$0xFFFFFFC0] =	vst v30;
	v30 =	vadd.f32 v38, v5;
	v36 =	vmul.f32 v32, v40  }
0x267: {  	s12 =	simm.s32 $0xE6F0;
	s3 =	simm.s32 $0x4;
	v39 =	vbroadcast v62, $0xF;
	v38 =	vsub.f32 $1.500000000e+00, v37;
	[tilespmem:s0+$0xFFFFFF90] =	vst v63;
	v37 =	vmul.f32 v31, v0  }
.LBB2_7:
0x268: {  	v31 =	vld [tilespmem:s12+$0xFFFFFF20];
	s3 =	sadd.s32 $0x4, s3;
	v36 =	vmul.f32 v36, v32;
	v34 =	vadd.f32 v34, v4;
	v35 =	vmul.f32 v35, v9  }
0x269: {  	v43 =	vld [tilespmem:s12+$0xFFFFFF70];
	p1 =	slt.u32 s3, $0xFC;
	v38 =	vmul.f32 v33, v38;
	v33 =	vshra.s32 v39, $0x1;
	v37 =	vadd.f32 v37, v1  }
0x26a: {  	v46 =	vmul.f32 $5.000000000e-01, v39;
	v44 =	vld [tilespmem:s12+$0xFFFFFFE0];
	v36 =	vsub.f32 $1.500000000e+00, v36;
	v45 =	vsub.s32 $0x5F3759DF, v33;
	[tilespmem:s0+$0xFFFFFFE0] =	vst v34  }
0x26b: {  	v33 =	vsub.f32 v18, v29;
	v18 =	vadd.f32 v35, v10;
	v42 =	vld [tilespmem:s12+$0x0];
	v34 =	vmul.f32 v38, v28;
	[tilespmem:s0+$0xFFFFFFD0] =	vst v37  }
0x26c: {  	v37 =	vld [tilespmem:s12+$0xFFFFFFC0];
	v47 =	vmul.f32 v36, v32;
	v32 =	vmul.f32 v45, v46;
	v36 =	vsub.f32 v16, v29;
	[tilespmem:s0+$0x0] =	vst v30  }
0x26d: {  	v48 =	vbroadcast v25, $0xF;
	v29 =	vsub.f32 v15, v29;
	v35 =	vld [tilespmem:s12+$0xFFFFFF40];
	v30 =	vmul.f32 v34, v38;
	[tilespmem:s0+$0xFFFFFFF0] =	vst v18;
	s0 =	smov.u32 s1;
	s1 =	smov.u32 s12  }
0x26e: {  	v34 =	vmul.f32 v31, v31;
	v49 =	vld [tilespmem:s12+$0xFFFFFF60];
	v53 =	vmul.f32 v47, v24  }
0x26f: {  	v39 =	vsub.f32 v17, v48;
	v24 =	vmul.f32 v43, v43;
	v17 =	vmul.f32 v45, v32;
	v16 =	vld [tilespmem:s12+$0xFFFFFFA0]  }
0x270: {  	v41 =	vsub.f32 v14, v48;
	v50 =	vmul.f32 v44, v44;
	v25 =	vld [tilespmem:s12+$0xFFFFFF30];
	v18 =	vmul.f32 v53, v0  }
0x271: {  	v40 =	vsub.f32 v11, v48;
	v11 =	vmovc v43;
	v52 =	vmul.f32 v42, v42;
	v54 =	vsub.f32 $1.500000000e+00, v17;
	v51 =	vld [tilespmem:s12+$0xFFFFFF10];
	v15 =	vmovc v37  }
0x272: {  	v20 =	vmul.f32 v47, v20;
	v43 =	vmul.f32 v35, v35;
	v32 =	vld [tilespmem:s12+$0xFFFFFFF0];
	v17 =	vadd.f32 v18, v1  }
0x273: {  	v22 =	vmul.f32 v47, v22;
	v53 =	vsub.f32 $1.500000000e+00, v30;
	v45 =	vmul.f32 v45, v54;
	v18 =	vld [tilespmem:s12+$0xFFFFFFB0];
	v14 =	vmovc v49  }
0x274: {  	v48 =	vsub.f32 v13, v48;
	v20 =	vmul.f32 v20, v2;
	v54 =	vmul.f32 v37, v15;
	v30 =	vld [tilespmem:s12+$0xFFFFFF90];
	[tilespmem:s0+$0xFFFFFF10] =	vst v17  }
0x275: {  	v21 =	vmul.f32 v47, v21;
	v49 =	vmul.f32 v49, v14;
	v37 =	vadd.f32 v35, v25;
	v13 =	vld [tilespmem:s12+$0xFFFFFF80]  }
0x276: {  	v56 =	vmul.f32 v45, v46;
	v47 =	vadd.f32 v31, v51;
	v55 =	vmul.f32 v51, v51;
	v17 =	vld [tilespmem:s12+$0xFFFFFF50]  }
0x277: {  	v21 =	vmul.f32 v21, v3;
	v20 =	vadd.f32 v20, v5;
	v57 =	vadd.f32 v42, v32  }
0x278: {  	v59 =	vmul.f32 v16, v16;
	v56 =	vmul.f32 v56, v45;
	v58 =	vadd.f32 v15, v18  }
0x279: {  	v47 =	vadd.f32 v37, v47;
	v55 =	vadd.f32 v34, v55;
	v37 =	vbroadcast v23, $0xF;
	[tilespmem:s0+$0xFFFFFF40] =	vst v20  }
0x27a: {  	v21 =	vadd.f32 v21, v4;
	v23 =	vsub.f32 $1.500000000e+00, v56;
	v20 =	vmul.f32 v13, v13;
	v34 =	vld [tilespmem:s12+$0xFFFFFFD0]  }
0x27b: {  	v60 =	vadd.f32 v13, v11;
	v56 =	vadd.f32 v14, v17;
	v61 =	vmul.f32 v17, v17;
	(xrf2) =	vadd.scan.msk.f32 $0xffff, v47  }
0x27c: {  	v47 =	vmul.f32 v25, v25;
	v20 =	vadd.f32 v20, v24;
	[tilespmem:s0+$0xFFFFFF20] =	vst v21;
	v21 =	vmul.f32 v23, v45  }
0x27d: {  	v23 =	vadd.f32 v60, v56;
	v24 =	vadd.f32 v49, v61  }
0x27e: {  	v45 =	vmul.f32 v53, v38;
	v43 =	vadd.f32 v43, v47;
	v38 =	vmul.f32 v21, v46  }
0x27f: {  	v22 =	vmul.f32 v22, v9;
	v46 =	vadd.f32 v20, v24;
	v20 =	vadd.f32 v44, v34;
	(xrf2) =	vadd.scan.msk.f32 $0xffff, v23  }
0x280: {  	v23 =	vadd.f32 v43, v55;
	v24 =	vmul.f32 v34, v34;
	v38 =	vmul.f32 v38, v21  }
0x281: {  	v22 =	vadd.f32 v22, v10;
	v43 =	vmul.f32 v32, v32;
	v20 =	vadd.f32 v57, v20  }
0x282: {  	(xrf2) =	vadd.scan.msk.f32 $0xffff, v23;
	v23 =	vmul.f32 v45, v28;
	v47 =	vsub.f32 $1.500000000e+00, v38;
	v28 =	vsub.f32 v7, v37;
	v7 =	vmovc v44  }
0x283: {  	v27 =	vmul.f32 $5.000000000e-01, v27;
	v24 =	vadd.f32 v50, v24;
	v44 =	vadd.f32 v52, v43;
	[tilespmem:s0+$0xFFFFFF30] =	vst v22  }
0x284: {  	v38 =	vsub.f32 v6, v37;
	v6 =	vmovc v42;
	v22 =	vmul.f32 v30, v30;
	v23 =	vmul.f32 v23, v45  }
0x285: {  	v42 =	vmul.f32 v18, v18;
	v24 =	vadd.f32 v44, v24;
	v43, _, _ =	vpop (xrf2);
	(xrf2) =	vadd.scan.msk.f32 $0xffff, v20;
	v20 =	vmul.f32 v26, v27  }
0x286: {  	v44 =	vadd.f32 v16, v30;
	v22 =	vadd.f32 v59, v22;
	v43 =	vmul.f32 $1.562500000e-02, v43  }
0x287: {  	v42 =	vadd.f32 v54, v42;
	v47 =	vmul.f32 v47, v21;
	v23 =	vsub.f32 $1.500000000e+00, v23  }
0x288: {  	v44 =	vadd.f32 v58, v44;
	v49 =	vmul.f32 v26, v20;
	v21 =	vbroadcast v43, $0xF  }
0x289: {  	v19 =	vmul.f32 v47, v19;
	v42 =	vadd.f32 v42, v22;
	v23 =	vmul.f32 v23, v45;
	v50, _, _ =	vpop (xrf2);
	(xrf2) =	vadd.scan.msk.f32 $0xffff, v24  }
0x28a: {  	v36 =	vmul.f32 v47, v36;
	v33 =	vmul.f32 v47, v33;
	v24 =	vsub.f32 v51, v21  }
0x28b: {  	v20 =	vsub.f32 v35, v21;
	v35 =	vmul.f32 v23, v39;
	v39 =	vmul.f32 v23, v41  }
0x28c: {  	v45 =	vmul.f32 v43, v43;
	v43 =	vsub.f32 $1.500000000e+00, v49;
	v40 =	vmul.f32 v23, v40;
	v22, _, _ =	vpop (xrf2);
	(xrf2) =	vadd.scan.msk.f32 $0xffff, v44  }
0x28d: {  	v23 =	vmul.f32 v23, v48;
	v44 =	vmul.f32 $1.562500000e-02, v22;
	v22 =	vsub.f32 v25, v21  }
0x28e: {  	v26 =	vmul.f32 v26, v43;
	v21 =	vsub.f32 v31, v21;
	v31 =	vmul.f32 v35, v0  }
0x28f: {  	v40 =	vmul.f32 v40, v9;
	v23 =	vmul.f32 v23, v2;
	v35 =	vsub.f32 v44, v45;
	(xrf2) =	vadd.scan.msk.f32 $0xffff, v46;
	v41, _, _ =	vpop (xrf2)  }
0x290: {  	v25 =	vmul.f32 $1.562500000e-02, v50;
	v43 =	vmul.f32 v26, v27;
	v31 =	vadd.f32 v31, v1  }
0x291: {  	v39 =	vmul.f32 v39, v3;
	v44 =	vadd.f32 v23, v5;
	v35 =	vadd.f32 $9.999999960e-13, v35  }
0x292: {  	v45 =	vmul.f32 v25, v25;
	[tilespmem:s0+$0xFFFFFF50] =	vst v31;
	v31 =	vadd.f32 v40, v10;
	v40 =	vmul.f32 v43, v26  }
0x293: {  	v36 =	vmul.f32 v36, v3;
	v39 =	vadd.f32 v39, v4;
	v35 =	vbroadcast v35, $0xF;
	(xrf2) =	vadd.scan.msk.f32 $0xffff, v42;
	v42, _, _ =	vpop (xrf2)  }
0x294: {  	v23 =	vmul.f32 $1.562500000e-02, v41;
	[tilespmem:s0+$0xFFFFFF70] =	vst v31;
	v31 =	vmul.f32 v33, v9;
	v33 =	vsub.f32 $1.500000000e+00, v40  }
0x295: {  	v36 =	vadd.f32 v36, v4;
	v40 =	vshra.s32 v35, $0x1;
	v35 =	vmul.f32 $5.000000000e-01, v35;
	[tilespmem:s0+$0xFFFFFF80] =	vst v44  }
0x296: {  	v41 =	vmul.f32 $1.562500000e-02, v42;
	v40 =	vsub.s32 $0x5F3759DF, v40;
	v42, _, _ =	vpop (xrf2);
	[tilespmem:s0+$0xFFFFFF60] =	vst v39;
	v31 =	vadd.f32 v31, v10  }
0x297: {  	v26 =	vmul.f32 v33, v26;
	v39 =	vmul.f32 v40, v35;
	[tilespmem:s0+$0xFFFFFFA0] =	vst v36;
	v36 =	vsub.f32 v12, v37  }
0x298: {  	v29 =	vmul.f32 v47, v29;
	v43 =	vmul.f32 v23, v23;
	[tilespmem:s0+$0xFFFFFFB0] =	vst v31;
	v31 =	vsub.f32 v8, v37  }
0x299: {  	v27 =	vmul.f32 v26, v27;
	v8 =	vmov v32;
	v33 =	vmul.f32 v40, v39;
	v37, _, _ =	vpop (xrf2)  }
0x29a: {  	v12 =	vmovc v34;
	v39 =	vmul.f32 v29, v2;
	v32 =	vmul.f32 $1.562500000e-02, v37;
	v37 =	vsub.f32 v41, v43  }
0x29b: {  	v27 =	vmul.f32 v27, v26;
	v29 =	vsub.f32 $1.500000000e+00, v33;
	v33 =	vmul.f32 $1.562500000e-02, v42  }
0x29c: {  	v32 =	vsub.f32 v32, v45;
	v34 =	vadd.f32 $9.999999960e-13, v37;
	v37 =	vmul.f32 v19, v0  }
0x29d: {  	v42 =	vsub.f32 $1.500000000e+00, v27;
	v40 =	vmul.f32 v40, v29;
	v29 =	vbroadcast v33, $0xF;
	v41, _, _ =	vpop (xrf2)  }
0x29e: {  	v43 =	vmul.f32 v33, v33;
	v32 =	vadd.f32 $9.999999960e-13, v32;
	v27 =	vbroadcast v34, $0xF  }
0x29f: {  	v33 =	vmul.f32 v40, v35;
	v19 =	vsub.f32 v30, v29;
	v30 =	vmul.f32 v42, v26  }
0x2a0: {  	v34 =	vadd.f32 v39, v5;
	v26 =	vbroadcast v32, $0xF;
	v32 =	vmul.f32 $1.562500000e-02, v41  }
0x2a1: {  	v39 =	vshra.s32 v27, $0x1;
	v33 =	vmul.f32 v33, v40;
	v41 =	vmul.f32 v30, v28  }
0x2a2: {  	v42 =	vshra.s32 v26, $0x1;
	v28 =	vmul.f32 $5.000000000e-01, v26;
	[tilespmem:s0+$0xFFFFFFC0] =	vst v34;
	v26 =	vmul.f32 v30, v38  }
0x2a3: {  	v38 =	vsub.f32 $1.500000000e+00, v33;
	v33 =	vsub.s32 $0x5F3759DF, v42;
	v34 =	vmul.f32 v41, v3  }
.Ltmp2:
0x2a4: {  	v42 =	vsub.f32 v32, v43;
	v41 =	vmul.f32 v33, v28;
	v43 =	vmul.f32 v26, v2;
	(pc) =	sbr.rel @p1 .LBB2_7-.Ltmp2, $4  }
0x2a5: {  	v26 =	vsub.s32 $0x5F3759DF, v39;
	v32 =	vmul.f32 v38, v40;
	v40 =	vmul.f32 v30, v36  }
0x2a6: {  	v37 =	vadd.f32 v37, v1;
	v39 =	vadd.f32 $9.999999960e-13, v42;
	v38 =	vmul.f32 v33, v41  }
0x2a7: {  	v36 =	vmul.f32 v32, v35;
	v35 =	vmul.f32 v30, v31;
	v30 =	vadd.f32 v43, v5  }
0x2a8: {  	s12 =	sadd.s32 $0x100, s12;
	v39 =	vbroadcast v39, $0xF;
	v38 =	vsub.f32 $1.500000000e+00, v38;
	[tilespmem:s0+$0xFFFFFF90] =	vst v37;
	v37 =	vmul.f32 v40, v0  }
0x2a9: {  	_ = 	snop  }
0x2aa: {  	v31 =	vshra.s32 v39, $0x1;
	v47 =	vmul.f32 $5.000000000e-01, v39  }
0x2ab: {  	v36 =	vmul.f32 v36, v32;
	v27 =	vmul.f32 $5.000000000e-01, v27;
	v31 =	vsub.s32 $0x5F3759DF, v31  }
0x2ac: {  	v33 =	vmul.f32 v33, v38;
	v40 =	vmul.f32 v31, v47  }
0x2ad: {  	v34 =	vadd.f32 v34, v4;
	v35 =	vmul.f32 v35, v9;
	v41 =	vmul.f32 v26, v27  }
0x2ae: {  	v18 =	vsub.f32 v18, v29;
	v49 =	vmul.f32 v33, v28;
	v40 =	vmul.f32 v31, v40  }
0x2af: {  	v16 =	vsub.f32 v16, v29;
	v25 =	vbroadcast v25, $0xF;
	v52 =	vmul.f32 v26, v41  }
0x2b0: {  	v36 =	vsub.f32 $1.500000000e+00, v36;
	v51 =	vmul.f32 v49, v33;
	v40 =	vsub.f32 $1.500000000e+00, v40  }
0x2b1: {  	v15 =	vsub.f32 v15, v29;
	v23 =	vbroadcast v23, $0xF;
	v53 =	vsub.f32 $1.500000000e+00, v52  }
0x2b2: {  	v50 =	vmul.f32 v36, v32;
	v36 =	vsub.f32 $1.500000000e+00, v51;
	v31 =	vmul.f32 v31, v40  }
0x2b3: {  	v37 =	vadd.f32 v37, v1;
	v35 =	vadd.f32 v35, v10;
	v26 =	vmul.f32 v26, v53  }
0x2b4: {  	v17 =	vsub.f32 v17, v25;
	v29 =	vmul.f32 v36, v33;
	v48 =	vmul.f32 v31, v47  }
0x2b5: {  	v14 =	vsub.f32 v14, v25;
	v24 =	vmul.f32 v50, v24;
	v55 =	vmul.f32 v26, v27  }
0x2b6: {  	v11 =	vsub.f32 v11, v25;
	v28 =	vmul.f32 v29, v28;
	v38 =	vmul.f32 v48, v31  }
0x2b7: {  	v13 =	vsub.f32 v13, v25;
	v20 =	vmul.f32 v50, v20;
	v57 =	vmul.f32 v55, v26  }
0x2b8: {  	v21 =	vmul.f32 v50, v21;
	v28 =	vmul.f32 v28, v29;
	v38 =	vsub.f32 $1.500000000e+00, v38  }
0x2b9: {  	v22 =	vmul.f32 v50, v22;
	v24 =	vmul.f32 v24, v0;
	v58 =	vsub.f32 $1.500000000e+00, v57  }
0x2ba: {  	v20 =	vmul.f32 v20, v2;
	v28 =	vsub.f32 $1.500000000e+00, v28;
	v31 =	vmul.f32 v38, v31  }
0x2bb: {  	v7 =	vsub.f32 v7, v23;
	v21 =	vmul.f32 v21, v3;
	v26 =	vmul.f32 v58, v26  }
0x2bc: {  	v6 =	vsub.f32 v6, v23;
	v25 =	vmul.f32 v28, v29;
	v54 =	vmul.f32 v31, v47  }
0x2bd: {  	v12 =	vsub.f32 v12, v23;
	v22 =	vmul.f32 v22, v9;
	v27 =	vmul.f32 v26, v27  }
0x2be: {  	[tilespmem:s0+$0x0] =	vst v30;
	v24 =	vadd.f32 v24, v1;
	v17 =	vmul.f32 v25, v17;
	v33 =	vmul.f32 v54, v31  }
0x2bf: {  	[tilespmem:s0+$0xFFFFFFE0] =	vst v34;
	v20 =	vadd.f32 v20, v5;
	v14 =	vmul.f32 v25, v14;
	v13 =	vmul.f32 v25, v13  }
0x2c0: {  	[tilespmem:s1+$0xFFFFFF10] =	vst v24;
	v24 =	vmul.f32 v27, v26;
	v17 =	vmul.f32 v17, v0;
	v56 =	vsub.f32 $1.500000000e+00, v33  }
0x2c1: {  	v8 =	vsub.f32 v8, v23;
	[tilespmem:s0+$0xFFFFFFD0] =	vst v37;
	v11 =	vmul.f32 v25, v11;
	v13 =	vmul.f32 v13, v2  }
0x2c2: {  	[tilespmem:s1+$0xFFFFFF40] =	vst v20;
	v20 =	vsub.f32 $1.500000000e+00, v24;
	v17 =	vadd.f32 v17, v1;
	v31 =	vmul.f32 v56, v31  }
0x2c3: {  	[tilespmem:s0+$0xFFFFFFF0] =	vst v35;
	v21 =	vadd.f32 v21, v4;
	v11 =	vmul.f32 v11, v9;
	v14 =	vmul.f32 v14, v3  }
0x2c4: {  	v22 =	vadd.f32 v22, v10;
	[tilespmem:s1+$0xFFFFFF50] =	vst v17;
	v17 =	vmul.f32 v20, v26;
	v16 =	vmul.f32 v31, v16  }
0x2c5: {  	[tilespmem:s1+$0xFFFFFF20] =	vst v21;
	v11 =	vadd.f32 v11, v10;
	v18 =	vmul.f32 v31, v18;
	v15 =	vmul.f32 v31, v15  }
0x2c6: {  	[tilespmem:s1+$0xFFFFFF30] =	vst v22;
	v14 =	vadd.f32 v14, v4;
	v19 =	vmul.f32 v31, v19;
	v16 =	vmul.f32 v16, v3  }
0x2c7: {  	v13 =	vadd.f32 v13, v5;
	[tilespmem:s1+$0xFFFFFF70] =	vst v11;
	v7 =	vmul.f32 v17, v7;
	v18 =	vmul.f32 v18, v9  }
0x2c8: {  	[tilespmem:s1+$0xFFFFFF60] =	vst v14;
	v12 =	vmul.f32 v17, v12;
	v14 =	vmul.f32 v19, v0;
	v11 =	vadd.f32 v16, v4  }
0x2c9: {  	[tilespmem:s1+$0xFFFFFF80] =	vst v13;
	v6 =	vmul.f32 v17, v6;
	v3 =	vmul.f32 v7, v3;
	v13 =	vadd.f32 v18, v10  }
0x2ca: {  	v8 =	vmul.f32 v17, v8;
	v0 =	vmul.f32 v12, v0;
	v7 =	vadd.f32 v14, v1;
	[tilespmem:s1+$0xFFFFFFA0] =	vst v11  }
0x2cb: {  	v15 =	vmul.f32 v15, v2;
	v2 =	vmul.f32 v6, v2;
	v3 =	vadd.f32 v3, v4;
	[tilespmem:s1+$0xFFFFFFB0] =	vst v13  }
0x2cc: {  	v0 =	vadd.f32 v0, v1;
	[tilespmem:s1+$0xFFFFFF90] =	vst v7  }
0x2cd: {  	v4 =	vmul.f32 v8, v9;
	v1 =	vadd.f32 v2, v5;
	[tilespmem:s1+$0xFFFFFFE0] =	vst v3  }
0x2ce: {  	s31 =	sadd.s32 s6, s31;
	v11 =	vadd.f32 v15, v5;
	[tilespmem:s1+$0xFFFFFFD0] =	vst v0  }
0x2cf: {  	s0 =	sshll.u32 s31, $0xB;
	v0 =	vadd.f32 v4, v10;
	[tilespmem:s1+$0x0] =	vst v1  }
0x2d0: {  	s0 =	sand.u32 $0x1FFFF000, s0;
	[tilespmem:s1+$0xFFFFFFC0] =	vst v11  }
0x2d1: {  	s0 =	sadd.s32 s4, s0;
	[tilespmem:s1+$0xFFFFFFF0] =	vst v0  }
0x2d2: {  	[hbm4b:s0+s5] =	stream.linear.scatter [tilespmem:s17], [sflag:$0x7], $0x4000, $0x38;
	[tilespmem:$0x16480] =	vst v63  }
0x2d3: {  	s0 =	simm.s32 @!p0 $0x6  }
0x2d4: {  	_ =	swait.ge @!p0 [sflag:s0], $0x4000  }
0x2d5: {  	s1 =	simm.s32 @!p0 $0x100;
	[sflag:s0] =	ssyncset.done @!p0 $0x0  }
0x2d6: {  	[sflag:s0] =	ssyncadd.s32 @!p0 $0xFFFFC000;
	s0 =	sadd.s32 @!p0 $0x500, s2;
	s2 =	simm.s32 @!p0 $0xA400  }
0x2d7: {  	[tilespmem:s2], [sflag:$0x2] =	stream.indirect.gather @!p0 [hbm4b:s7+s1], $0x40, s0, s1, $0xb8;
	[tilespmem:$0x16480] =	vst v63  }
0x2d8: {  	_ =	swait.ge [sflag:s22], $0x4000  }
0x2d9: {  	[sflag:s22] =	ssyncset.done $0x0  }
0x2da: {  	s0 =	simm.s32 $0x124F0;
	[sflag:s22] =	ssyncadd.s32 $0xFFFFC000  }
0x2db: {  	v6 =	vld [tilespmem:s0+$0xFFFFFF20]  }
0x2dc: {  	v8 =	vld [tilespmem:s0+$0xFFFFFF70]  }
0x2dd: {  	v1 =	vld [tilespmem:s0+$0xFFFFFF40]  }
0x2de: {  	v5 =	vld [tilespmem:s0+$0xFFFFFF30]  }
0x2df: {  	v0 =	vld [tilespmem:s0+$0xFFFFFF10]  }
0x2e0: {  	v10 =	vld [tilespmem:s0+$0xFFFFFF60]  }
0x2e1: {  	v9 =	vld [tilespmem:s0+$0xFFFFFF80]  }
0x2e2: {  	v12 =	vld [tilespmem:s0+$0xFFFFFF50];
	_ =	sdelay $0x1  }
0x2e3: {  	v2 =	vadd.f32 v1, v5;
	v3 =	vadd.f32 v6, v0  }
0x2e4: {  	v4 =	vmul.f32 v6, v6;
	v7 =	vmul.f32 v1, v1  }
0x2e5: {  	v11 =	vmul.f32 v0, v0;
	v2 =	vadd.f32 v2, v3;
	v3 =	vmul.f32 v5, v5  }
0x2e6: {  	v13 =	vadd.f32 v10, v12;
	v14 =	vadd.f32 v9, v8  }
0x2e7: {  	v21 =	vld [tilespmem:s0+$0x0];
	v4 =	vadd.f32 v4, v11;
	v3 =	vadd.f32 v7, v3  }
0x2e8: {  	v26 =	vld [tilespmem:s0+$0xFFFFFFD0];
	v7 =	vadd.f32 v14, v13;
	(xrf2) =	vadd.scan.msk.f32 $0xffff, v2  }
0x2e9: {  	v19 =	vld [tilespmem:s0+$0xFFFFFFF0];
	v2 =	vadd.f32 v3, v4  }
0x2ea: {  	v20 =	vld [tilespmem:s0+$0xFFFFFFE0];
	(xrf2) =	vadd.scan.msk.f32 $0xffff, v7  }
0x2eb: {  	v16 =	vld [tilespmem:s0+$0xFFFFFFA0];
	(xrf2) =	vadd.scan.msk.f32 $0xffff, v2  }
0x2ec: {  	v13 =	vld [tilespmem:s0+$0xFFFFFFC0]  }
0x2ed: {  	v18 =	vmul.f32 v26, v26;
	v14 =	vld [tilespmem:s0+$0xFFFFFFB0]  }
0x2ee: {  	v22 =	vmul.f32 v19, v19;
	v7 =	vld [tilespmem:s0+$0xFFFFFF90];
	v4 =	vmul.f32 v21, v21  }
0x2ef: {  	v15 =	vmul.f32 v9, v9;
	v2 =	vmul.f32 v8, v8  }
0x2f0: {  	v11 =	vadd.f32 v21, v19;
	v3 =	vmul.f32 v20, v20;
	v4 =	vadd.f32 v4, v22  }
0x2f1: {  	v23 =	vmul.f32 v10, v10;
	v2 =	vadd.f32 v15, v2;
	v15 =	vadd.f32 v20, v26  }
0x2f2: {  	v24 =	vmul.f32 v12, v12;
	v3 =	vadd.f32 v3, v18;
	v17 =	vadd.f32 v13, v14;
	v18, _, _ =	vpop (xrf2)  }
0x2f3: {  	v11 =	vadd.f32 v11, v15;
	v15 =	vmul.f32 $1.562500000e-02, v18;
	v18 =	vadd.f32 v16, v7  }
0x2f4: {  	v23 =	vadd.f32 v23, v24;
	v3 =	vadd.f32 v4, v3;
	v22, _, _ =	vpop (xrf2)  }
0x2f5: {  	(xrf2) =	vadd.scan.msk.f32 $0xffff, v11;
	v11 =	vadd.f32 v17, v18;
	v4, _, _ =	vpop (xrf2)  }
0x2f6: {  	v2 =	vadd.f32 v2, v23;
	(xrf2) =	vadd.scan.msk.f32 $0xffff, v3;
	v17 =	vmul.f32 v15, v15;
	v4 =	vmul.f32 $1.562500000e-02, v4  }
0x2f7: {  	(xrf2) =	vadd.scan.msk.f32 $0xffff, v11  }
0x2f8: {  	v11 =	vmul.f32 v7, v7;
	(xrf2) =	vadd.scan.msk.f32 $0xffff, v2;
	v2 =	vmul.f32 v13, v13;
	v3 =	vsub.f32 v4, v17  }
0x2f9: {  	v4 =	vmul.f32 v16, v16;
	v17 =	vmul.f32 v14, v14  }
0x2fa: {  	v3 =	vadd.f32 $9.999999960e-13, v3  }
0x2fb: {  	v4 =	vadd.f32 v4, v11;
	v2 =	vadd.f32 v2, v17  }
0x2fc: {  	v3 =	vbroadcast v3, $0xF  }
0x2fd: {  	v2 =	vadd.f32 v2, v4  }
0x2fe: {  	s1 =	simm.s32 $0x125F0;
	v11 =	vshra.s32 v3, $0x1;
	v17 =	vmul.f32 $5.000000000e-01, v3  }
0x2ff: {  	v40 =	vld [tilespmem:s1+$0xFFFFFF40];
	v4, _, _ =	vpop (xrf2);
	v3 =	vsub.s32 $0x5F3759DF, v11  }
0x300: {  	v48 =	vld [tilespmem:s1+$0xFFFFFF10];
	v18, _, _ =	vpop (xrf2);
	v11 =	vmul.f32 v3, v17  }
0x301: {  	v22 =	vmul.f32 $1.562500000e-02, v22;
	(xrf2) =	vadd.scan.msk.f32 $0xffff, v2;
	v2, _, _ =	vpop (xrf2)  }
0x302: {  	v23, _, _ =	vpop (xrf2);
	v11 =	vmul.f32 v3, v11  }
0x303: {  	v24 =	vmul.f32 v22, v22;
	v23 =	vmul.f32 $1.562500000e-02, v23  }
0x304: {  	v51 =	vmul.f32 v40, v40;
	v15 =	vbroadcast v15, $0xF;
	v11 =	vsub.f32 $1.500000000e+00, v11  }
0x305: {  	v54 =	vmul.f32 v48, v48;
	v25 =	vmul.f32 $1.562500000e-02, v2;
	v23 =	vsub.f32 v23, v24  }
0x306: {  	v28 =	vsub.f32 v0, v15;
	v22 =	vbroadcast v22, $0xF;
	v11 =	vmul.f32 v3, v11  }
0x307: {  	v59 =	vsub.f32 v1, v15;
	v30 =	vmul.f32 v25, v25;
	v3 =	vadd.f32 $9.999999960e-13, v23  }
0x308: {  	v44 =	vsub.f32 v12, v22;
	v60 =	vbroadcast v25, $0xF;
	v23 =	vmul.f32 v11, v17  }
0x309: {  	v47 =	vsub.f32 v10, v22;
	v24 =	vmul.f32 $1.562500000e-02, v4;
	v3 =	vbroadcast v3, $0xF  }
0x30a: {  	v4 =	vmul.f32 $1.562500000e-02, v18;
	v39 =	vsub.f32 v14, v60;
	v18 =	vmul.f32 v23, v11  }
0x30b: {  	v14 =	vld [tilespmem:s1+$0xFFFFFF60];
	v23 =	vmul.f32 v24, v24;
	v27 =	vshra.s32 v3, $0x1;
	v29 =	vmul.f32 $5.000000000e-01, v3  }
0x30c: {  	v41 =	vsub.f32 v16, v60;
	v2, _, _ =	vpop (xrf2);
	v27 =	vsub.s32 $0x5F3759DF, v27;
	v18 =	vsub.f32 $1.500000000e+00, v18  }
0x30d: {  	v16 =	vld [tilespmem:s1+$0xFFFFFFA0];
	v31 =	vmul.f32 $1.562500000e-02, v2;
	v4 =	vsub.f32 v4, v23;
	v23 =	vmul.f32 v27, v29  }
0x30e: {  	v50 =	vsub.f32 v8, v22;
	v22 =	vsub.f32 v9, v22;
	v18 =	vmul.f32 v18, v11  }
0x30f: {  	v11 =	vsub.f32 v31, v30;
	v30 =	vadd.f32 $9.999999960e-13, v4;
	v23 =	vmul.f32 v27, v23  }
0x310: {  	v45 =	vld [tilespmem:s1+$0xFFFFFF30];
	v35 =	vsub.f32 v7, v60;
	v52 =	vmul.f32 v14, v14;
	v17 =	vmul.f32 v18, v17  }
0x311: {  	v11 =	vadd.f32 $9.999999960e-13, v11;
	v34 =	vbroadcast v30, $0xF;
	v25 =	vsub.f32 $1.500000000e+00, v23;
	v23 =	vld [tilespmem:s1+$0xFFFFFF20]  }
0x312: {  	v0 =	vld [tilespmem:$0x16400];
	v58 =	vmul.f32 v16, v16;
	v31 =	vsub.f32 v5, v15;
	v30 =	vsub.f32 v6, v15  }
0x313: {  	v17 =	vmul.f32 v17, v18;
	v6 =	vbroadcast v11, $0xF;
	v7 =	vshra.s32 v34, $0x1;
	v11 =	vld [tilespmem:s1+$0xFFFFFF70]  }
0x314: {  	v1 =	vld [tilespmem:$0x16440];
	v36 =	vmul.f32 v27, v25;
	v34 =	vmul.f32 $5.000000000e-01, v34;
	v25 =	vsub.s32 $0x5F3759DF, v7  }
0x315: {  	v7 =	vld [tilespmem:s1+$0xFFFFFFE0];
	v15 =	vsub.f32 $1.500000000e+00, v17;
	v17 =	vshra.s32 v6, $0x1;
	v37 =	vmul.f32 $5.000000000e-01, v6  }
0x316: {  	v8 =	vld [tilespmem:s1+$0xFFFFFFF0];
	v27 =	vmul.f32 v36, v29;
	v17 =	vsub.s32 $0x5F3759DF, v17;
	v43 =	vmul.f32 v23, v23  }
0x317: {  	v9 =	vadd.f32 v40, v45;
	v6 =	vld [tilespmem:s1+$0x0];
	v61 =	vmul.f32 v15, v18;
	v18 =	vmul.f32 v17, v37  }
0x318: {  	v3 =	vld [tilespmem:$0x16410];
	v53 =	vadd.f32 v23, v48;
	v42 =	vmul.f32 v27, v36;
	v33 =	vmul.f32 v11, v11  }
0x319: {  	v2 =	vld [tilespmem:$0x16430];
	v27 =	vsub.f32 v13, v60;
	v13 =	vmul.f32 v61, v28;
	v12 =	vmul.f32 v17, v18  }
0x31a: {  	v5 =	vld [tilespmem:$0x16470];
	v46 =	vmul.f32 v7, v7;
	v31 =	vmul.f32 v61, v31;
	v32 =	vsub.f32 $1.500000000e+00, v42  }
0x31b: {  	v15 =	vld [tilespmem:s1+$0xFFFFFFC0];
	v53 =	vadd.f32 v9, v53;
	v30 =	vmul.f32 v61, v30;
	v13 =	vmul.f32 v13, v0  }
0x31c: {  	v18 =	vld [tilespmem:s1+$0xFFFFFFB0];
	v49 =	vmul.f32 v6, v6;
	v10 =	vsub.f32 $1.500000000e+00, v12;
	v32 =	vmul.f32 v32, v36  }
0x31d: {  	v12 =	vmul.f32 v61, v59;
	v61 =	vmul.f32 v45, v45;
	v28 =	vadd.f32 v13, v1;
	v13 =	vld [tilespmem:s1+$0xFFFFFF80]  }
0x31e: {  	v43 =	vadd.f32 v43, v54;
	v10 =	vmul.f32 v17, v10;
	v17 =	vld [tilespmem:s1+$0xFFFFFF50];
	v29 =	vmul.f32 v32, v29  }
0x31f: {  	v55 =	vadd.f32 v6, v8;
	v56 =	vmul.f32 v30, v3;
	v12 =	vmul.f32 v12, v2  }
0x320: {  	v9 =	vld [tilespmem:$0x16420];
	v51 =	vadd.f32 v51, v61;
	v62 =	vmul.f32 v10, v37;
	v29 =	vmul.f32 v29, v32  }
0x321: {  	(xrf2) =	vadd.scan.msk.f32 $0xffff, v53;
	v42 =	vmul.f32 v15, v15;
	v57 =	vadd.f32 v15, v18;
	v30 =	vadd.f32 v12, v5  }
0x322: {  	v12 =	vld [tilespmem:s1+$0xFFFFFFD0];
	v38 =	vmul.f32 v62, v10;
	v29 =	vsub.f32 $1.500000000e+00, v29;
	v54 =	vmul.f32 v13, v13  }
0x323: {  	v59 =	vadd.f32 v14, v17;
	v60 =	vmul.f32 v17, v17;
	v53 =	vadd.f32 v13, v11  }
0x324: {  	v62 =	vbroadcast v24, $0xF;
	v38 =	vsub.f32 $1.500000000e+00, v38;
	v24 =	vadd.f32 v54, v33  }
0x325: {  	v31 =	vmul.f32 v31, v9;
	v63 =	vadd.f32 v52, v60;
	v60 =	vadd.f32 v53, v59  }
0x326: {  	v61 =	vadd.f32 v51, v43;
	v29 =	vmul.f32 v29, v32;
	v53 =	vld [tilespmem:s1+$0xFFFFFF90];
	v54 =	vmul.f32 v8, v8  }
0x327: {  	v38 =	vmul.f32 v38, v10;
	v33 =	vadd.f32 v24, v63;
	v24 =	vadd.f32 v7, v12;
	(xrf2) =	vadd.scan.msk.f32 $0xffff, v60  }
0x328: {  	v63 =	vmul.f32 v12, v12;
	v59 =	vadd.f32 v49, v54;
	v49 =	vsub.f32 v21, v62;
	(xrf2) =	vadd.scan.msk.f32 $0xffff, v61  }
0x329: {  	v21 =	vmul.f32 v18, v18;
	v37 =	vmul.f32 v38, v37;
	v24 =	vadd.f32 v55, v24  }
0x32a: {  	v61 =	vmul.f32 v25, v34;
	v55 =	vadd.f32 v46, v63;
	v46 =	vsub.f32 v20, v62  }
0x32b: {  	v60, _, _ =	vpop (xrf2);
	v21 =	vadd.f32 v42, v21;
	v37 =	vmul.f32 v37, v38;
	v20 =	vmul.f32 v53, v53  }
0x32c: {  	v4 =	vld [tilespmem:$0x16450];
	v43 =	vmul.f32 $1.562500000e-02, v60;
	v63 =	vadd.f32 v16, v53;
	v42 =	vmul.f32 v25, v61  }
0x32d: {  	v10 =	vld [tilespmem:$0x16460];
	v60 =	vmul.f32 v29, v47;
	v36 =	vsub.f32 $1.500000000e+00, v37;
	v37 =	vadd.f32 v59, v55  }
0x32e: {  	v20 =	vadd.f32 v58, v20;
	v57 =	vadd.f32 v57, v63;
	v63 =	vmul.f32 v29, v50  }
0x32f: {  	v42 =	vsub.f32 $1.500000000e+00, v42;
	v36 =	vmul.f32 v36, v38;
	v38 =	vbroadcast v43, $0xF  }
0x330: {  	v58 =	vadd.f32 v21, v20;
	v21 =	vmul.f32 v29, v44;
	v43 =	vmul.f32 v43, v43  }
0x331: {  	v56 =	vadd.f32 v56, v4;
	(xrf2) =	vadd.scan.msk.f32 $0xffff, v24;
	v29 =	vmul.f32 v29, v22;
	v42 =	vmul.f32 v25, v42;
	v59, _, _ =	vpop (xrf2)  }
0x332: {  	v31 =	vadd.f32 v31, v10;
	(xrf2) =	vadd.scan.msk.f32 $0xffff, v37;
	v51 =	vmul.f32 v63, v9;
	v37 =	vmul.f32 v60, v3;
	v61, _, _ =	vpop (xrf2)  }
0x333: {  	v32 =	vmul.f32 v36, v35;
	v24 =	vsub.f32 v48, v38;
	v48 =	vmul.f32 $1.562500000e-02, v61  }
0x334: {  	v41 =	vmul.f32 v36, v41;
	v20 =	vsub.f32 v40, v38;
	v50 =	vmul.f32 v21, v0;
	(xrf2) =	vadd.scan.msk.f32 $0xffff, v57  }
0x335: {  	v21 =	vsub.f32 v23, v38;
	v23 =	vmul.f32 v42, v34;
	(xrf2) =	vadd.scan.msk.f32 $0xffff, v33;
	v40 =	vsub.f32 v48, v43  }
0x336: {  	v39 =	vmul.f32 v36, v39;
	v22 =	vsub.f32 v45, v38;
	v29 =	vmul.f32 v29, v2  }
0x337: {  	v37 =	vadd.f32 v37, v4;
	v54 =	vmul.f32 v23, v42;
	v40 =	vadd.f32 $9.999999960e-13, v40  }
0x338: {  	v27 =	vmul.f32 v36, v27;
	v36 =	vsub.f32 v19, v62;
	v25 =	vmul.f32 $1.562500000e-02, v59  }
0x339: {  	v41 =	vmul.f32 v41, v3;
	v44 =	vsub.f32 $1.500000000e+00, v54;
	v40 =	vbroadcast v40, $0xF  }
0x33a: {  	v39 =	vmul.f32 v39, v9;
	v61 =	vmul.f32 v27, v2;
	v43 =	vadd.f32 v29, v5  }
0x33b: {  	v23, _, _ =	vpop (xrf2);
	v42 =	vmul.f32 v44, v42;
	v57 =	vshra.s32 v40, $0x1;
	v40 =	vmul.f32 $5.000000000e-01, v40  }
0x33c: {  	v29 =	vmul.f32 v25, v25;
	v23 =	vmul.f32 $1.562500000e-02, v23;
	v45 =	vsub.s32 $0x5F3759DF, v57  }
0x33d: {  	v38 =	vadd.f32 v50, v1;
	(xrf2) =	vadd.scan.msk.f32 $0xffff, v58;
	v55, _, _ =	vpop (xrf2);
	v34 =	vmul.f32 v42, v34;
	v58 =	vmul.f32 v45, v40  }
0x33e: {  	v48 =	vsub.f32 v26, v62;
	v26 =	vmul.f32 v23, v23;
	v35 =	vmul.f32 $1.562500000e-02, v55;
	v59, _, _ =	vpop (xrf2)  }
0x33f: {  	v33 =	vadd.f32 v51, v10;
	v34 =	vmul.f32 v34, v42;
	v60, _, _ =	vpop (xrf2);
	v19 =	vmul.f32 v45, v58  }
0x340: {  	v26 =	vsub.f32 v35, v26;
	v27 =	vmul.f32 $1.562500000e-02, v59;
	v47 =	vmul.f32 $1.562500000e-02, v60  }
0x341: {  	[tilespmem:s0+$0xFFFFFF10] =	vst v28;
	v63 =	vmul.f32 v32, v0;
	v28 =	vsub.f32 $1.500000000e+00, v34;
	v19 =	vsub.f32 $1.500000000e+00, v19  }
0x342: {  	v26 =	vadd.f32 $9.999999960e-13, v26;
	v51 =	vmul.f32 v27, v27;
	v62 =	vsub.f32 v47, v29  }
0x343: {  	v41 =	vadd.f32 v41, v4;
	v42 =	vmul.f32 v28, v42;
	v50 =	vmul.f32 v45, v19  }
0x344: {  	[tilespmem:s0+$0xFFFFFF40] =	vst v30;
	v29 =	vbroadcast v27, $0xF;
	v27 =	vbroadcast v26, $0xF;
	v30 =	vadd.f32 $9.999999960e-13, v62  }
0x345: {  	[tilespmem:s0+$0xFFFFFF20] =	vst v56;
	v39 =	vadd.f32 v39, v10;
	v55 =	vmul.f32 v42, v46;
	v52 =	vmul.f32 v50, v40  }
0x346: {  	[tilespmem:s0+$0xFFFFFF30] =	vst v31;
	v63 =	vadd.f32 v63, v1;
	v57 =	vmul.f32 v42, v49;
	v28 =	vbroadcast v30, $0xF  }
0x347: {  	[tilespmem:s0+$0xFFFFFF60] =	vst v37;
	v35 =	vmul.f32 v42, v36;
	v26, _, _ =	vpop (xrf2);
	v54 =	vshra.s32 v27, $0x1;
	v31 =	vmul.f32 v52, v50  }
0x348: {  	[tilespmem:s0+$0xFFFFFF50] =	vst v38;
	v26 =	vmul.f32 $1.562500000e-02, v26;
	v56 =	vshra.s32 v28, $0x1;
	v28 =	vmul.f32 $5.000000000e-01, v28  }
0x349: {  	[tilespmem:s0+$0xFFFFFF70] =	vst v33;
	v33 =	vmul.f32 v55, v3;
	v34 =	vsub.s32 $0x5F3759DF, v56;
	v31 =	vsub.f32 $1.500000000e+00, v31  }
0x34a: {  	[tilespmem:s0+$0xFFFFFFA0] =	vst v41;
	v60 =	vmul.f32 v57, v2;
	v59 =	vsub.f32 v26, v51;
	v58 =	vmul.f32 v34, v28  }
0x34b: {  	[tilespmem:s0+$0xFFFFFFB0] =	vst v39;
	v19 =	vsub.f32 v53, v29;
	v30 =	vadd.f32 v61, v5;
	v32 =	vmul.f32 v31, v50  }
0x34c: {  	[tilespmem:s0+$0xFFFFFF90] =	vst v63;
	v62 =	vadd.f32 $9.999999960e-13, v59;
	v61 =	vmul.f32 v34, v58;
	v31 =	vmul.f32 v42, v48  }
0x34d: {  	v26 =	vsub.s32 $0x5F3759DF, v54;
	[tilespmem:s0+$0xFFFFFFC0] =	vst v30;
	v30 =	vadd.f32 v60, v5;
	v37 =	vmul.f32 v32, v40  }
0x34e: {  	s3 =	simm.s32 $0x126F0;
	s2 =	simm.s32 $0x4;
	[tilespmem:s0+$0xFFFFFF80] =	vst v43;
	v39 =	vbroadcast v62, $0xF;
	v38 =	vsub.f32 $1.500000000e+00, v61;
	v36 =	vmul.f32 v31, v0  }
.LBB2_9:
0x34f: {  	v31 =	vld [tilespmem:s3+$0xFFFFFF20];
	s2 =	sadd.s32 $0x4, s2;
	v37 =	vmul.f32 v37, v32;
	v33 =	vadd.f32 v33, v4;
	v35 =	vmul.f32 v35, v9  }
0x350: {  	v43 =	vld [tilespmem:s3+$0xFFFFFF70];
	p0 =	slt.u32 s2, $0xFC;
	v38 =	vmul.f32 v34, v38;
	v34 =	vshra.s32 v39, $0x1;
	v36 =	vadd.f32 v36, v1  }
0x351: {  	v45 =	vmul.f32 $5.000000000e-01, v39;
	v44 =	vld [tilespmem:s3+$0xFFFFFFE0];
	v37 =	vsub.f32 $1.500000000e+00, v37;
	v34 =	vsub.s32 $0x5F3759DF, v34;
	[tilespmem:s0+$0xFFFFFFE0] =	vst v33  }
0x352: {  	v33 =	vsub.f32 v18, v29;
	v18 =	vadd.f32 v35, v10;
	v42 =	vld [tilespmem:s3+$0x0];
	v39 =	vmul.f32 v38, v28;
	[tilespmem:s0+$0xFFFFFFD0] =	vst v36  }
0x353: {  	v36 =	vsub.f32 v16, v29;
	v46 =	vld [tilespmem:s3+$0xFFFFFFC0];
	v37 =	vmul.f32 v37, v32;
	v32 =	vmul.f32 v34, v45;
	[tilespmem:s0+$0x0] =	vst v30  }
0x354: {  	v47 =	vbroadcast v25, $0xF;
	v29 =	vsub.f32 v15, v29;
	v35 =	vld [tilespmem:s3+$0xFFFFFF40];
	v30 =	vmul.f32 v39, v38;
	[tilespmem:s0+$0xFFFFFFF0] =	vst v18;
	s0 =	smov.u32 s1;
	s1 =	smov.u32 s3  }
0x355: {  	v48 =	vmul.f32 v31, v31;
	v49 =	vld [tilespmem:s3+$0xFFFFFF60];
	v53 =	vmul.f32 v37, v24  }
0x356: {  	v39 =	vsub.f32 v17, v47;
	v24 =	vmul.f32 v43, v43;
	v17 =	vmul.f32 v34, v32;
	v16 =	vld [tilespmem:s3+$0xFFFFFFA0]  }
0x357: {  	v41 =	vsub.f32 v14, v47;
	v50 =	vmul.f32 v44, v44;
	v25 =	vld [tilespmem:s3+$0xFFFFFF30];
	v18 =	vmul.f32 v53, v0  }
0x358: {  	v40 =	vsub.f32 v11, v47;
	v11 =	vmovc v43;
	v52 =	vmul.f32 v42, v42;
	v55 =	vsub.f32 $1.500000000e+00, v17;
	v51 =	vld [tilespmem:s3+$0xFFFFFF10];
	v15 =	vmovc v46  }
0x359: {  	v20 =	vmul.f32 v37, v20;
	v43 =	vmul.f32 v35, v35;
	v32 =	vld [tilespmem:s3+$0xFFFFFFF0];
	v17 =	vadd.f32 v18, v1  }
0x35a: {  	v22 =	vmul.f32 v37, v22;
	v53 =	vsub.f32 $1.500000000e+00, v30;
	v54 =	vmul.f32 v34, v55;
	v18 =	vld [tilespmem:s3+$0xFFFFFFB0];
	v14 =	vmovc v49  }
0x35b: {  	v47 =	vsub.f32 v13, v47;
	v20 =	vmul.f32 v20, v2;
	v46 =	vmul.f32 v46, v15;
	v30 =	vld [tilespmem:s3+$0xFFFFFF90];
	[tilespmem:s0+$0xFFFFFF10] =	vst v17  }
0x35c: {  	v21 =	vmul.f32 v37, v21;
	v49 =	vmul.f32 v49, v14;
	v34 =	vadd.f32 v35, v25;
	v13 =	vld [tilespmem:s3+$0xFFFFFF80]  }
0x35d: {  	v56 =	vmul.f32 v54, v45;
	v37 =	vadd.f32 v31, v51;
	v55 =	vmul.f32 v51, v51;
	v17 =	vld [tilespmem:s3+$0xFFFFFF50]  }
0x35e: {  	v21 =	vmul.f32 v21, v3;
	v20 =	vadd.f32 v20, v5;
	v57 =	vadd.f32 v42, v32  }
0x35f: {  	v59 =	vmul.f32 v16, v16;
	v56 =	vmul.f32 v56, v54;
	v58 =	vadd.f32 v15, v18  }
0x360: {  	v60 =	vadd.f32 v34, v37;
	v48 =	vadd.f32 v48, v55;
	v37 =	vbroadcast v23, $0xF;
	[tilespmem:s0+$0xFFFFFF40] =	vst v20  }
0x361: {  	v21 =	vadd.f32 v21, v4;
	v23 =	vsub.f32 $1.500000000e+00, v56;
	v20 =	vmul.f32 v13, v13;
	v34 =	vld [tilespmem:s3+$0xFFFFFFD0]  }
0x362: {  	v56 =	vadd.f32 v13, v11;
	v55 =	vadd.f32 v14, v17;
	v61 =	vmul.f32 v17, v17;
	(xrf2) =	vadd.scan.msk.f32 $0xffff, v60  }
0x363: {  	v60 =	vmul.f32 v25, v25;
	v20 =	vadd.f32 v20, v24;
	[tilespmem:s0+$0xFFFFFF20] =	vst v21;
	v21 =	vmul.f32 v23, v54  }
0x364: {  	v23 =	vadd.f32 v56, v55;
	v24 =	vadd.f32 v49, v61  }
0x365: {  	v43 =	vadd.f32 v43, v60;
	v49 =	vmul.f32 v53, v38;
	v38 =	vmul.f32 v21, v45  }
0x366: {  	v22 =	vmul.f32 v22, v9;
	v45 =	vadd.f32 v20, v24;
	v20 =	vadd.f32 v44, v34;
	(xrf2) =	vadd.scan.msk.f32 $0xffff, v23  }
0x367: {  	v23 =	vadd.f32 v43, v48;
	v24 =	vmul.f32 v34, v34;
	v38 =	vmul.f32 v38, v21  }
0x368: {  	v22 =	vadd.f32 v22, v10;
	v43 =	vmul.f32 v32, v32;
	v20 =	vadd.f32 v57, v20  }
0x369: {  	(xrf2) =	vadd.scan.msk.f32 $0xffff, v23;
	v23 =	vmul.f32 v49, v28;
	v48 =	vsub.f32 $1.500000000e+00, v38;
	v28 =	vsub.f32 v7, v37;
	v7 =	vmovc v44  }
0x36a: {  	v27 =	vmul.f32 $5.000000000e-01, v27;
	v24 =	vadd.f32 v50, v24;
	v44 =	vadd.f32 v52, v43;
	[tilespmem:s0+$0xFFFFFF30] =	vst v22  }
0x36b: {  	v38 =	vsub.f32 v6, v37;
	v6 =	vmovc v42;
	v22 =	vmul.f32 v30, v30;
	v23 =	vmul.f32 v23, v49  }
0x36c: {  	v42 =	vmul.f32 v18, v18;
	v24 =	vadd.f32 v44, v24;
	v43, _, _ =	vpop (xrf2);
	(xrf2) =	vadd.scan.msk.f32 $0xffff, v20;
	v20 =	vmul.f32 v26, v27  }
0x36d: {  	v44 =	vadd.f32 v16, v30;
	v22 =	vadd.f32 v59, v22;
	v43 =	vmul.f32 $1.562500000e-02, v43  }
0x36e: {  	v42 =	vadd.f32 v46, v42;
	v46 =	vmul.f32 v48, v21;
	v23 =	vsub.f32 $1.500000000e+00, v23  }
0x36f: {  	v44 =	vadd.f32 v58, v44;
	v48 =	vmul.f32 v26, v20;
	v21 =	vbroadcast v43, $0xF  }
0x370: {  	v19 =	vmul.f32 v46, v19;
	v42 =	vadd.f32 v42, v22;
	v23 =	vmul.f32 v23, v49;
	v50, _, _ =	vpop (xrf2);
	(xrf2) =	vadd.scan.msk.f32 $0xffff, v24  }
0x371: {  	v36 =	vmul.f32 v46, v36;
	v33 =	vmul.f32 v46, v33;
	v24 =	vsub.f32 v51, v21  }
0x372: {  	v20 =	vsub.f32 v35, v21;
	v35 =	vmul.f32 v23, v39;
	v39 =	vmul.f32 v23, v41  }
0x373: {  	v49 =	vmul.f32 v43, v43;
	v43 =	vsub.f32 $1.500000000e+00, v48;
	v40 =	vmul.f32 v23, v40;
	v22, _, _ =	vpop (xrf2);
	(xrf2) =	vadd.scan.msk.f32 $0xffff, v44  }
0x374: {  	v23 =	vmul.f32 v23, v47;
	v44 =	vmul.f32 $1.562500000e-02, v22;
	v22 =	vsub.f32 v25, v21  }
0x375: {  	v26 =	vmul.f32 v26, v43;
	v21 =	vsub.f32 v31, v21;
	v31 =	vmul.f32 v35, v0  }
0x376: {  	v40 =	vmul.f32 v40, v9;
	v23 =	vmul.f32 v23, v2;
	v35 =	vsub.f32 v44, v49;
	(xrf2) =	vadd.scan.msk.f32 $0xffff, v45;
	v41, _, _ =	vpop (xrf2)  }
0x377: {  	v25 =	vmul.f32 $1.562500000e-02, v50;
	v43 =	vmul.f32 v26, v27;
	v31 =	vadd.f32 v31, v1  }
0x378: {  	v39 =	vmul.f32 v39, v3;
	v44 =	vadd.f32 v23, v5;
	v35 =	vadd.f32 $9.999999960e-13, v35  }
0x379: {  	v45 =	vmul.f32 v25, v25;
	[tilespmem:s0+$0xFFFFFF50] =	vst v31;
	v31 =	vadd.f32 v40, v10;
	v40 =	vmul.f32 v43, v26  }
0x37a: {  	v36 =	vmul.f32 v36, v3;
	v39 =	vadd.f32 v39, v4;
	v35 =	vbroadcast v35, $0xF;
	(xrf2) =	vadd.scan.msk.f32 $0xffff, v42;
	v42, _, _ =	vpop (xrf2)  }
0x37b: {  	v23 =	vmul.f32 $1.562500000e-02, v41;
	[tilespmem:s0+$0xFFFFFF70] =	vst v31;
	v31 =	vmul.f32 v33, v9;
	v33 =	vsub.f32 $1.500000000e+00, v40  }
0x37c: {  	v36 =	vadd.f32 v36, v4;
	v40 =	vshra.s32 v35, $0x1;
	v35 =	vmul.f32 $5.000000000e-01, v35;
	[tilespmem:s0+$0xFFFFFF80] =	vst v44  }
0x37d: {  	v41 =	vmul.f32 $1.562500000e-02, v42;
	v40 =	vsub.s32 $0x5F3759DF, v40;
	v42, _, _ =	vpop (xrf2);
	[tilespmem:s0+$0xFFFFFF60] =	vst v39;
	v31 =	vadd.f32 v31, v10  }
0x37e: {  	v26 =	vmul.f32 v33, v26;
	v39 =	vmul.f32 v40, v35;
	[tilespmem:s0+$0xFFFFFFA0] =	vst v36;
	v36 =	vsub.f32 v12, v37  }
0x37f: {  	v29 =	vmul.f32 v46, v29;
	v43 =	vmul.f32 v23, v23;
	[tilespmem:s0+$0xFFFFFFB0] =	vst v31;
	v31 =	vsub.f32 v8, v37  }
0x380: {  	v27 =	vmul.f32 v26, v27;
	v8 =	vmov v32;
	v33 =	vmul.f32 v40, v39;
	v37, _, _ =	vpop (xrf2)  }
0x381: {  	v12 =	vmovc v34;
	v39 =	vmul.f32 v29, v2;
	v32 =	vmul.f32 $1.562500000e-02, v37;
	v37 =	vsub.f32 v41, v43  }
0x382: {  	v27 =	vmul.f32 v27, v26;
	v29 =	vsub.f32 $1.500000000e+00, v33;
	v33 =	vmul.f32 $1.562500000e-02, v42  }
0x383: {  	v32 =	vsub.f32 v32, v45;
	v34 =	vadd.f32 $9.999999960e-13, v37;
	v37 =	vmul.f32 v19, v0  }
0x384: {  	v42 =	vsub.f32 $1.500000000e+00, v27;
	v40 =	vmul.f32 v40, v29;
	v29 =	vbroadcast v33, $0xF;
	v41, _, _ =	vpop (xrf2)  }
0x385: {  	v43 =	vmul.f32 v33, v33;
	v32 =	vadd.f32 $9.999999960e-13, v32;
	v27 =	vbroadcast v34, $0xF  }
0x386: {  	v33 =	vmul.f32 v40, v35;
	v19 =	vsub.f32 v30, v29;
	v30 =	vmul.f32 v42, v26  }
0x387: {  	v34 =	vadd.f32 v39, v5;
	v26 =	vbroadcast v32, $0xF;
	v32 =	vmul.f32 $1.562500000e-02, v41  }
0x388: {  	v39 =	vshra.s32 v27, $0x1;
	v33 =	vmul.f32 v33, v40;
	v41 =	vmul.f32 v30, v28  }
0x389: {  	v42 =	vshra.s32 v26, $0x1;
	v28 =	vmul.f32 $5.000000000e-01, v26;
	[tilespmem:s0+$0xFFFFFFC0] =	vst v34;
	v26 =	vmul.f32 v30, v38  }
0x38a: {  	v38 =	vsub.f32 $1.500000000e+00, v33;
	v34 =	vsub.s32 $0x5F3759DF, v42;
	v33 =	vmul.f32 v41, v3  }
.Ltmp3:
0x38b: {  	v42 =	vsub.f32 v32, v43;
	v41 =	vmul.f32 v34, v28;
	v43 =	vmul.f32 v26, v2;
	(pc) =	sbr.rel @p0 .LBB2_9-.Ltmp3, $4  }
0x38c: {  	v36 =	vmul.f32 v30, v36;
	v26 =	vsub.s32 $0x5F3759DF, v39;
	v32 =	vmul.f32 v38, v40  }
0x38d: {  	v39 =	vadd.f32 $9.999999960e-13, v42;
	v40 =	vadd.f32 v37, v1;
	v38 =	vmul.f32 v34, v41  }
0x38e: {  	v37 =	vmul.f32 v32, v35;
	v35 =	vmul.f32 v30, v31;
	v30 =	vadd.f32 v43, v5  }
0x38f: {  	s3 =	sadd.s32 $0x100, s3;
	v36 =	vmul.f32 v36, v0;
	v39 =	vbroadcast v39, $0xF;
	v38 =	vsub.f32 $1.500000000e+00, v38;
	[tilespmem:s0+$0xFFFFFF90] =	vst v40  }
0x390: {  	v27 =	vmul.f32 $5.000000000e-01, v27  }
0x391: {  	v37 =	vmul.f32 v37, v32;
	v18 =	vsub.f32 v18, v29  }
0x392: {  	v31 =	vshra.s32 v39, $0x1;
	v58 =	vmul.f32 $5.000000000e-01, v39;
	v63 =	vmul.f32 v26, v27  }
0x393: {  	v16 =	vsub.f32 v16, v29;
	v34 =	vmul.f32 v34, v38;
	v31 =	vsub.s32 $0x5F3759DF, v31  }
0x394: {  	v37 =	vsub.f32 $1.500000000e+00, v37;
	v40 =	vmul.f32 v31, v58;
	v42 =	vmul.f32 v26, v63  }
0x395: {  	v15 =	vsub.f32 v15, v29;
	v35 =	vmul.f32 v35, v9;
	v60 =	vmul.f32 v34, v28  }
0x396: {  	v61 =	vmul.f32 v37, v32;
	v40 =	vmul.f32 v31, v40;
	v37 =	vsub.f32 $1.500000000e+00, v42  }
0x397: {  	v33 =	vadd.f32 v33, v4;
	v25 =	vbroadcast v25, $0xF;
	v41 =	vmul.f32 v60, v34  }
0x398: {  	v36 =	vadd.f32 v36, v1;
	v40 =	vsub.f32 $1.500000000e+00, v40;
	v44 =	vmul.f32 v26, v37  }
0x399: {  	v23 =	vbroadcast v23, $0xF;
	v35 =	vadd.f32 v35, v10;
	v29 =	vsub.f32 $1.500000000e+00, v41  }
0x39a: {  	v17 =	vsub.f32 v17, v25;
	v31 =	vmul.f32 v31, v40;
	v37 =	vmul.f32 v44, v27  }
0x39b: {  	v14 =	vsub.f32 v14, v25;
	v24 =	vmul.f32 v61, v24;
	v29 =	vmul.f32 v29, v34  }
0x39c: {  	v11 =	vsub.f32 v11, v25;
	v40 =	vmul.f32 v31, v58;
	v47 =	vmul.f32 v37, v44  }
0x39d: {  	v13 =	vsub.f32 v13, v25;
	v20 =	vmul.f32 v61, v20;
	v45 =	vmul.f32 v29, v28  }
0x39e: {  	v21 =	vmul.f32 v61, v21;
	v59 =	vmul.f32 v40, v31;
	v48 =	vsub.f32 $1.500000000e+00, v47  }
0x39f: {  	v7 =	vsub.f32 v7, v23;
	v22 =	vmul.f32 v61, v22;
	v28 =	vmul.f32 v45, v29  }
0x3a0: {  	v24 =	vmul.f32 v24, v0;
	v62 =	vsub.f32 $1.500000000e+00, v59;
	v26 =	vmul.f32 v48, v44  }
0x3a1: {  	v20 =	vmul.f32 v20, v2;
	v21 =	vmul.f32 v21, v3;
	v28 =	vsub.f32 $1.500000000e+00, v28  }
0x3a2: {  	v6 =	vsub.f32 v6, v23;
	v31 =	vmul.f32 v62, v31;
	v27 =	vmul.f32 v26, v27  }
0x3a3: {  	v12 =	vsub.f32 v12, v23;
	v22 =	vmul.f32 v22, v9;
	v49 =	vmul.f32 v28, v29  }
0x3a4: {  	v8 =	vsub.f32 v8, v23;
	v43 =	vmul.f32 v31, v58;
	v50 =	vmul.f32 v27, v26  }
0x3a5: {  	[tilespmem:s0+$0x0] =	vst v30;
	v24 =	vadd.f32 v24, v1;
	v17 =	vmul.f32 v49, v17;
	v14 =	vmul.f32 v49, v14  }
0x3a6: {  	[tilespmem:s0+$0xFFFFFFE0] =	vst v33;
	v13 =	vmul.f32 v49, v13;
	v34 =	vmul.f32 v43, v31;
	v51 =	vsub.f32 $1.500000000e+00, v50  }
0x3a7: {  	[tilespmem:s0+$0xFFFFFFD0] =	vst v36;
	v20 =	vadd.f32 v20, v5;
	v11 =	vmul.f32 v49, v11;
	v17 =	vmul.f32 v17, v0  }
0x3a8: {  	[tilespmem:s0+$0xFFFFFFF0] =	vst v35;
	v13 =	vmul.f32 v13, v2;
	v46 =	vsub.f32 $1.500000000e+00, v34;
	v52 =	vmul.f32 v51, v26  }
0x3a9: {  	v21 =	vadd.f32 v21, v4;
	[tilespmem:s1+$0xFFFFFF10] =	vst v24;
	v11 =	vmul.f32 v11, v9;
	v14 =	vmul.f32 v14, v3  }
0x3aa: {  	v22 =	vadd.f32 v22, v10;
	[tilespmem:s1+$0xFFFFFF40] =	vst v20;
	v31 =	vmul.f32 v46, v31;
	v7 =	vmul.f32 v52, v7  }
0x3ab: {  	[tilespmem:s1+$0xFFFFFF20] =	vst v21;
	v17 =	vadd.f32 v17, v1;
	v12 =	vmul.f32 v52, v12;
	v6 =	vmul.f32 v52, v6  }
0x3ac: {  	[tilespmem:s1+$0xFFFFFF30] =	vst v22;
	v11 =	vadd.f32 v11, v10;
	v8 =	vmul.f32 v52, v8;
	v16 =	vmul.f32 v31, v16  }
0x3ad: {  	v13 =	vadd.f32 v13, v5;
	[tilespmem:s1+$0xFFFFFF50] =	vst v17;
	v18 =	vmul.f32 v31, v18;
	v57 =	vmul.f32 v7, v3  }
0x3ae: {  	v14 =	vadd.f32 v14, v4;
	[tilespmem:s1+$0xFFFFFF70] =	vst v11;
	v19 =	vmul.f32 v31, v19;
	v59 =	vmul.f32 v12, v0  }
0x3af: {  	[tilespmem:s1+$0xFFFFFF80] =	vst v13;
	v60 =	vmul.f32 v6, v2;
	v16 =	vmul.f32 v16, v3;
	v3 =	vadd.f32 v57, v4  }
0x3b0: {  	[tilespmem:s1+$0xFFFFFF60] =	vst v14;
	v61 =	vmul.f32 v8, v9;
	v55 =	vmul.f32 v19, v0;
	v0 =	vadd.f32 v59, v1  }
0x3b1: {  	v15 =	vmul.f32 v31, v15;
	v62 =	vadd.f32 v60, v5;
	[tilespmem:s1+$0xFFFFFFE0] =	vst v3  }
0x3b2: {  	v18 =	vmul.f32 v18, v9;
	v63 =	vadd.f32 v61, v10;
	[tilespmem:s1+$0xFFFFFFD0] =	vst v0  }
0x3b3: {  	s29 =	sadd.s32 $0x1, s29;
	v15 =	vmul.f32 v15, v2;
	v53 =	vadd.f32 v16, v4;
	[tilespmem:s1+$0x0] =	vst v62  }
0x3b4: {  	p0 =	sne.s32 s29, $0x19;
	v54 =	vadd.f32 v18, v10;
	[tilespmem:s1+$0xFFFFFFF0] =	vst v63  }
.Ltmp4:
0x3b5: {  	s31 =	sadd.s32 s6, s30;
	v56 =	vadd.f32 v15, v5;
	[tilespmem:s1+$0xFFFFFFA0] =	vst v53;
	(pc) =	sbr.rel @p0 .LBB2_2-.Ltmp4, $4  }
0x3b6: {  	s0 =	sshll.u32 s31, $0xB;
	v58 =	vadd.f32 v55, v1;
	[tilespmem:s1+$0xFFFFFFB0] =	vst v54  }
0x3b7: {  	s0 =	sand.u32 $0x1FFFF800, s0;
	[tilespmem:s1+$0xFFFFFFC0] =	vst v56  }
0x3b8: {  	s0 =	sadd.s32 s4, s0;
	[tilespmem:s1+$0xFFFFFF90] =	vst v58  }
0x3b9: {  	[hbm4b:s0+s5] =	stream.linear.scatter [tilespmem:s19], [sflag:$0x8], $0x4000, $0x38;
	[tilespmem:$0x16480] =	vst v63  }
0x3ba: {  	_ =	swait.ge [sflag:s23], $0x4000  }
0x3bb: {  	[sflag:s23] =	ssyncset.done $0x0  }
0x3bc: {  	[sflag:s23] =	ssyncadd.s32 $0xFFFFC000  }
0x3bd: {  	_ =	swait.ge [sflag:s24], $0x4000  }
0x3be: {  	[sflag:s24] =	ssyncset.done $0x0  }
0x3bf: {  	s28 =	sadd.s32 $0x1, s28;
	[sflag:s24] =	ssyncadd.s32 $0xFFFFC000  }
0x3c0: {  	p0 =	sne.s32 s28, s10;
	_ =	swait.ge [sflag:s25], $0x4000  }
.Ltmp5:
0x3c1: {  	[sflag:s25] =	ssyncset.done $0x0;
	(pc) =	sbr.rel @p0 .LBB2_1-.Ltmp5, $4  }
0x3c2: {  	[sflag:s25] =	ssyncadd.s32 $0xFFFFC000  }
0x3c3: {  	_ =	swait.ge [sflag:s26], $0x4000  }
0x3c4: {  	[sflag:s26] =	ssyncset.done $0x0  }
0x3c5: {  	[sflag:s26] =	ssyncadd.s32 $0xFFFFC000  }
0x3c6: {  	_ =	sfence.sel $0x180000  }
0x3c7: {  	[bflag:$0x0] =	sbarrier.arrive $0xFFFF  }
0x3c8: {  	_ =	strace $0x90000047  }
0x3c9: {  	s0 =	stileid.u32;
	[bflag:$0x2] =	sbarrier.arrive $0xFFFF  }
0x3ca: {  	p0 =	sne.s32 s0, $0x0;
	s0 =	rddreg [dreg:$0x4]  }
0x3cb: {  	s0 =	sadd.s32 @!p0 $0x100000, s0  }
0x3cc: {  	[sflag:s0] =	ssyncadd.tile.s32 @!p0 $0x1;
	_ =	shalt  }
.Lfunc_end2:
_tile_overlayer_lowered:
.L_overlay_start_2:
0x3cd: {  	(tag) =	ssettag $0x2  }
0x3ce: {  	s0 =	rddreg [dreg:$0x0];
	s2 =	stileid.u32  }
0x3cf: {  	s1 =	rddreg [dreg:$0x1];
	p0 =	sne.s32 s2, $0x0  }
0x3d0: {  	s3 =	rddreg [dreg:$0x2];
	[bflag:$0x3] =	sbarrier.arrive $0xFFFF;
	s2 =	simm.s32 @!p0 $0x1C09  }
0x3d1: {  	[timem:s3], [sflag:s2] =	dma.local @!p0 [hbm:s0], s1  }
0x3d2: {  	s0 =	simm.s32 @!p0 $0x9  }
0x3d3: {  	_ =	swait.ge @!p0 [sflag:s0], s1  }
0x3d4: {  	s1 =	ssub.s32 @!p0 $0x0, s1;
	[sflag:s0] =	ssyncset.done @!p0 $0x0  }
0x3d5: {  	[sflag:s0] =	ssyncadd.s32 @!p0 s1  }
0x3d6: {  	[bflag:$0x3] =	sbarrier.arrive $0xFFFF  }
0x3d7: {  	_ =	shalt  }

// kernel: sparse-core-data-format-call.cloned.1.call-start
scs
called_computation_lowered:
.L_overlay_start_0:
0x0: {  	s2 =	sld [smem:$0x3FD9]  }
0x1: {  	s3 =	sld [smem:$0x3FFE];
	_ =	sdelay $0x1  }
0x2: {  	s1 =	srdreg.scid  }
0x3: {  	s0 =	sand.u32 $0x1, s1  }
0x4: {  	s18 =	sshll.u32 s0, $0xA;
	s2 =	sadd.s32 s3, s2  }
0x5: {  	s2 =	sadd.s32 s2, s18  }
0x6: {  	[smem:$0x3FC4] =	sst s2  }
0x7: {  	_ = 	snop  }
0x8: {  	s2 =	sld [smem:$0x3FD0];
	(tm) =	ssettm $0x1  }
0x9: {  	s19 =	sld [smem:$0x3FFB];
	_ =	sdelay $0x3  }
0xa: {  	_ =	strace s19  }
0xb: {  	s3 =	sld [smem:$0x3FFC];
	_ =	sdelay $0x3  }
0xc: {  	_ =	strace s3  }
0xd: {  	s3 =	sld [smem:$0x3FFD];
	_ =	sdelay $0x3  }
0xe: {  	_ =	strace s3  }
0xf: {  	_ =	strace $0x8FFFFFFF  }
0x10: {  	s20 =	sld [smem:$0x3FDB];
	_ =	sdelay $0x1  }
0x11: {  	s4 =	simm.s32 $_scs_section_size  }
0x12: {  	s5 =	simm.s32 $_size__tile_overlayer_lowered;
	s6 =	simm.s32 $_tile_overlayer_lowered  }
0x13: {  	s23 =	simm.s32 $0x1BFF;
	s22 =	sshll.u32 s6, $0x1;
	s3 =	sadd.s32 s4, s20  }
0x14: {  	s7 =	simm.s32 $0x0;
	s21 =	sshll.u32 s5, $0x1;
	s5 =	sadd.s32 s22, s3  }
0x15: {  	[timem:s7], [sflag:s23] =	dma.local [hbm:s5], s21  }
0x16: {  	_ =	swait.ge [sflag:s23], s21  }
0x17: {  	s4 =	ssub.s32 $0x0, s21;
	[sflag:s23] =	ssyncset.done $0x0  }
0x18: {  	[sflag:s23] =	ssyncadd.s32 s4;
	_ =	sdelay $0x1  }
0x19: {  	s24 =	simm.s32 $0x1B8B  }
0x1a: {  	_ =	swait.ge [sflag:s24], $0x1  }
0x1b: {  	[sflag:s24] =	ssyncset.done $0x0  }
0x1c: {  	s26 =	simm.s32 $0x1B8E;
	s25 =	sld [smem:$0x3FFE];
	[sflag:s24] =	ssyncadd.s32 $0xFFFFFFFF  }
0x1d: {  	s27 =	simm.s32 $execute0_lowered;
	[smem:$0x3FD2] =	sst s26  }
0x1e: {  	s5 =	sshll.u32 s27, $0x1;
	_ =	strace $0x80000049;
	[dreg:$0x1] =	wrdreg $0xFFFFFFFF  }
0x1f: {  	s28 =	simm.s32 $_size_execute0_lowered;
	s3 =	sadd.s32 s3, s5;
	[dreg:$0x0] =	wrdreg $0x0  }
0x20: {  	s5 =	sshll.u32 s28, $0x1;
	[dreg:$0x2] =	wrdreg s3  }
0x21: {  	[dreg:$0x3] =	wrdreg s5  }
0x22: {  	[dreg:$0x4] =	wrdreg $0xC0  }
0x23: {  	_ =	task [dreg:s7], $0x5FFFF  }
0x24: {  	[dreg:$0x1] =	wrdreg $0xFFFFFFFF  }
0x25: {  	[dreg:$0x0] =	wrdreg $0x60  }
0x26: {  	[dreg:$0x2] =	wrdreg s25  }
0x27: {  	[dreg:$0x3] =	wrdreg s2  }
0x28: {  	[dreg:$0x4] =	wrdreg $0x9  }
0x29: {  	_ =	task.clear_ibuf [dreg:s7], $0x5FFFF;
	_ =	strace $0x90000049  }
0x2a: {  	s29 =	simm.s32 $0x9;
	_ =	strace $0x8000004B  }
0x2b: {  	_ =	swait.ge [sflag:s29], $0x1  }
0x2c: {  	[sflag:s29] =	ssyncadd.s32 $0xFFFFFFFF  }
0x2d: {  	_ =	strace $0x9000004B  }
0x2e: {  	_ =	sfence  }
0x2f: {  	s30 =	sld [smem:$0x0];
	_ =	sdelay $0x2  }
0x30: {  	s31 =	sshll.u32 s1, $0xD;
	s1 =	sshrl.u32 s1, $0x2  }
0x31: {  	s3 =	sand.u32 $0x4000, s31;
	s1 =	sadd.s32 s1, s30  }
0x32: {  	s0 =	sor.u32 s3, s0;
	s1 =	sshll.u32 s1, $0x11  }
0x33: {  	s0 =	sor.u32 s1, s0  }
0x34: {  	s0 =	sadd.s32 $0x8F2B, s0  }
0x35: {  	[sflag:s0] =	ssyncadd.remote.s32 $0x1  }
0x36: {  	_ =	sfence.sel $0xFFFF  }
0x37: {  	[dreg:$0x0] =	wrdreg $0xFFFFFFFF;
	(pc) =	sbr.abs _section_cstart, $3  }
0x38: {  	[dreg:$0x1] =	wrdreg $0xFFFFFFFF  }
0x39: {  	_ =	task.clear_ibuf [dreg:s7], $0x2FFFF;
	_ =	strace $0x9FFFFFFF  }
0x3a: {  	(tm) =	ssettm $0x7FFFFFFF  }
0x3b: {  	_ =	shalt  }
tec
execute0_lowered:
.L_overlay_start_1:
0x0: {  	(tag) =	ssettag $0x1  }
0x1: {  	s0 =	srdreg.scid  }
0x2: {  	s1 =	sshll.u32 s0, $0x4  }
0x3: {  	s0 =	stileid.u32;
	s1 =	sand.u32 $0x10, s1  }
0x4: {  	s1 =	sor.u32 s0, s1  }
0x5: {  	s6 =	rddreg [dreg:$0x0];
	s4 =	simm.s32 $0x1;
	s2 =	sshll.u32 s1, $0x7  }
0x6: {  	s7 =	simm.s32 $0x2;
	s12 =	simm.s32 $0x0;
	s1 =	ssub.s32 $0x4000, s2  }
0x7: {  	s8 =	simm.s32 $0x20000;
	s13 =	simm.s32 $0x0;
	s3 =	sand.u32 $0xF80, s1  }
0x8: {  	s9 =	simm.s32 $0x0;
	s5 =	sshrl.u32 s1, $0xC;
	p0 =	sne.s32 s3, $0x0  }
.Ltmp0:
0x9: {  	s1 =	rddreg [dreg:$0x2];
	s4 =	simm.s32 @!p0 $0x0;
	(pc) =	sbr.rel .LBB1_1-.Ltmp0, $4  }
0xa: {  	s11 =	simm.s32 $0x0;
	s3 =	rddreg [dreg:$0x1];
	s5 =	sadd.s32 s4, s5  }
0xb: {  	_ =	strace $0x8000004A;
	s4 =	simm.s32 $0x1;
	s5 =	smul.u32 $0x32, s5  }
0xc: {  	s6 =	sadd.s32 $0xA00, s6;
	s10 =	smov.u32 s2;
	[sflag:s4] =	ssyncpa.u1 $0x0  }
0xd: {  	p0 =	por $0x0, $0x0;
	[sflag:s7] =	ssyncpa.u1 $0x0;
	s7 =	sor.u32 $0x1, s5  }
.LBB1_4:
0xe: {  	s16 =	sshll.u32 s13, $0x3;
	s17 =	sand.u32 $0x78, s13  }
0xf: {  	s30 =	sand.u32 $0x1F800, s13;
	s12 =	sshll.u32 s12, $0x11;
	s16 =	sand.u32 $0x3C00, s16  }
0x10: {  	[tilespmem:s15+$0x810 ss:$0x81] =	vst.msk $0xffff, v2;
	s31 =	sand.u32 $0x7, s13;
	s16 =	sor.u32 s17, s16;
	s17 =	sadd.s32 s3, s30  }
0x11: {  	[tilespmem:s15+$0x1020 ss:$0x81] =	vst.msk $0xffff, v0;
	s13 =	sshll.u32 s31, $0x12;
	s12 =	sadd.s32 s12, s17;
	s16 =	sshrl.u32 s16, $0x3  }
0x12: {  	[tilespmem:s15+$0x0 ss:$0x81] =	vst.msk $0xffff, v1;
	s13 =	sor.u32 $0x400, s13;
	s12 =	sadd.s32 s16, s12  }
0x13: {  	[hbm4b:s12+s13] =	stream.strided.scatter [tilespmem:s14], [sflag:$0x2], $0x2000, s8, s13, $0x20;
	[tilespmem:$0x8080] =	vst v63  }
.LBB1_5:
0x14: {  	s14 =	sadd.s32 $0x1, s9  }
0x15: {  	s12 =	sadd.s32 $0x1000, s10;
	s16 =	smov.u32 s10;
	p2 =	sgt.s32 s14, $0x31  }
0x16: {  	s16 =	smov.u32 @p2 s12  }
0x17: {  	s14 =	simm.s32 @p2 $0x0;
	p2 =	sgt.s32 s16, $0x3FFF  }
0x18: {  	s16 =	smov.u32 @p2 s2;
	p2 =	sne.s32 s11, s7  }
.Ltmp1:
0x19: {  	p1 =	slt.u32 s11, $0x2;
	(pc) =	sbr.rel @!p2 .LBB1_6-.Ltmp1, $4  }
0x1a: {  	s15 =	simm.s32 @!p1 $0x2  }
0x1b: {  	s13 =	smov.u32 s10;
	p0 =	por !p0, !p0;
	_ =	swait.ge @!p1 [sflag:s15], $0x2000  }
0x1c: {  	s12 =	smov.u32 s9;
	[sflag:s15] =	ssyncset.done @!p1 $0x0;
	s9 =	smov.u32 s14  }
0x1d: {  	s11 =	sadd.s32 $0x1, s11;
	[sflag:s15] =	ssyncadd.s32 @!p1 $0xFFFFE000;
	s10 =	smov.u32 s16  }
.LBB1_1:
0x1e: {  	p1 =	sge.u32 s11, s5  }
0x1f: {  	s14 =	sand.u32 @!p1 $0x1FFFFFF, s9  }
0x20: {  	s15 =	smulhi.u32 @!p1 $0x4924925, s14;
	_ =	sdelay $0x1  }
0x21: {  	s15 =	smul.u32 @!p1 $0x38, s15  }
0x22: {  	s16 =	sxor.u32 @!p1 $0xFFFFFFFF, s11;
	s17 =	smul.u32 @!p1 $0x380, s10  }
0x23: {  	s31 =	sadd.s32 $0xFFFFFFFF, s11;
	s16 =	sshll.u32 @!p1 s16, $0xD;
	s14 =	ssub.s32 @!p1 s14, s15  }
0x24: {  	s15 =	sand.u32 @!p1 $0x2000, s16;
	s16 =	sadd.s32 @!p1 s6, s17;
	s14 =	sshll.u32 @!p1 s14, $0x4  }
0x25: {  	s17 =	simm.s32 @!p1 $0x1C00;
	s14 =	sadd.s32 @!p1 s14, s16;
	s16 =	simm.s32 @!p1 $0x40  }
0x26: {  	[tilespmem:s15], [sflag:$0x1] =	stream.strided.gather @!p1 [hbm4b:s14+s16], $0x2000, s17, s16, $0x38;
	[tilespmem:$0x8080] =	vst v63  }
0x27: {  	p1 =	sge.u32 s31, s5  }
.Ltmp2:
0x28: {  	_ = 	snop;
	(pc) =	sbr.rel @p1 .LBB1_5-.Ltmp2, $1  }
0x29: {  	_ =	sdelay $0x3  }
0x2a: {  	s14 =	simm.s32 $0x1  }
0x2b: {  	_ =	swait.ge [sflag:s4], $0x2000;
	s14 =	simm.s32 @!p0 $0x0  }
0x2c: {  	[sflag:s4] =	ssyncset.done $0x0;
	s15 =	sshll.u32 s14, $0xD  }
0x2d: {  	[sflag:s4] =	ssyncadd.s32 $0xFFFFE000;
	s18 =	sor.u32 $0x20, s15  }
0x2e: {  	s14 =	smul.u32 $0x8100, s14;
	v3 =	vld [tilespmem:s18+$0x10]  }
0x2f: {  	s30 =	sand.u32 $0x1, s11;
	v2 =	vld [tilespmem:s18+$0xFFFFFFF0]  }
0x30: {  	s15 =	smul.u32 $0x8100, s30;
	s14 =	sshrl.u32 s14, $0x2;
	v0 =	vld [tilespmem:s18+$0x0]  }
0x31: {  	v1 =	vld [tilespmem:s18+$0xFFFFFFE0];
	s16 =	sor.u32 $0x4000, s14  }
0x32: {  	s31 =	sshrl.u32 s15, $0x2;
	s15 =	sadd.s32 $0x0, s16  }
0x33: {  	s17 =	simm.s32 $0x4;
	s18 =	sadd.s32 $0x40, s18;
	s14 =	sor.u32 $0x4000, s31;
	[tilespmem:s15+$0x1830 ss:$0x81] =	vst.msk $0xffff, v3  }
.LBB1_3:
0x34: {  	v3 =	vld [tilespmem:s18+$0x10];
	p1 =	sne.s32 s17, $0x1FC;
	[tilespmem:s15+$0x810 ss:$0x81] =	vst.msk $0xffff, v2;
	s19 =	smov.u32 s17;
	s17 =	sadd.s32 $0x4, s17  }
.Ltmp3:
0x35: {  	v2 =	vld [tilespmem:s18+$0xFFFFFFF0];
	[tilespmem:s15+$0x1020 ss:$0x81] =	vst.msk $0xffff, v0;
	(pc) =	sbr.rel @p1 .LBB1_3-.Ltmp3, $4  }
0x36: {  	v0 =	vld [tilespmem:s18+$0x0];
	[tilespmem:s15+$0x0 ss:$0x81] =	vst.msk $0xffff, v1  }
0x37: {  	s15 =	sshra.s32 s19, $0x2;
	v1 =	vld [tilespmem:s18+$0xFFFFFFE0]  }
0x38: {  	s15 =	sadd.s32 s15, s16  }
0x39: {  	s18 =	sadd.s32 $0x40, s18;
	[tilespmem:s15+$0x1830 ss:$0x81] =	vst.msk $0xffff, v3  }
.Ltmp4:
0x3a: {  	_ = 	snop;
	(pc) =	sbr.rel .LBB1_4-.Ltmp4, $1  }
0x3b: {  	_ =	sdelay $0x3  }
.LBB1_6:
0x3c: {  	_ =	sfence.sel $0x180000  }
0x3d: {  	s2 =	simm.s32 $0x1;
	[bflag:$0x0] =	sbarrier.arrive $0xFFFF  }
0x3e: {  	s31 =	simm.s32 $0x2;
	[sflag:s2] =	ssyncpa.u1 $0x1  }
0x3f: {  	[sflag:s31] =	ssyncpa.u1 $0x1  }
0x40: {  	p0 =	sne.s32 s0, $0x0;
	_ =	strace $0x9000004A  }
0x41: {  	s0 =	sadd.s32 @!p0 $0x100000, s1;
	[bflag:$0x2] =	sbarrier.arrive $0xFFFF  }
0x42: {  	[sflag:s0] =	ssyncadd.tile.s32 @!p0 $0x1;
	_ =	shalt  }
.Lfunc_end1:
_tile_overlayer_lowered:
.L_overlay_start_2:
0x43: {  	(tag) =	ssettag $0x2  }
0x44: {  	s0 =	rddreg [dreg:$0x0];
	s2 =	stileid.u32  }
0x45: {  	s1 =	rddreg [dreg:$0x1];
	p0 =	sne.s32 s2, $0x0  }
0x46: {  	s3 =	rddreg [dreg:$0x2];
	[bflag:$0x3] =	sbarrier.arrive $0xFFFF;
	s2 =	simm.s32 @!p0 $0x1C01  }
0x47: {  	[timem:s3], [sflag:s2] =	dma.local @!p0 [hbm:s0], s1  }
0x48: {  	s0 =	simm.s32 @!p0 $0x1  }
0x49: {  	_ =	swait.ge @!p0 [sflag:s0], s1  }
0x4a: {  	s1 =	ssub.s32 @!p0 $0x0, s1;
	[sflag:s0] =	ssyncset.done @!p0 $0x0  }
0x4b: {  	[sflag:s0] =	ssyncadd.s32 @!p0 s1  }
0x4c: {  	[bflag:$0x3] =	sbarrier.arrive $0xFFFF  }
0x4d: {  	_ =	shalt  }

</sc_bundles>
